<compile_context>
chip_gen: v7x
topology: tpu7x:2x2x1
jax: 0.10.2.dev20260603
libtpu: 0.0.44.dev20260713+nightly
codegen_flags: <defaults>
</compile_context>

<pallas_src>
import jax
import jax.numpy as jnp
from jax import lax
from jax.experimental import pallas as pl
from jax.experimental.pallas import tpu as pltpu
from jax.experimental.pallas import tpu_sc as plsc

N = 10000
E = 320000
D = 128
NC = 2
NS = 16
NW = NC * NS
CHUNK = 120
EPT = E // NW
PH = 28
CPP = 3
NCH = PH * CPP
EPT_PAD = NCH * CHUNK
DCHUNK = 128
DNCH = 80
YPAD = N + 48
DEGPAD = 10112
DRPT = DEGPAD // NS
EPS = 1e-5

_MESH = plsc.VectorSubcoreMesh(core_axis_name="c", subcore_axis_name="s")


def _acc_slab(s):
    return s * 624, jnp.where(s < 15, 624, 640)


def _deg_body(dst_hbm, deg_out0, deg_out1, idx_v, ones_v, tmp_v, deg_sh):
    c = lax.axis_index("c")
    s = lax.axis_index("s")
    wid = s * NC + c
    base = s * DRPT
    pltpu.sync_copy(dst_hbm.at[wid], idx_v)
    for i in range(DCHUNK // 16):
        ones_v[pl.ds(i * 16, 16)] = jnp.ones((16,), jnp.float32)

    def zbody(i, carry):
        tmp_v[pl.ds(i * 16, 16)] = jnp.zeros((16,), jnp.float32)
        return carry

    lax.fori_loop(0, DRPT // 16 + 1, zbody, 0)
    pltpu.sync_copy(tmp_v.at[pl.ds(0, DRPT)], deg_sh.at[pl.ds(base, DRPT)])
    plsc.subcore_barrier()

    def body(j, carry):
        pltpu.sync_copy(ones_v, deg_sh.at[idx_v.at[j]], add=True)
        return carry

    lax.fori_loop(0, DNCH, body, 0)
    plsc.subcore_barrier()
    pltpu.sync_copy(deg_sh.at[pl.ds(base, DRPT)], tmp_v.at[pl.ds(0, DRPT)])

    @pl.when(c == 0)
    def _():
        pltpu.sync_copy(tmp_v.at[pl.ds(0, DRPT)], deg_out0.at[pl.ds(base, DRPT)])

    @pl.when(c != 0)
    def _():
        pltpu.sync_copy(tmp_v.at[pl.ds(0, DRPT)], deg_out1.at[pl.ds(base, DRPT)])


def _deg_partials(dst_deg):
    return pl.kernel(
        _deg_body,
        out_type=(jax.ShapeDtypeStruct((DEGPAD,), jnp.float32),
                  jax.ShapeDtypeStruct((DEGPAD,), jnp.float32)),
        mesh=_MESH,
        scratch_types=[
            pltpu.VMEM((DNCH, DCHUNK), jnp.int32),
            pltpu.VMEM((DCHUNK,), jnp.float32),
            pltpu.VMEM((DRPT + 8,), jnp.float32),
            pltpu.VMEM_SHARED((DEGPAD,), jnp.float32),
        ],
    )(dst_deg)


def _scatter_body(y_hbm, src_hbm, dst_hbm, out_hbm,
                  src_r, dst_r, rows0, rows1, rows2, acc_sh, g0, g1, g2, stg):
    rows = (rows0, rows1, rows2)
    gsems = (g0, g1, g2)
    c = lax.axis_index("c")
    s = lax.axis_index("s")
    wid = s * NC + c
    base = s * 624

    pltpu.sync_copy(src_hbm.at[wid, 0], src_r.at[0])
    pltpu.sync_copy(dst_hbm.at[wid, 0], dst_r.at[0])
    pltpu.async_copy(y_hbm.at[src_r.at[0, 0]], rows0, g0)
    pltpu.async_copy(y_hbm.at[src_r.at[0, 1]], rows1, g1)

    @pl.when(c == 0)
    def _():
        @pl.when(s < 15)
        def _():
            pltpu.sync_copy(y_hbm.at[pl.ds(base, 624)],
                            acc_sh.at[pl.ds(base, 624)])

        @pl.when(s == 15)
        def _():
            pltpu.sync_copy(y_hbm.at[pl.ds(9360, 640)],
                            acc_sh.at[pl.ds(9360, 640)])

    @pl.when(c != 0)
    def _():
        def zb(k, carry):
            rows2[k // 8, pl.ds((k % 8) * 16, 16)] = jnp.zeros((16,),
                                                              jnp.float32)
            return carry

        lax.fori_loop(0, CHUNK * 8, zb, 0)
        for r in range(5):
            pltpu.sync_copy(rows2.at[pl.ds(0, 120)],
                            acc_sh.at[pl.ds(base + r * 120, 120)])

        @pl.when(s < 15)
        def _():
            pltpu.sync_copy(rows2.at[pl.ds(0, 24)],
                            acc_sh.at[pl.ds(base + 600, 24)])

        @pl.when(s == 15)
        def _():
            pltpu.sync_copy(rows2.at[pl.ds(0, 40)],
                            acc_sh.at[pl.ds(base + 600, 40)])

    plsc.subcore_barrier()

    def phase(p, carry):
        slot = p % 2
        nslot = (p + 1) % 2

        @pl.when(p < PH - 1)
        def _():
            pltpu.async_copy(src_hbm.at[wid, p + 1], src_r.at[nslot], stg)
            pltpu.async_copy(dst_hbm.at[wid, p + 1], dst_r.at[nslot], stg)

        pltpu.make_async_copy(y_hbm.at[src_r.at[slot, 0]], rows0, g0).wait()
        pltpu.async_copy(y_hbm.at[src_r.at[slot, 2]], rows2, g2)
        pltpu.sync_copy(rows0, acc_sh.at[dst_r.at[slot, 0]], add=True)

        @pl.when(p < PH - 1)
        def _():
            pltpu.make_async_copy(src_hbm.at[wid, 0], src_r.at[nslot],
                                  stg).wait()
            pltpu.make_async_copy(dst_hbm.at[wid, 0], dst_r.at[nslot],
                                  stg).wait()
            pltpu.async_copy(y_hbm.at[src_r.at[nslot, 0]], rows0, g0)

        pltpu.make_async_copy(y_hbm.at[src_r.at[slot, 1]], rows1, g1).wait()
        pltpu.sync_copy(rows1, acc_sh.at[dst_r.at[slot, 1]], add=True)

        @pl.when(p < PH - 1)
        def _():
            pltpu.async_copy(y_hbm.at[src_r.at[nslot, 1]], rows1, g1)

        pltpu.make_async_copy(y_hbm.at[src_r.at[slot, 2]], rows2, g2).wait()
        pltpu.sync_copy(rows2, acc_sh.at[dst_r.at[slot, 2]], add=True)
        return carry

    lax.fori_loop(0, PH, phase, 0)
    plsc.subcore_barrier()

    @pl.when(s < 15)
    def _():
        pltpu.sync_copy(acc_sh.at[pl.ds(base, 624)],
                        out_hbm.at[c, pl.ds(base, 624)])

    @pl.when(s == 15)
    def _():
        pltpu.sync_copy(acc_sh.at[pl.ds(9360, 640)],
                        out_hbm.at[c, pl.ds(9360, 640)])


def _scatter_partials(y, src_t, dst_t):
    return pl.kernel(
        _scatter_body,
        out_type=jax.ShapeDtypeStruct((NC, N, D), jnp.float32),
        mesh=_MESH,
        scratch_types=[
            pltpu.VMEM((2, CPP, CHUNK), jnp.int32),
            pltpu.VMEM((2, CPP, CHUNK), jnp.int32),
            pltpu.VMEM((CHUNK, D), jnp.float32),
            pltpu.VMEM((CHUNK, D), jnp.float32),
            pltpu.VMEM((CHUNK, D), jnp.float32),
            pltpu.VMEM_SHARED((N, D), jnp.float32),
            pltpu.SemaphoreType.DMA,
            pltpu.SemaphoreType.DMA,
            pltpu.SemaphoreType.DMA,
            pltpu.SemaphoreType.DMA,
        ],
    )(y, src_t, dst_t)


def _prep_body(ei_ref, src_ref, dst_ref):
    src_ref[...] = ei_ref[0, :]
    dst_ref[...] = ei_ref[1, :]


def _prep(edge_index):
    return pl.pallas_call(
        _prep_body,
        out_shape=(jax.ShapeDtypeStruct((E,), jnp.int32),
                   jax.ShapeDtypeStruct((E,), jnp.int32)),
    )(edge_index)


def _tc1_body(degp0_ref, degp1_ref, x_ref, w_ref, dinv_ref, y_ref):
    deg = degp0_ref[...] + degp1_ref[...] + 1.0
    dinv = lax.rsqrt(deg)
    dinv_ref[...] = dinv
    xw = jnp.dot(x_ref[...], w_ref[...], preferred_element_type=jnp.float32)
    y_ref[pl.ds(0, N), :] = xw * dinv[:N][:, None]
    y_ref[pl.ds(N, YPAD - N), :] = jnp.zeros((YPAD - N, D), jnp.float32)


def _tc1(deg_p0, deg_p1, x, W1):
    return pl.pallas_call(
        _tc1_body,
        out_shape=(jax.ShapeDtypeStruct((DEGPAD,), jnp.float32),
                   jax.ShapeDtypeStruct((YPAD, D), jnp.float32)),
    )(deg_p0, deg_p1, x, W1)


def _tc2_body(p_ref, dinv_ref, b_ref, bnw_ref, bnb_ref, w2_ref, y2_ref):
    agg = p_ref[0] + p_ref[1]
    dv = dinv_ref[pl.ds(0, N)]
    pre = agg * dv[:, None] + b_ref[...]
    h = jnp.where(pre >= 0, pre, 0.2 * pre)
    mean = jnp.mean(h, axis=0)
    var = jnp.mean((h - mean) ** 2, axis=0)
    hn = (h - mean) * lax.rsqrt(var + EPS) * bnw_ref[...] + bnb_ref[...]
    y2 = jnp.dot(hn, w2_ref[...], preferred_element_type=jnp.float32)
    y2_ref[pl.ds(0, N), :] = y2 * dv[:, None]
    y2_ref[pl.ds(N, YPAD - N), :] = jnp.zeros((YPAD - N, D), jnp.float32)


def _tc2(parts, dinv, b1, bn_w, bn_b, W2):
    return pl.pallas_call(
        _tc2_body,
        out_shape=jax.ShapeDtypeStruct((YPAD, D), jnp.float32),
    )(parts, dinv, b1, bn_w, bn_b, W2)


def _tc3_body(p_ref, dinv_ref, b_ref, bnw_ref, bnb_ref, out_ref):
    agg = p_ref[0] + p_ref[1]
    pre = agg * dinv_ref[pl.ds(0, N)][:, None] + b_ref[...]
    h = jnp.where(pre >= 0, pre, 0.2 * pre)
    mean = jnp.mean(h, axis=0)
    var = jnp.mean((h - mean) ** 2, axis=0)
    out_ref[...] = (h - mean) * lax.rsqrt(var + EPS) * bnw_ref[...] + bnb_ref[...]


def _tc3(parts, dinv, b2, bn_w, bn_b):
    return pl.pallas_call(
        _tc3_body,
        out_shape=jax.ShapeDtypeStruct((N, D), jnp.float32),
    )(parts, dinv, b2, bn_w, bn_b)


def kernel(x, edge_index, W1, b1, bn1_w, bn1_b, W2, b2, bn2_w, bn2_b):
    src_lin, dst_lin = _prep(edge_index)
    src = src_lin.reshape(NW, EPT)
    dst = dst_lin.reshape(NW, EPT)
    npd = EPT_PAD - EPT
    pad_src = N + jnp.arange(npd, dtype=jnp.int32) % (YPAD - N)
    pad_dst = jnp.arange(npd, dtype=jnp.int32)

    def _tile(a, p, shape):
        full = jnp.concatenate([a, jnp.broadcast_to(p, (NW, p.shape[0]))],
                               axis=1)
        return full.reshape(shape)

    src_t = _tile(src, pad_src, (NW, PH, CPP, CHUNK))
    dst_t = _tile(dst, pad_dst, (NW, PH, CPP, CHUNK))
    npd_d = NW * DNCH * DCHUNK - E
    pad_deg = N + jnp.arange(npd_d, dtype=jnp.int32) % (DEGPAD - N)
    dst_deg = jnp.concatenate([dst_lin, pad_deg]).reshape(NW, DNCH, DCHUNK)

    deg_p0, deg_p1 = _deg_partials(dst_deg)
    dinv, y1 = _tc1(deg_p0, deg_p1, x, W1)
    p1 = _scatter_partials(y1, src_t, dst_t)
    y2 = _tc2(p1, dinv, b1, bn1_w, bn1_b, W2)
    p2 = _scatter_partials(y2, src_t, dst_t)
    return _tc3(p2, dinv, b2, bn2_w, bn2_b)

# --- scband reference (transcript-rebuilt; emitter-appended) ---
"""Pipeline reference for scband-shared-gnn-33225867002208 (READ-ONLY COPY).

The authoritative reference and input builder live on the scoring server;
editing this copy changes nothing except your own understanding.
"""

import jax, jax.numpy as jnp
import numpy as np

N = 10000
E = 320000
D = 128
H = 128


def setup_inputs(seed: int = 0) -> dict:
    key = jax.random.key(seed)
    ks = jax.random.split(key, 12)
    x = jax.random.normal(ks[0], (N, D), dtype=jnp.float32)
    edge_index = jax.random.randint(ks[1], (2, E), 0, N, dtype=jnp.int32)
    W1 = jax.random.normal(ks[2], (D, H), dtype=jnp.float32) * 0.05
    b1 = jnp.zeros((H,), dtype=jnp.float32)
    bn1_w = jnp.ones((H,), dtype=jnp.float32)
    bn1_b = jnp.zeros((H,), dtype=jnp.float32)
    W2 = jax.random.normal(ks[3], (H, H), dtype=jnp.float32) * 0.05
    b2 = jnp.zeros((H,), dtype=jnp.float32)
    bn2_w = jnp.ones((H,), dtype=jnp.float32)
    bn2_b = jnp.zeros((H,), dtype=jnp.float32)
    return {"x": x, "edge_index": edge_index, "W1": W1, "b1": b1,
            "bn1_w": bn1_w, "bn1_b": bn1_b, "W2": W2, "b2": b2,
            "bn2_w": bn2_w, "bn2_b": bn2_b}


def _gcn_layer(x, edge_index, W, b):
    n = x.shape[0]
    src = edge_index[0]
    dst = edge_index[1]
    loop = jnp.arange(n, dtype=src.dtype)
    src = jnp.concatenate([src, loop])
    dst = jnp.concatenate([dst, loop])
    # symmetric normalization with self-loops (GCNConv default)
    deg = jax.ops.segment_sum(jnp.ones(src.shape[0], dtype=x.dtype), dst, num_segments=n)
    dinv = jnp.where(deg > 0, jax.lax.rsqrt(deg), 0.0)
    norm = dinv[src] * dinv[dst]
    xw = x @ W
    msgs = jnp.take(xw, src, axis=0) * norm[:, None]
    out = jax.ops.segment_sum(msgs, dst, num_segments=n)
    return out + b


def _leaky_relu(x):
    return jnp.where(x >= 0, x, 0.2 * x)


def _batchnorm(x, w, b, eps=1e-5):
    mean = jnp.mean(x, axis=0)
    var = jnp.mean((x - mean) ** 2, axis=0)
    return (x - mean) * jax.lax.rsqrt(var + eps) * w + b


def reference(x, edge_index, W1, b1, bn1_w, bn1_b, W2, b2, bn2_w, bn2_b):
    h = _gcn_layer(x, edge_index, W1, b1)
    h = _leaky_relu(h)
    h = _batchnorm(h, bn1_w, bn1_b)
    h = _gcn_layer(h, edge_index, W2, b2)
    h = _leaky_relu(h)
    h = _batchnorm(h, bn2_w, bn2_b)
    return h

if __name__ == "__main__":
    import jax
    _d = setup_inputs()
    print(jax.jit(kernel)(*tuple(_d.values())))

</pallas_src>

<mosaic_0001>
#map = affine_map<(d0, d1) -> (0, 0)>
#map1 = affine_map<(d0, d1) -> (0, 0, 0, 0)>
#map2 = affine_map<(d0, d1) -> (0, 0, 0)>
module attributes {stable_mosaic.version = 14 : i64} {
  func.func @_scatter_body(%arg0: i32, %arg1: i32, %arg2: memref<10048x128xf32, #tpu.memory_space<hbm>>, %arg3: memref<32x28x3x120xi32, #tpu.memory_space<hbm>>, %arg4: memref<32x28x3x120xi32, #tpu.memory_space<hbm>>, %arg5: memref<2x10000x128xf32, #tpu.memory_space<hbm>>, %arg6: memref<2x3x120xi32, #tpu.memory_space<vmem>>, %arg7: memref<2x3x120xi32, #tpu.memory_space<vmem>>, %arg8: memref<120x128xf32, #tpu.memory_space<vmem>>, %arg9: memref<120x128xf32, #tpu.memory_space<vmem>>, %arg10: memref<120x128xf32, #tpu.memory_space<vmem>>, %arg11: memref<10000x128xf32, #tpu.memory_space<vmem_shared>>, %arg12: memref<!tpu.dma_semaphore, #tpu.memory_space<semaphore_mem>>, %arg13: memref<!tpu.dma_semaphore, #tpu.memory_space<semaphore_mem>>, %arg14: memref<!tpu.dma_semaphore, #tpu.memory_space<semaphore_mem>>, %arg15: memref<!tpu.dma_semaphore, #tpu.memory_space<semaphore_mem>>) attributes {dimension_semantics = [#tpu.dimension_semantics<core_parallel>, #tpu.dimension_semantics<subcore_parallel>], iteration_bounds = array<i64: 2, 16>, scalar_prefetch = 0 : i64, scratch_operands = 10 : i64, tpu.core_type = #tpu.core_type<sc_vector_subcore>, window_params = [{transform_indices = #map}, {transform_indices = #map1}, {transform_indices = #map1}, {transform_indices = #map2}]} {
    %mul3A = arith.constant 2 : i32
    %mul3A_0 = arith.muli %arg1, %mul3A : i32
    %add3A = arith.addi %mul3A_0, %arg0 : i32
    %mul3A_1 = arith.constant 624 : i32
    %mul3A_2 = arith.muli %arg1, %mul3A_1 : i32
    %run_scoped3A = arith.constant 0 : i32
    %run_scoped3A_3 = arith.constant 0 : i32
    "tpu.region"() ({
      %run_scoped3A_42 = tpu.sem_alloc : memref<!tpu.dma_semaphore, #tpu.memory_space<semaphore_mem>>
      %dma_start3A_43 = arith.constant 0 : i32
      %dma_start3A_44 = arith.constant 0 : i32
      %dma_start3A_45 = tpu.memref_slice %arg6[%run_scoped3A_3, %dma_start3A_43, %dma_start3A_44] : memref<2x3x120xi32, #tpu.memory_space<vmem>> -> memref<1x3x120xi32, #tpu.memory_space<vmem>>
      %dma_start3A_46 = tpu.memref_squeeze %dma_start3A_45 : memref<1x3x120xi32, #tpu.memory_space<vmem>> -> memref<3x120xi32, #tpu.memory_space<vmem>>
      %dma_start3A_47 = arith.constant 0 : i32
      %dma_start3A_48 = arith.constant 0 : i32
      %dma_start3A_49 = tpu.memref_slice %arg3[%add3A, %run_scoped3A, %dma_start3A_47, %dma_start3A_48] : memref<32x28x3x120xi32, #tpu.memory_space<hbm>> -> memref<1x1x3x120xi32, #tpu.memory_space<hbm>>
      %dma_start3A_50 = tpu.memref_squeeze %dma_start3A_49 : memref<1x1x3x120xi32, #tpu.memory_space<hbm>> -> memref<3x120xi32, #tpu.memory_space<hbm>>
      %dma_start3A_51 = arith.constant 0 : i32
      %dma_start3A_52 = arith.constant 0 : i32
      %dma_start3A_53 = tpu.memref_slice %arg6[%run_scoped3A_3, %dma_start3A_51, %dma_start3A_52] : memref<2x3x120xi32, #tpu.memory_space<vmem>> -> memref<1x3x120xi32, #tpu.memory_space<vmem>>
      %dma_start3A_54 = tpu.memref_squeeze %dma_start3A_53 : memref<1x3x120xi32, #tpu.memory_space<vmem>> -> memref<3x120xi32, #tpu.memory_space<vmem>>
      %dma_start3A_55 = arith.constant 0 : i32
      %dma_start3A_56 = arith.constant 0 : i32
      %dma_start3A_57 = tpu.memref_slice %arg3[%add3A, %run_scoped3A, %dma_start3A_55, %dma_start3A_56] : memref<32x28x3x120xi32, #tpu.memory_space<hbm>> -> memref<1x1x3x120xi32, #tpu.memory_space<hbm>>
      %dma_start3A_58 = tpu.memref_squeeze %dma_start3A_57 : memref<1x1x3x120xi32, #tpu.memory_space<hbm>> -> memref<3x120xi32, #tpu.memory_space<hbm>>
      tpu.enqueue_dma source(%dma_start3A_58 : memref<3x120xi32, #tpu.memory_space<hbm>>) target(%dma_start3A_54 : memref<3x120xi32, #tpu.memory_space<vmem>>) target_semaphore(%run_scoped3A_42 : memref<!tpu.dma_semaphore, #tpu.memory_space<semaphore_mem>>)
      %dma_wait3A = arith.constant 0 : i32
      %dma_wait3A_59 = arith.constant 0 : i32
      %dma_wait3A_60 = tpu.memref_slice %arg6[%run_scoped3A_3, %dma_wait3A, %dma_wait3A_59] : memref<2x3x120xi32, #tpu.memory_space<vmem>> -> memref<1x3x120xi32, #tpu.memory_space<vmem>>
      %dma_wait3A_61 = tpu.memref_squeeze %dma_wait3A_60 : memref<1x3x120xi32, #tpu.memory_space<vmem>> -> memref<3x120xi32, #tpu.memory_space<vmem>>
      %dma_wait3A_62 = arith.constant 0 : i32
      %dma_wait3A_63 = arith.constant 0 : i32
      %dma_wait3A_64 = tpu.memref_slice %arg3[%add3A, %run_scoped3A, %dma_wait3A_62, %dma_wait3A_63] : memref<32x28x3x120xi32, #tpu.memory_space<hbm>> -> memref<1x1x3x120xi32, #tpu.memory_space<hbm>>
      %dma_wait3A_65 = tpu.memref_squeeze %dma_wait3A_64 : memref<1x1x3x120xi32, #tpu.memory_space<hbm>> -> memref<3x120xi32, #tpu.memory_space<hbm>>
      %dma_wait3A_66 = arith.constant 0 : i32
      %dma_wait3A_67 = arith.constant 0 : i32
      %dma_wait3A_68 = tpu.memref_slice %arg6[%run_scoped3A_3, %dma_wait3A_66, %dma_wait3A_67] : memref<2x3x120xi32, #tpu.memory_space<vmem>> -> memref<1x3x120xi32, #tpu.memory_space<vmem>>
      %dma_wait3A_69 = tpu.memref_squeeze %dma_wait3A_68 : memref<1x3x120xi32, #tpu.memory_space<vmem>> -> memref<3x120xi32, #tpu.memory_space<vmem>>
      %dma_wait3A_70 = arith.constant 0 : i32
      %dma_wait3A_71 = arith.constant 0 : i32
      %dma_wait3A_72 = tpu.memref_slice %arg3[%add3A, %run_scoped3A, %dma_wait3A_70, %dma_wait3A_71] : memref<32x28x3x120xi32, #tpu.memory_space<hbm>> -> memref<1x1x3x120xi32, #tpu.memory_space<hbm>>
      %dma_wait3A_73 = tpu.memref_squeeze %dma_wait3A_72 : memref<1x1x3x120xi32, #tpu.memory_space<hbm>> -> memref<3x120xi32, #tpu.memory_space<hbm>>
      tpu.wait_dma2 semaphore(%run_scoped3A_42 : memref<!tpu.dma_semaphore, #tpu.memory_space<semaphore_mem>>) src(%dma_wait3A_73 : memref<3x120xi32, #tpu.memory_space<hbm>>) dst(%dma_wait3A_69 : memref<3x120xi32, #tpu.memory_space<vmem>>)
      tpu.yield
    }) : () -> ()
    %run_scoped3A_4 = arith.constant 0 : i32
    %run_scoped3A_5 = arith.constant 0 : i32
    "tpu.region"() ({
      %run_scoped3A_42 = tpu.sem_alloc : memref<!tpu.dma_semaphore, #tpu.memory_space<semaphore_mem>>
      %dma_start3A_43 = arith.constant 0 : i32
      %dma_start3A_44 = arith.constant 0 : i32
      %dma_start3A_45 = tpu.memref_slice %arg7[%run_scoped3A_5, %dma_start3A_43, %dma_start3A_44] : memref<2x3x120xi32, #tpu.memory_space<vmem>> -> memref<1x3x120xi32, #tpu.memory_space<vmem>>
      %dma_start3A_46 = tpu.memref_squeeze %dma_start3A_45 : memref<1x3x120xi32, #tpu.memory_space<vmem>> -> memref<3x120xi32, #tpu.memory_space<vmem>>
      %dma_start3A_47 = arith.constant 0 : i32
      %dma_start3A_48 = arith.constant 0 : i32
      %dma_start3A_49 = tpu.memref_slice %arg4[%add3A, %run_scoped3A_4, %dma_start3A_47, %dma_start3A_48] : memref<32x28x3x120xi32, #tpu.memory_space<hbm>> -> memref<1x1x3x120xi32, #tpu.memory_space<hbm>>
      %dma_start3A_50 = tpu.memref_squeeze %dma_start3A_49 : memref<1x1x3x120xi32, #tpu.memory_space<hbm>> -> memref<3x120xi32, #tpu.memory_space<hbm>>
      %dma_start3A_51 = arith.constant 0 : i32
      %dma_start3A_52 = arith.constant 0 : i32
      %dma_start3A_53 = tpu.memref_slice %arg7[%run_scoped3A_5, %dma_start3A_51, %dma_start3A_52] : memref<2x3x120xi32, #tpu.memory_space<vmem>> -> memref<1x3x120xi32, #tpu.memory_space<vmem>>
      %dma_start3A_54 = tpu.memref_squeeze %dma_start3A_53 : memref<1x3x120xi32, #tpu.memory_space<vmem>> -> memref<3x120xi32, #tpu.memory_space<vmem>>
      %dma_start3A_55 = arith.constant 0 : i32
      %dma_start3A_56 = arith.constant 0 : i32
      %dma_start3A_57 = tpu.memref_slice %arg4[%add3A, %run_scoped3A_4, %dma_start3A_55, %dma_start3A_56] : memref<32x28x3x120xi32, #tpu.memory_space<hbm>> -> memref<1x1x3x120xi32, #tpu.memory_space<hbm>>
      %dma_start3A_58 = tpu.memref_squeeze %dma_start3A_57 : memref<1x1x3x120xi32, #tpu.memory_space<hbm>> -> memref<3x120xi32, #tpu.memory_space<hbm>>
      tpu.enqueue_dma source(%dma_start3A_58 : memref<3x120xi32, #tpu.memory_space<hbm>>) target(%dma_start3A_54 : memref<3x120xi32, #tpu.memory_space<vmem>>) target_semaphore(%run_scoped3A_42 : memref<!tpu.dma_semaphore, #tpu.memory_space<semaphore_mem>>)
      %dma_wait3A = arith.constant 0 : i32
      %dma_wait3A_59 = arith.constant 0 : i32
      %dma_wait3A_60 = tpu.memref_slice %arg7[%run_scoped3A_5, %dma_wait3A, %dma_wait3A_59] : memref<2x3x120xi32, #tpu.memory_space<vmem>> -> memref<1x3x120xi32, #tpu.memory_space<vmem>>
      %dma_wait3A_61 = tpu.memref_squeeze %dma_wait3A_60 : memref<1x3x120xi32, #tpu.memory_space<vmem>> -> memref<3x120xi32, #tpu.memory_space<vmem>>
      %dma_wait3A_62 = arith.constant 0 : i32
      %dma_wait3A_63 = arith.constant 0 : i32
      %dma_wait3A_64 = tpu.memref_slice %arg4[%add3A, %run_scoped3A_4, %dma_wait3A_62, %dma_wait3A_63] : memref<32x28x3x120xi32, #tpu.memory_space<hbm>> -> memref<1x1x3x120xi32, #tpu.memory_space<hbm>>
      %dma_wait3A_65 = tpu.memref_squeeze %dma_wait3A_64 : memref<1x1x3x120xi32, #tpu.memory_space<hbm>> -> memref<3x120xi32, #tpu.memory_space<hbm>>
      %dma_wait3A_66 = arith.constant 0 : i32
      %dma_wait3A_67 = arith.constant 0 : i32
      %dma_wait3A_68 = tpu.memref_slice %arg7[%run_scoped3A_5, %dma_wait3A_66, %dma_wait3A_67] : memref<2x3x120xi32, #tpu.memory_space<vmem>> -> memref<1x3x120xi32, #tpu.memory_space<vmem>>
      %dma_wait3A_69 = tpu.memref_squeeze %dma_wait3A_68 : memref<1x3x120xi32, #tpu.memory_space<vmem>> -> memref<3x120xi32, #tpu.memory_space<vmem>>
      %dma_wait3A_70 = arith.constant 0 : i32
      %dma_wait3A_71 = arith.constant 0 : i32
      %dma_wait3A_72 = tpu.memref_slice %arg4[%add3A, %run_scoped3A_4, %dma_wait3A_70, %dma_wait3A_71] : memref<32x28x3x120xi32, #tpu.memory_space<hbm>> -> memref<1x1x3x120xi32, #tpu.memory_space<hbm>>
      %dma_wait3A_73 = tpu.memref_squeeze %dma_wait3A_72 : memref<1x1x3x120xi32, #tpu.memory_space<hbm>> -> memref<3x120xi32, #tpu.memory_space<hbm>>
      tpu.wait_dma2 semaphore(%run_scoped3A_42 : memref<!tpu.dma_semaphore, #tpu.memory_space<semaphore_mem>>) src(%dma_wait3A_73 : memref<3x120xi32, #tpu.memory_space<hbm>>) dst(%dma_wait3A_69 : memref<3x120xi32, #tpu.memory_space<vmem>>)
      tpu.yield
    }) : () -> ()
    %dma_start3A = arith.constant 0 : i32
    %dma_start3A_6 = arith.constant 0 : i32
    %dma_start3A_7 = arith.constant 0 : i32
    %dma_start3A_8 = tpu.memref_slice %arg6[%dma_start3A, %dma_start3A_6, %dma_start3A_7] : memref<2x3x120xi32, #tpu.memory_space<vmem>> -> memref<1x1x120xi32, #tpu.memory_space<vmem>>
    %dma_start3A_9 = tpu.memref_squeeze %dma_start3A_8 : memref<1x1x120xi32, #tpu.memory_space<vmem>> -> memref<120xi32, #tpu.memory_space<vmem>>
    %dma_start3A_10 = arith.constant 0 : i32
    %dma_start3A_11 = arith.constant 0 : i32
    %dma_start3A_12 = tpu.memref_slice %arg2[%dma_start3A_10, %dma_start3A_11] : memref<10048x128xf32, #tpu.memory_space<hbm>> -> memref<10048x128xf32, #tpu.memory_space<hbm>>
    tpu.enqueue_indirect_dma source(%dma_start3A_12 : memref<10048x128xf32, #tpu.memory_space<hbm>>) target(%arg8 : memref<120x128xf32, #tpu.memory_space<vmem>>) offsets(%dma_start3A_9 : memref<120xi32, #tpu.memory_space<vmem>>) semaphore(%arg12 : memref<!tpu.dma_semaphore, #tpu.memory_space<semaphore_mem>>)
    %dma_start3A_13 = arith.constant 0 : i32
    %dma_start3A_14 = arith.constant 1 : i32
    %dma_start3A_15 = arith.constant 0 : i32
    %dma_start3A_16 = tpu.memref_slice %arg6[%dma_start3A_13, %dma_start3A_14, %dma_start3A_15] : memref<2x3x120xi32, #tpu.memory_space<vmem>> -> memref<1x1x120xi32, #tpu.memory_space<vmem>>
    %dma_start3A_17 = tpu.memref_squeeze %dma_start3A_16 : memref<1x1x120xi32, #tpu.memory_space<vmem>> -> memref<120xi32, #tpu.memory_space<vmem>>
    %dma_start3A_18 = arith.constant 0 : i32
    %dma_start3A_19 = arith.constant 0 : i32
    %dma_start3A_20 = tpu.memref_slice %arg2[%dma_start3A_18, %dma_start3A_19] : memref<10048x128xf32, #tpu.memory_space<hbm>> -> memref<10048x128xf32, #tpu.memory_space<hbm>>
    tpu.enqueue_indirect_dma source(%dma_start3A_20 : memref<10048x128xf32, #tpu.memory_space<hbm>>) target(%arg9 : memref<120x128xf32, #tpu.memory_space<vmem>>) offsets(%dma_start3A_17 : memref<120xi32, #tpu.memory_space<vmem>>) semaphore(%arg13 : memref<!tpu.dma_semaphore, #tpu.memory_space<semaphore_mem>>)
    %eq3A = arith.constant 0 : i32
    %eq3A_21 = arith.cmpi eq, %arg0, %eq3A : i32
    %convert_element_type3A = arith.extui %eq3A_21 : i1 to i32
    %cond3A = arith.constant 0 : i32
    %cond3A_22 = arith.cmpi ne, %convert_element_type3A, %cond3A : i32
    scf.if %cond3A_22 {
      %lt3A_42 = arith.constant 15 : i32
      %lt3A_43 = arith.cmpi slt, %arg1, %lt3A_42 : i32
      %convert_element_type3A_44 = arith.extui %lt3A_43 : i1 to i32
      %cond3A_45 = arith.constant 0 : i32
      %cond3A_46 = arith.cmpi ne, %convert_element_type3A_44, %cond3A_45 : i32
      scf.if %cond3A_46 {
        "tpu.region"() ({
          %run_scoped3A_52 = tpu.sem_alloc : memref<!tpu.dma_semaphore, #tpu.memory_space<semaphore_mem>>
          %dma_start3A_53 = arith.constant 0 : i32
          %dma_start3A_54 = tpu.memref_slice %arg11[%mul3A_2, %dma_start3A_53] : memref<10000x128xf32, #tpu.memory_space<vmem_shared>> -> memref<624x128xf32, #tpu.memory_space<vmem_shared>>
          %dma_start3A_55 = arith.constant 0 : i32
          %dma_start3A_56 = tpu.memref_slice %arg2[%mul3A_2, %dma_start3A_55] : memref<10048x128xf32, #tpu.memory_space<hbm>> -> memref<624x128xf32, #tpu.memory_space<hbm>>
          tpu.enqueue_dma source(%dma_start3A_56 : memref<624x128xf32, #tpu.memory_space<hbm>>) target(%dma_start3A_54 : memref<624x128xf32, #tpu.memory_space<vmem_shared>>) target_semaphore(%run_scoped3A_52 : memref<!tpu.dma_semaphore, #tpu.memory_space<semaphore_mem>>)
          %dma_wait3A = arith.constant 0 : i32
          %dma_wait3A_57 = tpu.memref_slice %arg11[%mul3A_2, %dma_wait3A] : memref<10000x128xf32, #tpu.memory_space<vmem_shared>> -> memref<624x128xf32, #tpu.memory_space<vmem_shared>>
          %dma_wait3A_58 = arith.constant 0 : i32
          %dma_wait3A_59 = tpu.memref_slice %arg2[%mul3A_2, %dma_wait3A_58] : memref<10048x128xf32, #tpu.memory_space<hbm>> -> memref<624x128xf32, #tpu.memory_space<hbm>>
          tpu.wait_dma2 semaphore(%run_scoped3A_52 : memref<!tpu.dma_semaphore, #tpu.memory_space<semaphore_mem>>) src(%dma_wait3A_59 : memref<624x128xf32, #tpu.memory_space<hbm>>) dst(%dma_wait3A_57 : memref<624x128xf32, #tpu.memory_space<vmem_shared>>)
          tpu.yield
        }) : () -> ()
      } else {
      }
      %eq3A_47 = arith.constant 15 : i32
      %eq3A_48 = arith.cmpi eq, %arg1, %eq3A_47 : i32
      %convert_element_type3A_49 = arith.extui %eq3A_48 : i1 to i32
      %cond3A_50 = arith.constant 0 : i32
      %cond3A_51 = arith.cmpi ne, %convert_element_type3A_49, %cond3A_50 : i32
      scf.if %cond3A_51 {
        "tpu.region"() ({
          %run_scoped3A_52 = tpu.sem_alloc : memref<!tpu.dma_semaphore, #tpu.memory_space<semaphore_mem>>
          %dma_start3A_53 = arith.constant 9360 : i32
          %dma_start3A_54 = arith.constant 0 : i32
          %dma_start3A_55 = tpu.memref_slice %arg11[%dma_start3A_53, %dma_start3A_54] : memref<10000x128xf32, #tpu.memory_space<vmem_shared>> -> memref<640x128xf32, #tpu.memory_space<vmem_shared>>
          %dma_start3A_56 = arith.constant 9360 : i32
          %dma_start3A_57 = arith.constant 0 : i32
          %dma_start3A_58 = tpu.memref_slice %arg2[%dma_start3A_56, %dma_start3A_57] : memref<10048x128xf32, #tpu.memory_space<hbm>> -> memref<640x128xf32, #tpu.memory_space<hbm>>
          tpu.enqueue_dma source(%dma_start3A_58 : memref<640x128xf32, #tpu.memory_space<hbm>>) target(%dma_start3A_55 : memref<640x128xf32, #tpu.memory_space<vmem_shared>>) target_semaphore(%run_scoped3A_52 : memref<!tpu.dma_semaphore, #tpu.memory_space<semaphore_mem>>)
          %dma_wait3A = arith.constant 9360 : i32
          %dma_wait3A_59 = arith.constant 0 : i32
          %dma_wait3A_60 = tpu.memref_slice %arg11[%dma_wait3A, %dma_wait3A_59] : memref<10000x128xf32, #tpu.memory_space<vmem_shared>> -> memref<640x128xf32, #tpu.memory_space<vmem_shared>>
          %dma_wait3A_61 = arith.constant 9360 : i32
          %dma_wait3A_62 = arith.constant 0 : i32
          %dma_wait3A_63 = tpu.memref_slice %arg2[%dma_wait3A_61, %dma_wait3A_62] : memref<10048x128xf32, #tpu.memory_space<hbm>> -> memref<640x128xf32, #tpu.memory_space<hbm>>
          tpu.wait_dma2 semaphore(%run_scoped3A_52 : memref<!tpu.dma_semaphore, #tpu.memory_space<semaphore_mem>>) src(%dma_wait3A_63 : memref<640x128xf32, #tpu.memory_space<hbm>>) dst(%dma_wait3A_60 : memref<640x128xf32, #tpu.memory_space<vmem_shared>>)
          tpu.yield
        }) : () -> ()
      } else {
      }
    } else {
    }
    %ne3A = arith.constant 0 : i32
    %ne3A_23 = arith.cmpi ne, %arg0, %ne3A : i32
    %convert_element_type3A_24 = arith.extui %ne3A_23 : i1 to i32
    %cond3A_25 = arith.constant 0 : i32
    %cond3A_26 = arith.cmpi ne, %convert_element_type3A_24, %cond3A_25 : i32
    scf.if %cond3A_26 {
      %scan3A_42 = arith.constant 0 : i32
      %scan3A_43 = arith.constant 0 : i32
      %scan3A_44 = arith.constant 960 : i32
      %scan3A_45 = arith.addi %scan3A_43, %scan3A_44 : i32
      %scan3A_46 = arith.constant 1 : i32
      scf.for %scan3A_68 = %scan3A_43 to %scan3A_45 step %scan3A_46  : i32 {
        %broadcast_in_dim3A = arith.constant 0.000000e+00 : f32
        %broadcast_in_dim3A_69 = vector.broadcast %broadcast_in_dim3A : f32 to vector<16xf32>
        %jit3A = arith.constant 8 : i32
        %div3A = arith.divsi %scan3A_68, %jit3A : i32
        %sign3A = arith.constant 0 : i32
        %sign3A_70 = arith.cmpi sgt, %scan3A_68, %sign3A : i32
        %sign3A_71 = arith.extui %sign3A_70 : i1 to i32
        %sign3A_72 = arith.constant 0 : i32
        %sign3A_73 = arith.cmpi slt, %scan3A_68, %sign3A_72 : i32
        %sign3A_74 = arith.extui %sign3A_73 : i1 to i32
        %sign3A_75 = arith.subi %sign3A_71, %sign3A_74 : i32
        %sign3A_76 = arith.constant 0 : i32
        %sign3A_77 = arith.cmpi sgt, %jit3A, %sign3A_76 : i32
        %sign3A_78 = arith.extui %sign3A_77 : i1 to i32
        %sign3A_79 = arith.constant 0 : i32
        %sign3A_80 = arith.cmpi slt, %jit3A, %sign3A_79 : i32
        %sign3A_81 = arith.extui %sign3A_80 : i1 to i32
        %sign3A_82 = arith.subi %sign3A_78, %sign3A_81 : i32
        %ne3A_83 = arith.cmpi ne, %sign3A_75, %sign3A_82 : i32
        %rem3A = arith.remsi %scan3A_68, %jit3A : i32
        %ne3A_84 = arith.constant 0 : i32
        %ne3A_85 = arith.cmpi ne, %rem3A, %ne3A_84 : i32
        %and3A = arith.andi %ne3A_83, %ne3A_85 : i1
        %sub3A = arith.constant 1 : i32
        %sub3A_86 = arith.subi %div3A, %sub3A : i32
        %select_n3A = arith.select %and3A, %sub3A_86, %div3A : i32
        %jit3A_87 = arith.constant 8 : i32
        %eq3A_88 = arith.constant 0 : i32
        %eq3A_89 = arith.cmpi eq, %jit3A_87, %eq3A_88 : i32
        %jit3A_90 = arith.constant 1 : i32
        %select_n3A_91 = arith.select %eq3A_89, %jit3A_90, %jit3A_87 : i32
        %rem3A_92 = arith.remsi %scan3A_68, %select_n3A_91 : i32
        %ne3A_93 = arith.constant 0 : i32
        %ne3A_94 = arith.cmpi ne, %rem3A_92, %ne3A_93 : i32
        %lt3A_95 = arith.constant 0 : i32
        %lt3A_96 = arith.cmpi slt, %rem3A_92, %lt3A_95 : i32
        %lt3A_97 = arith.constant 0 : i32
        %lt3A_98 = arith.cmpi slt, %select_n3A_91, %lt3A_97 : i32
        %ne3A_99 = arith.xori %lt3A_96, %lt3A_98 : i1
        %and3A_100 = arith.andi %ne3A_99, %ne3A_94 : i1
        %add3A_101 = arith.addi %rem3A_92, %select_n3A_91 : i32
        %select_n3A_102 = arith.select %and3A_100, %add3A_101, %rem3A_92 : i32
        %mul3A_103 = arith.constant 16 : i32
        %mul3A_104 = arith.muli %select_n3A_102, %mul3A_103 : i32
        %swap3A = arith.index_cast %select_n3A : i32 to index
        %swap3A_105 = arith.index_cast %mul3A_104 : i32 to index
        %swap3A_106 = tpu.vector_load %arg10[%swap3A, %swap3A_105] {strides = array<i32>} : memref<120x128xf32, #tpu.memory_space<vmem>>, vector<1x16xf32>,
        %swap3A_107 = vector.shape_cast %swap3A_106 : vector<1x16xf32> to vector<16xf32>
        %swap3A_108 = vector.shape_cast %broadcast_in_dim3A_69 : vector<16xf32> to vector<1x16xf32>
        tpu.vector_store %arg10[%swap3A, %swap3A_105], %swap3A_108 {strides = array<i32>} : memref<120x128xf32, #tpu.memory_space<vmem>>, vector<1x16xf32>,
      }
      %scan3A_47 = arith.constant 960 : i32
      %add3A_48 = arith.constant 0 : i32
      %add3A_49 = arith.addi %mul3A_2, %add3A_48 : i32
      "tpu.region"() ({
        %run_scoped3A_68 = tpu.sem_alloc : memref<!tpu.dma_semaphore, #tpu.memory_space<semaphore_mem>>
        %dma_start3A_69 = arith.constant 0 : i32
        %dma_start3A_70 = arith.constant 0 : i32
        %dma_start3A_71 = tpu.memref_slice %arg10[%dma_start3A_69, %dma_start3A_70] : memref<120x128xf32, #tpu.memory_space<vmem>> -> memref<120x128xf32, #tpu.memory_space<vmem>>
        %dma_start3A_72 = arith.constant 0 : i32
        %dma_start3A_73 = tpu.memref_slice %arg11[%add3A_49, %dma_start3A_72] : memref<10000x128xf32, #tpu.memory_space<vmem_shared>> -> memref<120x128xf32, #tpu.memory_space<vmem_shared>>
        %dma_start3A_74 = arith.constant 0 : i32
        %dma_start3A_75 = tpu.memref_slice %arg11[%add3A_49, %dma_start3A_74] : memref<10000x128xf32, #tpu.memory_space<vmem_shared>> -> memref<120x128xf32, #tpu.memory_space<vmem_shared>>
        %dma_start3A_76 = arith.constant 0 : i32
        %dma_start3A_77 = arith.constant 0 : i32
        %dma_start3A_78 = tpu.memref_slice %arg10[%dma_start3A_76, %dma_start3A_77] : memref<120x128xf32, #tpu.memory_space<vmem>> -> memref<120x128xf32, #tpu.memory_space<vmem>>
        tpu.enqueue_dma source(%dma_start3A_78 : memref<120x128xf32, #tpu.memory_space<vmem>>) target(%dma_start3A_75 : memref<120x128xf32, #tpu.memory_space<vmem_shared>>) target_semaphore(%run_scoped3A_68 : memref<!tpu.dma_semaphore, #tpu.memory_space<semaphore_mem>>)
        %dma_wait3A = arith.constant 0 : i32
        %dma_wait3A_79 = arith.constant 0 : i32
        %dma_wait3A_80 = tpu.memref_slice %arg10[%dma_wait3A, %dma_wait3A_79] : memref<120x128xf32, #tpu.memory_space<vmem>> -> memref<120x128xf32, #tpu.memory_space<vmem>>
        %dma_wait3A_81 = arith.constant 0 : i32
        %dma_wait3A_82 = tpu.memref_slice %arg11[%add3A_49, %dma_wait3A_81] : memref<10000x128xf32, #tpu.memory_space<vmem_shared>> -> memref<120x128xf32, #tpu.memory_space<vmem_shared>>
        %dma_wait3A_83 = arith.constant 0 : i32
        %dma_wait3A_84 = tpu.memref_slice %arg11[%add3A_49, %dma_wait3A_83] : memref<10000x128xf32, #tpu.memory_space<vmem_shared>> -> memref<120x128xf32, #tpu.memory_space<vmem_shared>>
        %dma_wait3A_85 = arith.constant 0 : i32
        %dma_wait3A_86 = arith.constant 0 : i32
        %dma_wait3A_87 = tpu.memref_slice %arg10[%dma_wait3A_85, %dma_wait3A_86] : memref<120x128xf32, #tpu.memory_space<vmem>> -> memref<120x128xf32, #tpu.memory_space<vmem>>
        tpu.wait_dma2 semaphore(%run_scoped3A_68 : memref<!tpu.dma_semaphore, #tpu.memory_space<semaphore_mem>>) src(%dma_wait3A_87 : memref<120x128xf32, #tpu.memory_space<vmem>>) dst(%dma_wait3A_84 : memref<120x128xf32, #tpu.memory_space<vmem_shared>>)
        tpu.yield
      }) : () -> ()
      %add3A_50 = arith.constant 120 : i32
      %add3A_51 = arith.addi %mul3A_2, %add3A_50 : i32
      "tpu.region"() ({
        %run_scoped3A_68 = tpu.sem_alloc : memref<!tpu.dma_semaphore, #tpu.memory_space<semaphore_mem>>
        %dma_start3A_69 = arith.constant 0 : i32
        %dma_start3A_70 = arith.constant 0 : i32
        %dma_start3A_71 = tpu.memref_slice %arg10[%dma_start3A_69, %dma_start3A_70] : memref<120x128xf32, #tpu.memory_space<vmem>> -> memref<120x128xf32, #tpu.memory_space<vmem>>
        %dma_start3A_72 = arith.constant 0 : i32
        %dma_start3A_73 = tpu.memref_slice %arg11[%add3A_51, %dma_start3A_72] : memref<10000x128xf32, #tpu.memory_space<vmem_shared>> -> memref<120x128xf32, #tpu.memory_space<vmem_shared>>
        %dma_start3A_74 = arith.constant 0 : i32
        %dma_start3A_75 = tpu.memref_slice %arg11[%add3A_51, %dma_start3A_74] : memref<10000x128xf32, #tpu.memory_space<vmem_shared>> -> memref<120x128xf32, #tpu.memory_space<vmem_shared>>
        %dma_start3A_76 = arith.constant 0 : i32
        %dma_start3A_77 = arith.constant 0 : i32
        %dma_start3A_78 = tpu.memref_slice %arg10[%dma_start3A_76, %dma_start3A_77] : memref<120x128xf32, #tpu.memory_space<vmem>> -> memref<120x128xf32, #tpu.memory_space<vmem>>
        tpu.enqueue_dma source(%dma_start3A_78 : memref<120x128xf32, #tpu.memory_space<vmem>>) target(%dma_start3A_75 : memref<120x128xf32, #tpu.memory_space<vmem_shared>>) target_semaphore(%run_scoped3A_68 : memref<!tpu.dma_semaphore, #tpu.memory_space<semaphore_mem>>)
        %dma_wait3A = arith.constant 0 : i32
        %dma_wait3A_79 = arith.constant 0 : i32
        %dma_wait3A_80 = tpu.memref_slice %arg10[%dma_wait3A, %dma_wait3A_79] : memref<120x128xf32, #tpu.memory_space<vmem>> -> memref<120x128xf32, #tpu.memory_space<vmem>>
        %dma_wait3A_81 = arith.constant 0 : i32
        %dma_wait3A_82 = tpu.memref_slice %arg11[%add3A_51, %dma_wait3A_81] : memref<10000x128xf32, #tpu.memory_space<vmem_shared>> -> memref<120x128xf32, #tpu.memory_space<vmem_shared>>
        %dma_wait3A_83 = arith.constant 0 : i32
        %dma_wait3A_84 = tpu.memref_slice %arg11[%add3A_51, %dma_wait3A_83] : memref<10000x128xf32, #tpu.memory_space<vmem_shared>> -> memref<120x128xf32, #tpu.memory_space<vmem_shared>>
        %dma_wait3A_85 = arith.constant 0 : i32
        %dma_wait3A_86 = arith.constant 0 : i32
        %dma_wait3A_87 = tpu.memref_slice %arg10[%dma_wait3A_85, %dma_wait3A_86] : memref<120x128xf32, #tpu.memory_space<vmem>> -> memref<120x128xf32, #tpu.memory_space<vmem>>
        tpu.wait_dma2 semaphore(%run_scoped3A_68 : memref<!tpu.dma_semaphore, #tpu.memory_space<semaphore_mem>>) src(%dma_wait3A_87 : memref<120x128xf32, #tpu.memory_space<vmem>>) dst(%dma_wait3A_84 : memref<120x128xf32, #tpu.memory_space<vmem_shared>>)
        tpu.yield
      }) : () -> ()
      %add3A_52 = arith.constant 240 : i32
      %add3A_53 = arith.addi %mul3A_2, %add3A_52 : i32
      "tpu.region"() ({
        %run_scoped3A_68 = tpu.sem_alloc : memref<!tpu.dma_semaphore, #tpu.memory_space<semaphore_mem>>
        %dma_start3A_69 = arith.constant 0 : i32
        %dma_start3A_70 = arith.constant 0 : i32
        %dma_start3A_71 = tpu.memref_slice %arg10[%dma_start3A_69, %dma_start3A_70] : memref<120x128xf32, #tpu.memory_space<vmem>> -> memref<120x128xf32, #tpu.memory_space<vmem>>
        %dma_start3A_72 = arith.constant 0 : i32
        %dma_start3A_73 = tpu.memref_slice %arg11[%add3A_53, %dma_start3A_72] : memref<10000x128xf32, #tpu.memory_space<vmem_shared>> -> memref<120x128xf32, #tpu.memory_space<vmem_shared>>
        %dma_start3A_74 = arith.constant 0 : i32
        %dma_start3A_75 = tpu.memref_slice %arg11[%add3A_53, %dma_start3A_74] : memref<10000x128xf32, #tpu.memory_space<vmem_shared>> -> memref<120x128xf32, #tpu.memory_space<vmem_shared>>
        %dma_start3A_76 = arith.constant 0 : i32
        %dma_start3A_77 = arith.constant 0 : i32
        %dma_start3A_78 = tpu.memref_slice %arg10[%dma_start3A_76, %dma_start3A_77] : memref<120x128xf32, #tpu.memory_space<vmem>> -> memref<120x128xf32, #tpu.memory_space<vmem>>
        tpu.enqueue_dma source(%dma_start3A_78 : memref<120x128xf32, #tpu.memory_space<vmem>>) target(%dma_start3A_75 : memref<120x128xf32, #tpu.memory_space<vmem_shared>>) target_semaphore(%run_scoped3A_68 : memref<!tpu.dma_semaphore, #tpu.memory_space<semaphore_mem>>)
        %dma_wait3A = arith.constant 0 : i32
        %dma_wait3A_79 = arith.constant 0 : i32
        %dma_wait3A_80 = tpu.memref_slice %arg10[%dma_wait3A, %dma_wait3A_79] : memref<120x128xf32, #tpu.memory_space<vmem>> -> memref<120x128xf32, #tpu.memory_space<vmem>>
        %dma_wait3A_81 = arith.constant 0 : i32
        %dma_wait3A_82 = tpu.memref_slice %arg11[%add3A_53, %dma_wait3A_81] : memref<10000x128xf32, #tpu.memory_space<vmem_shared>> -> memref<120x128xf32, #tpu.memory_space<vmem_shared>>
        %dma_wait3A_83 = arith.constant 0 : i32
        %dma_wait3A_84 = tpu.memref_slice %arg11[%add3A_53, %dma_wait3A_83] : memref<10000x128xf32, #tpu.memory_space<vmem_shared>> -> memref<120x128xf32, #tpu.memory_space<vmem_shared>>
        %dma_wait3A_85 = arith.constant 0 : i32
        %dma_wait3A_86 = arith.constant 0 : i32
        %dma_wait3A_87 = tpu.memref_slice %arg10[%dma_wait3A_85, %dma_wait3A_86] : memref<120x128xf32, #tpu.memory_space<vmem>> -> memref<120x128xf32, #tpu.memory_space<vmem>>
        tpu.wait_dma2 semaphore(%run_scoped3A_68 : memref<!tpu.dma_semaphore, #tpu.memory_space<semaphore_mem>>) src(%dma_wait3A_87 : memref<120x128xf32, #tpu.memory_space<vmem>>) dst(%dma_wait3A_84 : memref<120x128xf32, #tpu.memory_space<vmem_shared>>)
        tpu.yield
      }) : () -> ()
      %add3A_54 = arith.constant 360 : i32
      %add3A_55 = arith.addi %mul3A_2, %add3A_54 : i32
      "tpu.region"() ({
        %run_scoped3A_68 = tpu.sem_alloc : memref<!tpu.dma_semaphore, #tpu.memory_space<semaphore_mem>>
        %dma_start3A_69 = arith.constant 0 : i32
        %dma_start3A_70 = arith.constant 0 : i32
        %dma_start3A_71 = tpu.memref_slice %arg10[%dma_start3A_69, %dma_start3A_70] : memref<120x128xf32, #tpu.memory_space<vmem>> -> memref<120x128xf32, #tpu.memory_space<vmem>>
        %dma_start3A_72 = arith.constant 0 : i32
        %dma_start3A_73 = tpu.memref_slice %arg11[%add3A_55, %dma_start3A_72] : memref<10000x128xf32, #tpu.memory_space<vmem_shared>> -> memref<120x128xf32, #tpu.memory_space<vmem_shared>>
        %dma_start3A_74 = arith.constant 0 : i32
        %dma_start3A_75 = tpu.memref_slice %arg11[%add3A_55, %dma_start3A_74] : memref<10000x128xf32, #tpu.memory_space<vmem_shared>> -> memref<120x128xf32, #tpu.memory_space<vmem_shared>>
        %dma_start3A_76 = arith.constant 0 : i32
        %dma_start3A_77 = arith.constant 0 : i32
        %dma_start3A_78 = tpu.memref_slice %arg10[%dma_start3A_76, %dma_start3A_77] : memref<120x128xf32, #tpu.memory_space<vmem>> -> memref<120x128xf32, #tpu.memory_space<vmem>>
        tpu.enqueue_dma source(%dma_start3A_78 : memref<120x128xf32, #tpu.memory_space<vmem>>) target(%dma_start3A_75 : memref<120x128xf32, #tpu.memory_space<vmem_shared>>) target_semaphore(%run_scoped3A_68 : memref<!tpu.dma_semaphore, #tpu.memory_space<semaphore_mem>>)
        %dma_wait3A = arith.constant 0 : i32
        %dma_wait3A_79 = arith.constant 0 : i32
        %dma_wait3A_80 = tpu.memref_slice %arg10[%dma_wait3A, %dma_wait3A_79] : memref<120x128xf32, #tpu.memory_space<vmem>> -> memref<120x128xf32, #tpu.memory_space<vmem>>
        %dma_wait3A_81 = arith.constant 0 : i32
        %dma_wait3A_82 = tpu.memref_slice %arg11[%add3A_55, %dma_wait3A_81] : memref<10000x128xf32, #tpu.memory_space<vmem_shared>> -> memref<120x128xf32, #tpu.memory_space<vmem_shared>>
        %dma_wait3A_83 = arith.constant 0 : i32
        %dma_wait3A_84 = tpu.memref_slice %arg11[%add3A_55, %dma_wait3A_83] : memref<10000x128xf32, #tpu.memory_space<vmem_shared>> -> memref<120x128xf32, #tpu.memory_space<vmem_shared>>
        %dma_wait3A_85 = arith.constant 0 : i32
        %dma_wait3A_86 = arith.constant 0 : i32
        %dma_wait3A_87 = tpu.memref_slice %arg10[%dma_wait3A_85, %dma_wait3A_86] : memref<120x128xf32, #tpu.memory_space<vmem>> -> memref<120x128xf32, #tpu.memory_space<vmem>>
        tpu.wait_dma2 semaphore(%run_scoped3A_68 : memref<!tpu.dma_semaphore, #tpu.memory_space<semaphore_mem>>) src(%dma_wait3A_87 : memref<120x128xf32, #tpu.memory_space<vmem>>) dst(%dma_wait3A_84 : memref<120x128xf32, #tpu.memory_space<vmem_shared>>)
        tpu.yield
      }) : () -> ()
      %add3A_56 = arith.constant 480 : i32
      %add3A_57 = arith.addi %mul3A_2, %add3A_56 : i32
      "tpu.region"() ({
        %run_scoped3A_68 = tpu.sem_alloc : memref<!tpu.dma_semaphore, #tpu.memory_space<semaphore_mem>>
        %dma_start3A_69 = arith.constant 0 : i32
        %dma_start3A_70 = arith.constant 0 : i32
        %dma_start3A_71 = tpu.memref_slice %arg10[%dma_start3A_69, %dma_start3A_70] : memref<120x128xf32, #tpu.memory_space<vmem>> -> memref<120x128xf32, #tpu.memory_space<vmem>>
        %dma_start3A_72 = arith.constant 0 : i32
        %dma_start3A_73 = tpu.memref_slice %arg11[%add3A_57, %dma_start3A_72] : memref<10000x128xf32, #tpu.memory_space<vmem_shared>> -> memref<120x128xf32, #tpu.memory_space<vmem_shared>>
        %dma_start3A_74 = arith.constant 0 : i32
        %dma_start3A_75 = tpu.memref_slice %arg11[%add3A_57, %dma_start3A_74] : memref<10000x128xf32, #tpu.memory_space<vmem_shared>> -> memref<120x128xf32, #tpu.memory_space<vmem_shared>>
        %dma_start3A_76 = arith.constant 0 : i32
        %dma_start3A_77 = arith.constant 0 : i32
        %dma_start3A_78 = tpu.memref_slice %arg10[%dma_start3A_76, %dma_start3A_77] : memref<120x128xf32, #tpu.memory_space<vmem>> -> memref<120x128xf32, #tpu.memory_space<vmem>>
        tpu.enqueue_dma source(%dma_start3A_78 : memref<120x128xf32, #tpu.memory_space<vmem>>) target(%dma_start3A_75 : memref<120x128xf32, #tpu.memory_space<vmem_shared>>) target_semaphore(%run_scoped3A_68 : memref<!tpu.dma_semaphore, #tpu.memory_space<semaphore_mem>>)
        %dma_wait3A = arith.constant 0 : i32
        %dma_wait3A_79 = arith.constant 0 : i32
        %dma_wait3A_80 = tpu.memref_slice %arg10[%dma_wait3A, %dma_wait3A_79] : memref<120x128xf32, #tpu.memory_space<vmem>> -> memref<120x128xf32, #tpu.memory_space<vmem>>
        %dma_wait3A_81 = arith.constant 0 : i32
        %dma_wait3A_82 = tpu.memref_slice %arg11[%add3A_57, %dma_wait3A_81] : memref<10000x128xf32, #tpu.memory_space<vmem_shared>> -> memref<120x128xf32, #tpu.memory_space<vmem_shared>>
        %dma_wait3A_83 = arith.constant 0 : i32
        %dma_wait3A_84 = tpu.memref_slice %arg11[%add3A_57, %dma_wait3A_83] : memref<10000x128xf32, #tpu.memory_space<vmem_shared>> -> memref<120x128xf32, #tpu.memory_space<vmem_shared>>
        %dma_wait3A_85 = arith.constant 0 : i32
        %dma_wait3A_86 = arith.constant 0 : i32
        %dma_wait3A_87 = tpu.memref_slice %arg10[%dma_wait3A_85, %dma_wait3A_86] : memref<120x128xf32, #tpu.memory_space<vmem>> -> memref<120x128xf32, #tpu.memory_space<vmem>>
        tpu.wait_dma2 semaphore(%run_scoped3A_68 : memref<!tpu.dma_semaphore, #tpu.memory_space<semaphore_mem>>) src(%dma_wait3A_87 : memref<120x128xf32, #tpu.memory_space<vmem>>) dst(%dma_wait3A_84 : memref<120x128xf32, #tpu.memory_space<vmem_shared>>)
        tpu.yield
      }) : () -> ()
      %lt3A_58 = arith.constant 15 : i32
      %lt3A_59 = arith.cmpi slt, %arg1, %lt3A_58 : i32
      %convert_element_type3A_60 = arith.extui %lt3A_59 : i1 to i32
      %cond3A_61 = arith.constant 0 : i32
      %cond3A_62 = arith.cmpi ne, %convert_element_type3A_60, %cond3A_61 : i32
      scf.if %cond3A_62 {
        %add3A_68 = arith.constant 600 : i32
        %add3A_69 = arith.addi %mul3A_2, %add3A_68 : i32
        "tpu.region"() ({
          %run_scoped3A_70 = tpu.sem_alloc : memref<!tpu.dma_semaphore, #tpu.memory_space<semaphore_mem>>
          %dma_start3A_71 = arith.constant 0 : i32
          %dma_start3A_72 = arith.constant 0 : i32
          %dma_start3A_73 = tpu.memref_slice %arg10[%dma_start3A_71, %dma_start3A_72] : memref<120x128xf32, #tpu.memory_space<vmem>> -> memref<24x128xf32, #tpu.memory_space<vmem>>
          %dma_start3A_74 = arith.constant 0 : i32
          %dma_start3A_75 = tpu.memref_slice %arg11[%add3A_69, %dma_start3A_74] : memref<10000x128xf32, #tpu.memory_space<vmem_shared>> -> memref<24x128xf32, #tpu.memory_space<vmem_shared>>
          %dma_start3A_76 = arith.constant 0 : i32
          %dma_start3A_77 = tpu.memref_slice %arg11[%add3A_69, %dma_start3A_76] : memref<10000x128xf32, #tpu.memory_space<vmem_shared>> -> memref<24x128xf32, #tpu.memory_space<vmem_shared>>
          %dma_start3A_78 = arith.constant 0 : i32
          %dma_start3A_79 = arith.constant 0 : i32
          %dma_start3A_80 = tpu.memref_slice %arg10[%dma_start3A_78, %dma_start3A_79] : memref<120x128xf32, #tpu.memory_space<vmem>> -> memref<24x128xf32, #tpu.memory_space<vmem>>
          tpu.enqueue_dma source(%dma_start3A_80 : memref<24x128xf32, #tpu.memory_space<vmem>>) target(%dma_start3A_77 : memref<24x128xf32, #tpu.memory_space<vmem_shared>>) target_semaphore(%run_scoped3A_70 : memref<!tpu.dma_semaphore, #tpu.memory_space<semaphore_mem>>)
          %dma_wait3A = arith.constant 0 : i32
          %dma_wait3A_81 = arith.constant 0 : i32
          %dma_wait3A_82 = tpu.memref_slice %arg10[%dma_wait3A, %dma_wait3A_81] : memref<120x128xf32, #tpu.memory_space<vmem>> -> memref<24x128xf32, #tpu.memory_space<vmem>>
          %dma_wait3A_83 = arith.constant 0 : i32
          %dma_wait3A_84 = tpu.memref_slice %arg11[%add3A_69, %dma_wait3A_83] : memref<10000x128xf32, #tpu.memory_space<vmem_shared>> -> memref<24x128xf32, #tpu.memory_space<vmem_shared>>
          %dma_wait3A_85 = arith.constant 0 : i32
          %dma_wait3A_86 = tpu.memref_slice %arg11[%add3A_69, %dma_wait3A_85] : memref<10000x128xf32, #tpu.memory_space<vmem_shared>> -> memref<24x128xf32, #tpu.memory_space<vmem_shared>>
          %dma_wait3A_87 = arith.constant 0 : i32
          %dma_wait3A_88 = arith.constant 0 : i32
          %dma_wait3A_89 = tpu.memref_slice %arg10[%dma_wait3A_87, %dma_wait3A_88] : memref<120x128xf32, #tpu.memory_space<vmem>> -> memref<24x128xf32, #tpu.memory_space<vmem>>
          tpu.wait_dma2 semaphore(%run_scoped3A_70 : memref<!tpu.dma_semaphore, #tpu.memory_space<semaphore_mem>>) src(%dma_wait3A_89 : memref<24x128xf32, #tpu.memory_space<vmem>>) dst(%dma_wait3A_86 : memref<24x128xf32, #tpu.memory_space<vmem_shared>>)
          tpu.yield
        }) : () -> ()
      } else {
      }
      %eq3A_63 = arith.constant 15 : i32
      %eq3A_64 = arith.cmpi eq, %arg1, %eq3A_63 : i32
      %convert_element_type3A_65 = arith.extui %eq3A_64 : i1 to i32
      %cond3A_66 = arith.constant 0 : i32
      %cond3A_67 = arith.cmpi ne, %convert_element_type3A_65, %cond3A_66 : i32
      scf.if %cond3A_67 {
        %add3A_68 = arith.constant 600 : i32
        %add3A_69 = arith.addi %mul3A_2, %add3A_68 : i32
        "tpu.region"() ({
          %run_scoped3A_70 = tpu.sem_alloc : memref<!tpu.dma_semaphore, #tpu.memory_space<semaphore_mem>>
          %dma_start3A_71 = arith.constant 0 : i32
          %dma_start3A_72 = arith.constant 0 : i32
          %dma_start3A_73 = tpu.memref_slice %arg10[%dma_start3A_71, %dma_start3A_72] : memref<120x128xf32, #tpu.memory_space<vmem>> -> memref<40x128xf32, #tpu.memory_space<vmem>>
          %dma_start3A_74 = arith.constant 0 : i32
          %dma_start3A_75 = tpu.memref_slice %arg11[%add3A_69, %dma_start3A_74] : memref<10000x128xf32, #tpu.memory_space<vmem_shared>> -> memref<40x128xf32, #tpu.memory_space<vmem_shared>>
          %dma_start3A_76 = arith.constant 0 : i32
          %dma_start3A_77 = tpu.memref_slice %arg11[%add3A_69, %dma_start3A_76] : memref<10000x128xf32, #tpu.memory_space<vmem_shared>> -> memref<40x128xf32, #tpu.memory_space<vmem_shared>>
          %dma_start3A_78 = arith.constant 0 : i32
          %dma_start3A_79 = arith.constant 0 : i32
          %dma_start3A_80 = tpu.memref_slice %arg10[%dma_start3A_78, %dma_start3A_79] : memref<120x128xf32, #tpu.memory_space<vmem>> -> memref<40x128xf32, #tpu.memory_space<vmem>>
          tpu.enqueue_dma source(%dma_start3A_80 : memref<40x128xf32, #tpu.memory_space<vmem>>) target(%dma_start3A_77 : memref<40x128xf32, #tpu.memory_space<vmem_shared>>) target_semaphore(%run_scoped3A_70 : memref<!tpu.dma_semaphore, #tpu.memory_space<semaphore_mem>>)
          %dma_wait3A = arith.constant 0 : i32
          %dma_wait3A_81 = arith.constant 0 : i32
          %dma_wait3A_82 = tpu.memref_slice %arg10[%dma_wait3A, %dma_wait3A_81] : memref<120x128xf32, #tpu.memory_space<vmem>> -> memref<40x128xf32, #tpu.memory_space<vmem>>
          %dma_wait3A_83 = arith.constant 0 : i32
          %dma_wait3A_84 = tpu.memref_slice %arg11[%add3A_69, %dma_wait3A_83] : memref<10000x128xf32, #tpu.memory_space<vmem_shared>> -> memref<40x128xf32, #tpu.memory_space<vmem_shared>>
          %dma_wait3A_85 = arith.constant 0 : i32
          %dma_wait3A_86 = tpu.memref_slice %arg11[%add3A_69, %dma_wait3A_85] : memref<10000x128xf32, #tpu.memory_space<vmem_shared>> -> memref<40x128xf32, #tpu.memory_space<vmem_shared>>
          %dma_wait3A_87 = arith.constant 0 : i32
          %dma_wait3A_88 = arith.constant 0 : i32
          %dma_wait3A_89 = tpu.memref_slice %arg10[%dma_wait3A_87, %dma_wait3A_88] : memref<120x128xf32, #tpu.memory_space<vmem>> -> memref<40x128xf32, #tpu.memory_space<vmem>>
          tpu.wait_dma2 semaphore(%run_scoped3A_70 : memref<!tpu.dma_semaphore, #tpu.memory_space<semaphore_mem>>) src(%dma_wait3A_89 : memref<40x128xf32, #tpu.memory_space<vmem>>) dst(%dma_wait3A_86 : memref<40x128xf32, #tpu.memory_space<vmem_shared>>)
          tpu.yield
        }) : () -> ()
      } else {
      }
    } else {
    }
    %barrier3A = arith.constant 0 : index
    tpu.barrier barrier_id(%barrier3A)
    %scan3A = arith.constant 0 : i32
    %scan3A_27 = arith.constant 0 : i32
    %scan3A_28 = arith.constant 28 : i32
    %scan3A_29 = arith.addi %scan3A_27, %scan3A_28 : i32
    %scan3A_30 = arith.constant 1 : i32
    scf.for %scan3A_42 = %scan3A_27 to %scan3A_29 step %scan3A_30  : i32 {
      %jit3A = arith.constant 2 : i32
      %eq3A_43 = arith.constant 0 : i32
      %eq3A_44 = arith.cmpi eq, %jit3A, %eq3A_43 : i32
      %jit3A_45 = arith.constant 1 : i32
      %select_n3A = arith.select %eq3A_44, %jit3A_45, %jit3A : i32
      %rem3A = arith.remsi %scan3A_42, %select_n3A : i32
      %ne3A_46 = arith.constant 0 : i32
      %ne3A_47 = arith.cmpi ne, %rem3A, %ne3A_46 : i32
      %lt3A_48 = arith.constant 0 : i32
      %lt3A_49 = arith.cmpi slt, %rem3A, %lt3A_48 : i32
      %lt3A_50 = arith.constant 0 : i32
      %lt3A_51 = arith.cmpi slt, %select_n3A, %lt3A_50 : i32
      %ne3A_52 = arith.xori %lt3A_49, %lt3A_51 : i1
      %and3A = arith.andi %ne3A_52, %ne3A_47 : i1
      %add3A_53 = arith.addi %rem3A, %select_n3A : i32
      %select_n3A_54 = arith.select %and3A, %add3A_53, %rem3A : i32
      %add3A_55 = arith.constant 1 : i32
      %add3A_56 = arith.addi %scan3A_42, %add3A_55 : i32
      %jit3A_57 = arith.constant 2 : i32
      %eq3A_58 = arith.constant 0 : i32
      %eq3A_59 = arith.cmpi eq, %jit3A_57, %eq3A_58 : i32
      %jit3A_60 = arith.constant 1 : i32
      %select_n3A_61 = arith.select %eq3A_59, %jit3A_60, %jit3A_57 : i32
      %rem3A_62 = arith.remsi %add3A_56, %select_n3A_61 : i32
      %ne3A_63 = arith.constant 0 : i32
      %ne3A_64 = arith.cmpi ne, %rem3A_62, %ne3A_63 : i32
      %lt3A_65 = arith.constant 0 : i32
      %lt3A_66 = arith.cmpi slt, %rem3A_62, %lt3A_65 : i32
      %lt3A_67 = arith.constant 0 : i32
      %lt3A_68 = arith.cmpi slt, %select_n3A_61, %lt3A_67 : i32
      %ne3A_69 = arith.xori %lt3A_66, %lt3A_68 : i1
      %and3A_70 = arith.andi %ne3A_69, %ne3A_64 : i1
      %add3A_71 = arith.addi %rem3A_62, %select_n3A_61 : i32
      %select_n3A_72 = arith.select %and3A_70, %add3A_71, %rem3A_62 : i32
      %lt3A_73 = arith.constant 27 : i32
      %lt3A_74 = arith.cmpi slt, %scan3A_42, %lt3A_73 : i32
      %convert_element_type3A_75 = arith.extui %lt3A_74 : i1 to i32
      %cond3A_76 = arith.constant 0 : i32
      %cond3A_77 = arith.cmpi ne, %convert_element_type3A_75, %cond3A_76 : i32
      scf.if %cond3A_77 {
        %add3A_118 = arith.constant 1 : i32
        %add3A_119 = arith.addi %scan3A_42, %add3A_118 : i32
        %dma_start3A_120 = arith.constant 0 : i32
        %dma_start3A_121 = arith.constant 0 : i32
        %dma_start3A_122 = tpu.memref_slice %arg6[%select_n3A_72, %dma_start3A_120, %dma_start3A_121] : memref<2x3x120xi32, #tpu.memory_space<vmem>> -> memref<1x3x120xi32, #tpu.memory_space<vmem>>
        %dma_start3A_123 = tpu.memref_squeeze %dma_start3A_122 : memref<1x3x120xi32, #tpu.memory_space<vmem>> -> memref<3x120xi32, #tpu.memory_space<vmem>>
        %dma_start3A_124 = arith.constant 0 : i32
        %dma_start3A_125 = arith.constant 0 : i32
        %dma_start3A_126 = tpu.memref_slice %arg3[%add3A, %add3A_119, %dma_start3A_124, %dma_start3A_125] : memref<32x28x3x120xi32, #tpu.memory_space<hbm>> -> memref<1x1x3x120xi32, #tpu.memory_space<hbm>>
        %dma_start3A_127 = tpu.memref_squeeze %dma_start3A_126 : memref<1x1x3x120xi32, #tpu.memory_space<hbm>> -> memref<3x120xi32, #tpu.memory_space<hbm>>
        %dma_start3A_128 = arith.constant 0 : i32
        %dma_start3A_129 = arith.constant 0 : i32
        %dma_start3A_130 = tpu.memref_slice %arg6[%select_n3A_72, %dma_start3A_128, %dma_start3A_129] : memref<2x3x120xi32, #tpu.memory_space<vmem>> -> memref<1x3x120xi32, #tpu.memory_space<vmem>>
        %dma_start3A_131 = tpu.memref_squeeze %dma_start3A_130 : memref<1x3x120xi32, #tpu.memory_space<vmem>> -> memref<3x120xi32, #tpu.memory_space<vmem>>
        %dma_start3A_132 = arith.constant 0 : i32
        %dma_start3A_133 = arith.constant 0 : i32
        %dma_start3A_134 = tpu.memref_slice %arg3[%add3A, %add3A_119, %dma_start3A_132, %dma_start3A_133] : memref<32x28x3x120xi32, #tpu.memory_space<hbm>> -> memref<1x1x3x120xi32, #tpu.memory_space<hbm>>
        %dma_start3A_135 = tpu.memref_squeeze %dma_start3A_134 : memref<1x1x3x120xi32, #tpu.memory_space<hbm>> -> memref<3x120xi32, #tpu.memory_space<hbm>>
        tpu.enqueue_dma source(%dma_start3A_135 : memref<3x120xi32, #tpu.memory_space<hbm>>) target(%dma_start3A_131 : memref<3x120xi32, #tpu.memory_space<vmem>>) target_semaphore(%arg15 : memref<!tpu.dma_semaphore, #tpu.memory_space<semaphore_mem>>)
        %add3A_136 = arith.constant 1 : i32
        %add3A_137 = arith.addi %scan3A_42, %add3A_136 : i32
        %dma_start3A_138 = arith.constant 0 : i32
        %dma_start3A_139 = arith.constant 0 : i32
        %dma_start3A_140 = tpu.memref_slice %arg7[%select_n3A_72, %dma_start3A_138, %dma_start3A_139] : memref<2x3x120xi32, #tpu.memory_space<vmem>> -> memref<1x3x120xi32, #tpu.memory_space<vmem>>
        %dma_start3A_141 = tpu.memref_squeeze %dma_start3A_140 : memref<1x3x120xi32, #tpu.memory_space<vmem>> -> memref<3x120xi32, #tpu.memory_space<vmem>>
        %dma_start3A_142 = arith.constant 0 : i32
        %dma_start3A_143 = arith.constant 0 : i32
        %dma_start3A_144 = tpu.memref_slice %arg4[%add3A, %add3A_137, %dma_start3A_142, %dma_start3A_143] : memref<32x28x3x120xi32, #tpu.memory_space<hbm>> -> memref<1x1x3x120xi32, #tpu.memory_space<hbm>>
        %dma_start3A_145 = tpu.memref_squeeze %dma_start3A_144 : memref<1x1x3x120xi32, #tpu.memory_space<hbm>> -> memref<3x120xi32, #tpu.memory_space<hbm>>
        %dma_start3A_146 = arith.constant 0 : i32
        %dma_start3A_147 = arith.constant 0 : i32
        %dma_start3A_148 = tpu.memref_slice %arg7[%select_n3A_72, %dma_start3A_146, %dma_start3A_147] : memref<2x3x120xi32, #tpu.memory_space<vmem>> -> memref<1x3x120xi32, #tpu.memory_space<vmem>>
        %dma_start3A_149 = tpu.memref_squeeze %dma_start3A_148 : memref<1x3x120xi32, #tpu.memory_space<vmem>> -> memref<3x120xi32, #tpu.memory_space<vmem>>
        %dma_start3A_150 = arith.constant 0 : i32
        %dma_start3A_151 = arith.constant 0 : i32
        %dma_start3A_152 = tpu.memref_slice %arg4[%add3A, %add3A_137, %dma_start3A_150, %dma_start3A_151] : memref<32x28x3x120xi32, #tpu.memory_space<hbm>> -> memref<1x1x3x120xi32, #tpu.memory_space<hbm>>
        %dma_start3A_153 = tpu.memref_squeeze %dma_start3A_152 : memref<1x1x3x120xi32, #tpu.memory_space<hbm>> -> memref<3x120xi32, #tpu.memory_space<hbm>>
        tpu.enqueue_dma source(%dma_start3A_153 : memref<3x120xi32, #tpu.memory_space<hbm>>) target(%dma_start3A_149 : memref<3x120xi32, #tpu.memory_space<vmem>>) target_semaphore(%arg15 : memref<!tpu.dma_semaphore, #tpu.memory_space<semaphore_mem>>)
      } else {
      }
      %dma_wait3A = arith.constant 0 : i32
      %dma_wait3A_78 = arith.constant 0 : i32
      %dma_wait3A_79 = tpu.memref_slice %arg6[%select_n3A_54, %dma_wait3A, %dma_wait3A_78] : memref<2x3x120xi32, #tpu.memory_space<vmem>> -> memref<1x1x120xi32, #tpu.memory_space<vmem>>
      %dma_wait3A_80 = tpu.memref_squeeze %dma_wait3A_79 : memref<1x1x120xi32, #tpu.memory_space<vmem>> -> memref<120xi32, #tpu.memory_space<vmem>>
      %dma_wait3A_81 = arith.constant 0 : i32
      %dma_wait3A_82 = arith.constant 0 : i32
      %dma_wait3A_83 = tpu.memref_slice %arg2[%dma_wait3A_81, %dma_wait3A_82] : memref<10048x128xf32, #tpu.memory_space<hbm>> -> memref<10048x128xf32, #tpu.memory_space<hbm>>
      tpu.wait_indirect_dma semaphore(%arg12 : memref<!tpu.dma_semaphore, #tpu.memory_space<semaphore_mem>>) src(%dma_wait3A_83 : memref<10048x128xf32, #tpu.memory_space<hbm>>) dst(%arg8 : memref<120x128xf32, #tpu.memory_space<vmem>>)
      %dma_start3A_84 = arith.constant 2 : i32
      %dma_start3A_85 = arith.constant 0 : i32
      %dma_start3A_86 = tpu.memref_slice %arg6[%select_n3A_54, %dma_start3A_84, %dma_start3A_85] : memref<2x3x120xi32, #tpu.memory_space<vmem>> -> memref<1x1x120xi32, #tpu.memory_space<vmem>>
      %dma_start3A_87 = tpu.memref_squeeze %dma_start3A_86 : memref<1x1x120xi32, #tpu.memory_space<vmem>> -> memref<120xi32, #tpu.memory_space<vmem>>
      %dma_start3A_88 = arith.constant 0 : i32
      %dma_start3A_89 = arith.constant 0 : i32
      %dma_start3A_90 = tpu.memref_slice %arg2[%dma_start3A_88, %dma_start3A_89] : memref<10048x128xf32, #tpu.memory_space<hbm>> -> memref<10048x128xf32, #tpu.memory_space<hbm>>
      tpu.enqueue_indirect_dma source(%dma_start3A_90 : memref<10048x128xf32, #tpu.memory_space<hbm>>) target(%arg10 : memref<120x128xf32, #tpu.memory_space<vmem>>) offsets(%dma_start3A_87 : memref<120xi32, #tpu.memory_space<vmem>>) semaphore(%arg14 : memref<!tpu.dma_semaphore, #tpu.memory_space<semaphore_mem>>)
      %run_scoped3A_91 = arith.constant 0 : i32
      "tpu.region"() ({
        %run_scoped3A_118 = tpu.sem_alloc : memref<!tpu.dma_semaphore, #tpu.memory_space<semaphore_mem>>
        %dma_start3A_119 = arith.constant 0 : i32
        %dma_start3A_120 = tpu.memref_slice %arg7[%select_n3A_54, %run_scoped3A_91, %dma_start3A_119] : memref<2x3x120xi32, #tpu.memory_space<vmem>> -> memref<1x1x120xi32, #tpu.memory_space<vmem>>
        %dma_start3A_121 = tpu.memref_squeeze %dma_start3A_120 : memref<1x1x120xi32, #tpu.memory_space<vmem>> -> memref<120xi32, #tpu.memory_space<vmem>>
        %dma_start3A_122 = arith.constant 0 : i32
        %dma_start3A_123 = arith.constant 0 : i32
        %dma_start3A_124 = tpu.memref_slice %arg11[%dma_start3A_122, %dma_start3A_123] : memref<10000x128xf32, #tpu.memory_space<vmem_shared>> -> memref<10000x128xf32, #tpu.memory_space<vmem_shared>>
        tpu.enqueue_indirect_dma source(%arg8 : memref<120x128xf32, #tpu.memory_space<vmem>>) target(%dma_start3A_124 : memref<10000x128xf32, #tpu.memory_space<vmem_shared>>) offsets(%dma_start3A_121 : memref<120xi32, #tpu.memory_space<vmem>>) semaphore(%run_scoped3A_118 : memref<!tpu.dma_semaphore, #tpu.memory_space<semaphore_mem>>) {add = true}
        %dma_wait3A_125 = arith.constant 0 : i32
        %dma_wait3A_126 = tpu.memref_slice %arg7[%select_n3A_54, %run_scoped3A_91, %dma_wait3A_125] : memref<2x3x120xi32, #tpu.memory_space<vmem>> -> memref<1x1x120xi32, #tpu.memory_space<vmem>>
        %dma_wait3A_127 = tpu.memref_squeeze %dma_wait3A_126 : memref<1x1x120xi32, #tpu.memory_space<vmem>> -> memref<120xi32, #tpu.memory_space<vmem>>
        %dma_wait3A_128 = arith.constant 0 : i32
        %dma_wait3A_129 = arith.constant 0 : i32
        %dma_wait3A_130 = tpu.memref_slice %arg11[%dma_wait3A_128, %dma_wait3A_129] : memref<10000x128xf32, #tpu.memory_space<vmem_shared>> -> memref<10000x128xf32, #tpu.memory_space<vmem_shared>>
        tpu.wait_indirect_dma semaphore(%run_scoped3A_118 : memref<!tpu.dma_semaphore, #tpu.memory_space<semaphore_mem>>) src(%arg8 : memref<120x128xf32, #tpu.memory_space<vmem>>) dst(%dma_wait3A_130 : memref<10000x128xf32, #tpu.memory_space<vmem_shared>>)
        tpu.yield
      }) : () -> ()
      %lt3A_92 = arith.constant 27 : i32
      %lt3A_93 = arith.cmpi slt, %scan3A_42, %lt3A_92 : i32
      %convert_element_type3A_94 = arith.extui %lt3A_93 : i1 to i32
      %cond3A_95 = arith.constant 0 : i32
      %cond3A_96 = arith.cmpi ne, %convert_element_type3A_94, %cond3A_95 : i32
      scf.if %cond3A_96 {
        %dma_wait3A_118 = arith.constant 0 : i32
        %dma_wait3A_119 = arith.constant 0 : i32
        %dma_wait3A_120 = arith.constant 0 : i32
        %dma_wait3A_121 = tpu.memref_slice %arg6[%select_n3A_72, %dma_wait3A_119, %dma_wait3A_120] : memref<2x3x120xi32, #tpu.memory_space<vmem>> -> memref<1x3x120xi32, #tpu.memory_space<vmem>>
        %dma_wait3A_122 = tpu.memref_squeeze %dma_wait3A_121 : memref<1x3x120xi32, #tpu.memory_space<vmem>> -> memref<3x120xi32, #tpu.memory_space<vmem>>
        %dma_wait3A_123 = arith.constant 0 : i32
        %dma_wait3A_124 = arith.constant 0 : i32
        %dma_wait3A_125 = tpu.memref_slice %arg3[%add3A, %dma_wait3A_118, %dma_wait3A_123, %dma_wait3A_124] : memref<32x28x3x120xi32, #tpu.memory_space<hbm>> -> memref<1x1x3x120xi32, #tpu.memory_space<hbm>>
        %dma_wait3A_126 = tpu.memref_squeeze %dma_wait3A_125 : memref<1x1x3x120xi32, #tpu.memory_space<hbm>> -> memref<3x120xi32, #tpu.memory_space<hbm>>
        %dma_wait3A_127 = arith.constant 0 : i32
        %dma_wait3A_128 = arith.constant 0 : i32
        %dma_wait3A_129 = tpu.memref_slice %arg6[%select_n3A_72, %dma_wait3A_127, %dma_wait3A_128] : memref<2x3x120xi32, #tpu.memory_space<vmem>> -> memref<1x3x120xi32, #tpu.memory_space<vmem>>
        %dma_wait3A_130 = tpu.memref_squeeze %dma_wait3A_129 : memref<1x3x120xi32, #tpu.memory_space<vmem>> -> memref<3x120xi32, #tpu.memory_space<vmem>>
        %dma_wait3A_131 = arith.constant 0 : i32
        %dma_wait3A_132 = arith.constant 0 : i32
        %dma_wait3A_133 = tpu.memref_slice %arg3[%add3A, %dma_wait3A_118, %dma_wait3A_131, %dma_wait3A_132] : memref<32x28x3x120xi32, #tpu.memory_space<hbm>> -> memref<1x1x3x120xi32, #tpu.memory_space<hbm>>
        %dma_wait3A_134 = tpu.memref_squeeze %dma_wait3A_133 : memref<1x1x3x120xi32, #tpu.memory_space<hbm>> -> memref<3x120xi32, #tpu.memory_space<hbm>>
        tpu.wait_dma2 semaphore(%arg15 : memref<!tpu.dma_semaphore, #tpu.memory_space<semaphore_mem>>) src(%dma_wait3A_134 : memref<3x120xi32, #tpu.memory_space<hbm>>) dst(%dma_wait3A_130 : memref<3x120xi32, #tpu.memory_space<vmem>>)
        %dma_wait3A_135 = arith.constant 0 : i32
        %dma_wait3A_136 = arith.constant 0 : i32
        %dma_wait3A_137 = arith.constant 0 : i32
        %dma_wait3A_138 = tpu.memref_slice %arg7[%select_n3A_72, %dma_wait3A_136, %dma_wait3A_137] : memref<2x3x120xi32, #tpu.memory_space<vmem>> -> memref<1x3x120xi32, #tpu.memory_space<vmem>>
        %dma_wait3A_139 = tpu.memref_squeeze %dma_wait3A_138 : memref<1x3x120xi32, #tpu.memory_space<vmem>> -> memref<3x120xi32, #tpu.memory_space<vmem>>
        %dma_wait3A_140 = arith.constant 0 : i32
        %dma_wait3A_141 = arith.constant 0 : i32
        %dma_wait3A_142 = tpu.memref_slice %arg4[%add3A, %dma_wait3A_135, %dma_wait3A_140, %dma_wait3A_141] : memref<32x28x3x120xi32, #tpu.memory_space<hbm>> -> memref<1x1x3x120xi32, #tpu.memory_space<hbm>>
        %dma_wait3A_143 = tpu.memref_squeeze %dma_wait3A_142 : memref<1x1x3x120xi32, #tpu.memory_space<hbm>> -> memref<3x120xi32, #tpu.memory_space<hbm>>
        %dma_wait3A_144 = arith.constant 0 : i32
        %dma_wait3A_145 = arith.constant 0 : i32
        %dma_wait3A_146 = tpu.memref_slice %arg7[%select_n3A_72, %dma_wait3A_144, %dma_wait3A_145] : memref<2x3x120xi32, #tpu.memory_space<vmem>> -> memref<1x3x120xi32, #tpu.memory_space<vmem>>
        %dma_wait3A_147 = tpu.memref_squeeze %dma_wait3A_146 : memref<1x3x120xi32, #tpu.memory_space<vmem>> -> memref<3x120xi32, #tpu.memory_space<vmem>>
        %dma_wait3A_148 = arith.constant 0 : i32
        %dma_wait3A_149 = arith.constant 0 : i32
        %dma_wait3A_150 = tpu.memref_slice %arg4[%add3A, %dma_wait3A_135, %dma_wait3A_148, %dma_wait3A_149] : memref<32x28x3x120xi32, #tpu.memory_space<hbm>> -> memref<1x1x3x120xi32, #tpu.memory_space<hbm>>
        %dma_wait3A_151 = tpu.memref_squeeze %dma_wait3A_150 : memref<1x1x3x120xi32, #tpu.memory_space<hbm>> -> memref<3x120xi32, #tpu.memory_space<hbm>>
        tpu.wait_dma2 semaphore(%arg15 : memref<!tpu.dma_semaphore, #tpu.memory_space<semaphore_mem>>) src(%dma_wait3A_151 : memref<3x120xi32, #tpu.memory_space<hbm>>) dst(%dma_wait3A_147 : memref<3x120xi32, #tpu.memory_space<vmem>>)
        %dma_start3A_152 = arith.constant 0 : i32
        %dma_start3A_153 = arith.constant 0 : i32
        %dma_start3A_154 = tpu.memref_slice %arg6[%select_n3A_72, %dma_start3A_152, %dma_start3A_153] : memref<2x3x120xi32, #tpu.memory_space<vmem>> -> memref<1x1x120xi32, #tpu.memory_space<vmem>>
        %dma_start3A_155 = tpu.memref_squeeze %dma_start3A_154 : memref<1x1x120xi32, #tpu.memory_space<vmem>> -> memref<120xi32, #tpu.memory_space<vmem>>
        %dma_start3A_156 = arith.constant 0 : i32
        %dma_start3A_157 = arith.constant 0 : i32
        %dma_start3A_158 = tpu.memref_slice %arg2[%dma_start3A_156, %dma_start3A_157] : memref<10048x128xf32, #tpu.memory_space<hbm>> -> memref<10048x128xf32, #tpu.memory_space<hbm>>
        tpu.enqueue_indirect_dma source(%dma_start3A_158 : memref<10048x128xf32, #tpu.memory_space<hbm>>) target(%arg8 : memref<120x128xf32, #tpu.memory_space<vmem>>) offsets(%dma_start3A_155 : memref<120xi32, #tpu.memory_space<vmem>>) semaphore(%arg12 : memref<!tpu.dma_semaphore, #tpu.memory_space<semaphore_mem>>)
      } else {
      }
      %dma_wait3A_97 = arith.constant 1 : i32
      %dma_wait3A_98 = arith.constant 0 : i32
      %dma_wait3A_99 = tpu.memref_slice %arg6[%select_n3A_54, %dma_wait3A_97, %dma_wait3A_98] : memref<2x3x120xi32, #tpu.memory_space<vmem>> -> memref<1x1x120xi32, #tpu.memory_space<vmem>>
      %dma_wait3A_100 = tpu.memref_squeeze %dma_wait3A_99 : memref<1x1x120xi32, #tpu.memory_space<vmem>> -> memref<120xi32, #tpu.memory_space<vmem>>
      %dma_wait3A_101 = arith.constant 0 : i32
      %dma_wait3A_102 = arith.constant 0 : i32
      %dma_wait3A_103 = tpu.memref_slice %arg2[%dma_wait3A_101, %dma_wait3A_102] : memref<10048x128xf32, #tpu.memory_space<hbm>> -> memref<10048x128xf32, #tpu.memory_space<hbm>>
      tpu.wait_indirect_dma semaphore(%arg13 : memref<!tpu.dma_semaphore, #tpu.memory_space<semaphore_mem>>) src(%dma_wait3A_103 : memref<10048x128xf32, #tpu.memory_space<hbm>>) dst(%arg9 : memref<120x128xf32, #tpu.memory_space<vmem>>)
      %run_scoped3A_104 = arith.constant 1 : i32
      "tpu.region"() ({
        %run_scoped3A_118 = tpu.sem_alloc : memref<!tpu.dma_semaphore, #tpu.memory_space<semaphore_mem>>
        %dma_start3A_119 = arith.constant 0 : i32
        %dma_start3A_120 = tpu.memref_slice %arg7[%select_n3A_54, %run_scoped3A_104, %dma_start3A_119] : memref<2x3x120xi32, #tpu.memory_space<vmem>> -> memref<1x1x120xi32, #tpu.memory_space<vmem>>
        %dma_start3A_121 = tpu.memref_squeeze %dma_start3A_120 : memref<1x1x120xi32, #tpu.memory_space<vmem>> -> memref<120xi32, #tpu.memory_space<vmem>>
        %dma_start3A_122 = arith.constant 0 : i32
        %dma_start3A_123 = arith.constant 0 : i32
        %dma_start3A_124 = tpu.memref_slice %arg11[%dma_start3A_122, %dma_start3A_123] : memref<10000x128xf32, #tpu.memory_space<vmem_shared>> -> memref<10000x128xf32, #tpu.memory_space<vmem_shared>>
        tpu.enqueue_indirect_dma source(%arg9 : memref<120x128xf32, #tpu.memory_space<vmem>>) target(%dma_start3A_124 : memref<10000x128xf32, #tpu.memory_space<vmem_shared>>) offsets(%dma_start3A_121 : memref<120xi32, #tpu.memory_space<vmem>>) semaphore(%run_scoped3A_118 : memref<!tpu.dma_semaphore, #tpu.memory_space<semaphore_mem>>) {add = true}
        %dma_wait3A_125 = arith.constant 0 : i32
        %dma_wait3A_126 = tpu.memref_slice %arg7[%select_n3A_54, %run_scoped3A_104, %dma_wait3A_125] : memref<2x3x120xi32, #tpu.memory_space<vmem>> -> memref<1x1x120xi32, #tpu.memory_space<vmem>>
        %dma_wait3A_127 = tpu.memref_squeeze %dma_wait3A_126 : memref<1x1x120xi32, #tpu.memory_space<vmem>> -> memref<120xi32, #tpu.memory_space<vmem>>
        %dma_wait3A_128 = arith.constant 0 : i32
        %dma_wait3A_129 = arith.constant 0 : i32
        %dma_wait3A_130 = tpu.memref_slice %arg11[%dma_wait3A_128, %dma_wait3A_129] : memref<10000x128xf32, #tpu.memory_space<vmem_shared>> -> memref<10000x128xf32, #tpu.memory_space<vmem_shared>>
        tpu.wait_indirect_dma semaphore(%run_scoped3A_118 : memref<!tpu.dma_semaphore, #tpu.memory_space<semaphore_mem>>) src(%arg9 : memref<120x128xf32, #tpu.memory_space<vmem>>) dst(%dma_wait3A_130 : memref<10000x128xf32, #tpu.memory_space<vmem_shared>>)
        tpu.yield
      }) : () -> ()
      %lt3A_105 = arith.constant 27 : i32
      %lt3A_106 = arith.cmpi slt, %scan3A_42, %lt3A_105 : i32
      %convert_element_type3A_107 = arith.extui %lt3A_106 : i1 to i32
      %cond3A_108 = arith.constant 0 : i32
      %cond3A_109 = arith.cmpi ne, %convert_element_type3A_107, %cond3A_108 : i32
      scf.if %cond3A_109 {
        %dma_start3A_118 = arith.constant 1 : i32
        %dma_start3A_119 = arith.constant 0 : i32
        %dma_start3A_120 = tpu.memref_slice %arg6[%select_n3A_72, %dma_start3A_118, %dma_start3A_119] : memref<2x3x120xi32, #tpu.memory_space<vmem>> -> memref<1x1x120xi32, #tpu.memory_space<vmem>>
        %dma_start3A_121 = tpu.memref_squeeze %dma_start3A_120 : memref<1x1x120xi32, #tpu.memory_space<vmem>> -> memref<120xi32, #tpu.memory_space<vmem>>
        %dma_start3A_122 = arith.constant 0 : i32
        %dma_start3A_123 = arith.constant 0 : i32
        %dma_start3A_124 = tpu.memref_slice %arg2[%dma_start3A_122, %dma_start3A_123] : memref<10048x128xf32, #tpu.memory_space<hbm>> -> memref<10048x128xf32, #tpu.memory_space<hbm>>
        tpu.enqueue_indirect_dma source(%dma_start3A_124 : memref<10048x128xf32, #tpu.memory_space<hbm>>) target(%arg9 : memref<120x128xf32, #tpu.memory_space<vmem>>) offsets(%dma_start3A_121 : memref<120xi32, #tpu.memory_space<vmem>>) semaphore(%arg13 : memref<!tpu.dma_semaphore, #tpu.memory_space<semaphore_mem>>)
      } else {
      }
      %dma_wait3A_110 = arith.constant 2 : i32
      %dma_wait3A_111 = arith.constant 0 : i32
      %dma_wait3A_112 = tpu.memref_slice %arg6[%select_n3A_54, %dma_wait3A_110, %dma_wait3A_111] : memref<2x3x120xi32, #tpu.memory_space<vmem>> -> memref<1x1x120xi32, #tpu.memory_space<vmem>>
      %dma_wait3A_113 = tpu.memref_squeeze %dma_wait3A_112 : memref<1x1x120xi32, #tpu.memory_space<vmem>> -> memref<120xi32, #tpu.memory_space<vmem>>
      %dma_wait3A_114 = arith.constant 0 : i32
      %dma_wait3A_115 = arith.constant 0 : i32
      %dma_wait3A_116 = tpu.memref_slice %arg2[%dma_wait3A_114, %dma_wait3A_115] : memref<10048x128xf32, #tpu.memory_space<hbm>> -> memref<10048x128xf32, #tpu.memory_space<hbm>>
      tpu.wait_indirect_dma semaphore(%arg14 : memref<!tpu.dma_semaphore, #tpu.memory_space<semaphore_mem>>) src(%dma_wait3A_116 : memref<10048x128xf32, #tpu.memory_space<hbm>>) dst(%arg10 : memref<120x128xf32, #tpu.memory_space<vmem>>)
      %run_scoped3A_117 = arith.constant 2 : i32
      "tpu.region"() ({
        %run_scoped3A_118 = tpu.sem_alloc : memref<!tpu.dma_semaphore, #tpu.memory_space<semaphore_mem>>
        %dma_start3A_119 = arith.constant 0 : i32
        %dma_start3A_120 = tpu.memref_slice %arg7[%select_n3A_54, %run_scoped3A_117, %dma_start3A_119] : memref<2x3x120xi32, #tpu.memory_space<vmem>> -> memref<1x1x120xi32, #tpu.memory_space<vmem>>
        %dma_start3A_121 = tpu.memref_squeeze %dma_start3A_120 : memref<1x1x120xi32, #tpu.memory_space<vmem>> -> memref<120xi32, #tpu.memory_space<vmem>>
        %dma_start3A_122 = arith.constant 0 : i32
        %dma_start3A_123 = arith.constant 0 : i32
        %dma_start3A_124 = tpu.memref_slice %arg11[%dma_start3A_122, %dma_start3A_123] : memref<10000x128xf32, #tpu.memory_space<vmem_shared>> -> memref<10000x128xf32, #tpu.memory_space<vmem_shared>>
        tpu.enqueue_indirect_dma source(%arg10 : memref<120x128xf32, #tpu.memory_space<vmem>>) target(%dma_start3A_124 : memref<10000x128xf32, #tpu.memory_space<vmem_shared>>) offsets(%dma_start3A_121 : memref<120xi32, #tpu.memory_space<vmem>>) semaphore(%run_scoped3A_118 : memref<!tpu.dma_semaphore, #tpu.memory_space<semaphore_mem>>) {add = true}
        %dma_wait3A_125 = arith.constant 0 : i32
        %dma_wait3A_126 = tpu.memref_slice %arg7[%select_n3A_54, %run_scoped3A_117, %dma_wait3A_125] : memref<2x3x120xi32, #tpu.memory_space<vmem>> -> memref<1x1x120xi32, #tpu.memory_space<vmem>>
        %dma_wait3A_127 = tpu.memref_squeeze %dma_wait3A_126 : memref<1x1x120xi32, #tpu.memory_space<vmem>> -> memref<120xi32, #tpu.memory_space<vmem>>
        %dma_wait3A_128 = arith.constant 0 : i32
        %dma_wait3A_129 = arith.constant 0 : i32
        %dma_wait3A_130 = tpu.memref_slice %arg11[%dma_wait3A_128, %dma_wait3A_129] : memref<10000x128xf32, #tpu.memory_space<vmem_shared>> -> memref<10000x128xf32, #tpu.memory_space<vmem_shared>>
        tpu.wait_indirect_dma semaphore(%run_scoped3A_118 : memref<!tpu.dma_semaphore, #tpu.memory_space<semaphore_mem>>) src(%arg10 : memref<120x128xf32, #tpu.memory_space<vmem>>) dst(%dma_wait3A_130 : memref<10000x128xf32, #tpu.memory_space<vmem_shared>>)
        tpu.yield
      }) : () -> ()
    }
    %scan3A_31 = arith.constant 28 : i32
    %barrier3A_32 = arith.constant 0 : index
    tpu.barrier barrier_id(%barrier3A_32)
    %lt3A = arith.constant 15 : i32
    %lt3A_33 = arith.cmpi slt, %arg1, %lt3A : i32
    %convert_element_type3A_34 = arith.extui %lt3A_33 : i1 to i32
    %cond3A_35 = arith.constant 0 : i32
    %cond3A_36 = arith.cmpi ne, %convert_element_type3A_34, %cond3A_35 : i32
    scf.if %cond3A_36 {
      "tpu.region"() ({
        %run_scoped3A_42 = tpu.sem_alloc : memref<!tpu.dma_semaphore, #tpu.memory_space<semaphore_mem>>
        %dma_start3A_43 = arith.constant 0 : i32
        %dma_start3A_44 = tpu.memref_slice %arg5[%arg0, %mul3A_2, %dma_start3A_43] : memref<2x10000x128xf32, #tpu.memory_space<hbm>> -> memref<1x624x128xf32, #tpu.memory_space<hbm>>
        %dma_start3A_45 = tpu.memref_squeeze %dma_start3A_44 : memref<1x624x128xf32, #tpu.memory_space<hbm>> -> memref<624x128xf32, #tpu.memory_space<hbm>>
        %dma_start3A_46 = arith.constant 0 : i32
        %dma_start3A_47 = tpu.memref_slice %arg11[%mul3A_2, %dma_start3A_46] : memref<10000x128xf32, #tpu.memory_space<vmem_shared>> -> memref<624x128xf32, #tpu.memory_space<vmem_shared>>
        tpu.enqueue_dma source(%dma_start3A_47 : memref<624x128xf32, #tpu.memory_space<vmem_shared>>) target(%dma_start3A_45 : memref<624x128xf32, #tpu.memory_space<hbm>>) target_semaphore(%run_scoped3A_42 : memref<!tpu.dma_semaphore, #tpu.memory_space<semaphore_mem>>)
        %dma_wait3A = arith.constant 0 : i32
        %dma_wait3A_48 = tpu.memref_slice %arg5[%arg0, %mul3A_2, %dma_wait3A] : memref<2x10000x128xf32, #tpu.memory_space<hbm>> -> memref<1x624x128xf32, #tpu.memory_space<hbm>>
        %dma_wait3A_49 = tpu.memref_squeeze %dma_wait3A_48 : memref<1x624x128xf32, #tpu.memory_space<hbm>> -> memref<624x128xf32, #tpu.memory_space<hbm>>
        %dma_wait3A_50 = arith.constant 0 : i32
        %dma_wait3A_51 = tpu.memref_slice %arg11[%mul3A_2, %dma_wait3A_50] : memref<10000x128xf32, #tpu.memory_space<vmem_shared>> -> memref<624x128xf32, #tpu.memory_space<vmem_shared>>
        tpu.wait_dma2 semaphore(%run_scoped3A_42 : memref<!tpu.dma_semaphore, #tpu.memory_space<semaphore_mem>>) src(%dma_wait3A_51 : memref<624x128xf32, #tpu.memory_space<vmem_shared>>) dst(%dma_wait3A_49 : memref<624x128xf32, #tpu.memory_space<hbm>>)
        tpu.yield
      }) : () -> ()
    } else {
    }
    %eq3A_37 = arith.constant 15 : i32
    %eq3A_38 = arith.cmpi eq, %arg1, %eq3A_37 : i32
    %convert_element_type3A_39 = arith.extui %eq3A_38 : i1 to i32
    %cond3A_40 = arith.constant 0 : i32
    %cond3A_41 = arith.cmpi ne, %convert_element_type3A_39, %cond3A_40 : i32
    scf.if %cond3A_41 {
      "tpu.region"() ({
        %run_scoped3A_42 = tpu.sem_alloc : memref<!tpu.dma_semaphore, #tpu.memory_space<semaphore_mem>>
        %dma_start3A_43 = arith.constant 9360 : i32
        %dma_start3A_44 = arith.constant 0 : i32
        %dma_start3A_45 = tpu.memref_slice %arg5[%arg0, %dma_start3A_43, %dma_start3A_44] : memref<2x10000x128xf32, #tpu.memory_space<hbm>> -> memref<1x640x128xf32, #tpu.memory_space<hbm>>
        %dma_start3A_46 = tpu.memref_squeeze %dma_start3A_45 : memref<1x640x128xf32, #tpu.memory_space<hbm>> -> memref<640x128xf32, #tpu.memory_space<hbm>>
        %dma_start3A_47 = arith.constant 9360 : i32
        %dma_start3A_48 = arith.constant 0 : i32
        %dma_start3A_49 = tpu.memref_slice %arg11[%dma_start3A_47, %dma_start3A_48] : memref<10000x128xf32, #tpu.memory_space<vmem_shared>> -> memref<640x128xf32, #tpu.memory_space<vmem_shared>>
        tpu.enqueue_dma source(%dma_start3A_49 : memref<640x128xf32, #tpu.memory_space<vmem_shared>>) target(%dma_start3A_46 : memref<640x128xf32, #tpu.memory_space<hbm>>) target_semaphore(%run_scoped3A_42 : memref<!tpu.dma_semaphore, #tpu.memory_space<semaphore_mem>>)
        %dma_wait3A = arith.constant 9360 : i32
        %dma_wait3A_50 = arith.constant 0 : i32
        %dma_wait3A_51 = tpu.memref_slice %arg5[%arg0, %dma_wait3A, %dma_wait3A_50] : memref<2x10000x128xf32, #tpu.memory_space<hbm>> -> memref<1x640x128xf32, #tpu.memory_space<hbm>>
        %dma_wait3A_52 = tpu.memref_squeeze %dma_wait3A_51 : memref<1x640x128xf32, #tpu.memory_space<hbm>> -> memref<640x128xf32, #tpu.memory_space<hbm>>
        %dma_wait3A_53 = arith.constant 9360 : i32
        %dma_wait3A_54 = arith.constant 0 : i32
        %dma_wait3A_55 = tpu.memref_slice %arg11[%dma_wait3A_53, %dma_wait3A_54] : memref<10000x128xf32, #tpu.memory_space<vmem_shared>> -> memref<640x128xf32, #tpu.memory_space<vmem_shared>>
        tpu.wait_dma2 semaphore(%run_scoped3A_42 : memref<!tpu.dma_semaphore, #tpu.memory_space<semaphore_mem>>) src(%dma_wait3A_55 : memref<640x128xf32, #tpu.memory_space<vmem_shared>>) dst(%dma_wait3A_52 : memref<640x128xf32, #tpu.memory_space<hbm>>)
        tpu.yield
      }) : () -> ()
    } else {
    }
    return
  }
}

#map = affine_map<(d0, d1) -> (0, 0, 0)>
#map1 = affine_map<(d0, d1) -> (0)>
module attributes {stable_mosaic.version = 14 : i64} {
  func.func @_deg_body(%arg0: i32, %arg1: i32, %arg2: memref<32x80x128xi32, #tpu.memory_space<hbm>>, %arg3: memref<10112xf32, #tpu.memory_space<hbm>>, %arg4: memref<10112xf32, #tpu.memory_space<hbm>>, %arg5: memref<80x128xi32, #tpu.memory_space<vmem>>, %arg6: memref<128xf32, #tpu.memory_space<vmem>>, %arg7: memref<640xf32, #tpu.memory_space<vmem>>, %arg8: memref<10112xf32, #tpu.memory_space<vmem_shared>>) attributes {dimension_semantics = [#tpu.dimension_semantics<core_parallel>, #tpu.dimension_semantics<subcore_parallel>], iteration_bounds = array<i64: 2, 16>, scalar_prefetch = 0 : i64, scratch_operands = 4 : i64, tpu.core_type = #tpu.core_type<sc_vector_subcore>, window_params = [{transform_indices = #map}, {transform_indices = #map1}, {transform_indices = #map1}]} {
    %mul3A = arith.constant 2 : i32
    %mul3A_0 = arith.muli %arg1, %mul3A : i32
    %add3A = arith.addi %mul3A_0, %arg0 : i32
    %mul3A_1 = arith.constant 632 : i32
    %mul3A_2 = arith.muli %arg1, %mul3A_1 : i32
    "tpu.region"() ({
      %run_scoped3A = tpu.sem_alloc : memref<!tpu.dma_semaphore, #tpu.memory_space<semaphore_mem>>
      %dma_start3A = arith.constant 0 : i32
      %dma_start3A_67 = arith.constant 0 : i32
      %dma_start3A_68 = tpu.memref_slice %arg2[%add3A, %dma_start3A, %dma_start3A_67] : memref<32x80x128xi32, #tpu.memory_space<hbm>> -> memref<1x80x128xi32, #tpu.memory_space<hbm>>
      %dma_start3A_69 = tpu.memref_squeeze %dma_start3A_68 : memref<1x80x128xi32, #tpu.memory_space<hbm>> -> memref<80x128xi32, #tpu.memory_space<hbm>>
      %dma_start3A_70 = arith.constant 0 : i32
      %dma_start3A_71 = arith.constant 0 : i32
      %dma_start3A_72 = tpu.memref_slice %arg2[%add3A, %dma_start3A_70, %dma_start3A_71] : memref<32x80x128xi32, #tpu.memory_space<hbm>> -> memref<1x80x128xi32, #tpu.memory_space<hbm>>
      %dma_start3A_73 = tpu.memref_squeeze %dma_start3A_72 : memref<1x80x128xi32, #tpu.memory_space<hbm>> -> memref<80x128xi32, #tpu.memory_space<hbm>>
      tpu.enqueue_dma source(%dma_start3A_73 : memref<80x128xi32, #tpu.memory_space<hbm>>) target(%arg5 : memref<80x128xi32, #tpu.memory_space<vmem>>) target_semaphore(%run_scoped3A : memref<!tpu.dma_semaphore, #tpu.memory_space<semaphore_mem>>)
      %dma_wait3A = arith.constant 0 : i32
      %dma_wait3A_74 = arith.constant 0 : i32
      %dma_wait3A_75 = tpu.memref_slice %arg2[%add3A, %dma_wait3A, %dma_wait3A_74] : memref<32x80x128xi32, #tpu.memory_space<hbm>> -> memref<1x80x128xi32, #tpu.memory_space<hbm>>
      %dma_wait3A_76 = tpu.memref_squeeze %dma_wait3A_75 : memref<1x80x128xi32, #tpu.memory_space<hbm>> -> memref<80x128xi32, #tpu.memory_space<hbm>>
      %dma_wait3A_77 = arith.constant 0 : i32
      %dma_wait3A_78 = arith.constant 0 : i32
      %dma_wait3A_79 = tpu.memref_slice %arg2[%add3A, %dma_wait3A_77, %dma_wait3A_78] : memref<32x80x128xi32, #tpu.memory_space<hbm>> -> memref<1x80x128xi32, #tpu.memory_space<hbm>>
      %dma_wait3A_80 = tpu.memref_squeeze %dma_wait3A_79 : memref<1x80x128xi32, #tpu.memory_space<hbm>> -> memref<80x128xi32, #tpu.memory_space<hbm>>
      tpu.wait_dma2 semaphore(%run_scoped3A : memref<!tpu.dma_semaphore, #tpu.memory_space<semaphore_mem>>) src(%dma_wait3A_80 : memref<80x128xi32, #tpu.memory_space<hbm>>) dst(%arg5 : memref<80x128xi32, #tpu.memory_space<vmem>>)
      tpu.yield
    }) : () -> ()
    %broadcast_in_dim3A = arith.constant 1.000000e+00 : f32
    %broadcast_in_dim3A_3 = vector.broadcast %broadcast_in_dim3A : f32 to vector<16xf32>
    %swap3A = arith.constant 0 : index
    %swap3A_4 = tpu.vector_load %arg6[%swap3A] {strides = array<i32>} : memref<128xf32, #tpu.memory_space<vmem>>, vector<16xf32>,
    %swap3A_5 = vector.shape_cast %swap3A_4 : vector<16xf32> to vector<16xf32>
    %swap3A_6 = vector.shape_cast %broadcast_in_dim3A_3 : vector<16xf32> to vector<16xf32>
    tpu.vector_store %arg6[%swap3A], %swap3A_6 {strides = array<i32>} : memref<128xf32, #tpu.memory_space<vmem>>, vector<16xf32>,
    %broadcast_in_dim3A_7 = arith.constant 1.000000e+00 : f32
    %broadcast_in_dim3A_8 = vector.broadcast %broadcast_in_dim3A_7 : f32 to vector<16xf32>
    %swap3A_9 = arith.constant 16 : index
    %swap3A_10 = tpu.vector_load %arg6[%swap3A_9] {strides = array<i32>} : memref<128xf32, #tpu.memory_space<vmem>>, vector<16xf32>,
    %swap3A_11 = vector.shape_cast %swap3A_10 : vector<16xf32> to vector<16xf32>
    %swap3A_12 = vector.shape_cast %broadcast_in_dim3A_8 : vector<16xf32> to vector<16xf32>
    tpu.vector_store %arg6[%swap3A_9], %swap3A_12 {strides = array<i32>} : memref<128xf32, #tpu.memory_space<vmem>>, vector<16xf32>,
    %broadcast_in_dim3A_13 = arith.constant 1.000000e+00 : f32
    %broadcast_in_dim3A_14 = vector.broadcast %broadcast_in_dim3A_13 : f32 to vector<16xf32>
    %swap3A_15 = arith.constant 32 : index
    %swap3A_16 = tpu.vector_load %arg6[%swap3A_15] {strides = array<i32>} : memref<128xf32, #tpu.memory_space<vmem>>, vector<16xf32>,
    %swap3A_17 = vector.shape_cast %swap3A_16 : vector<16xf32> to vector<16xf32>
    %swap3A_18 = vector.shape_cast %broadcast_in_dim3A_14 : vector<16xf32> to vector<16xf32>
    tpu.vector_store %arg6[%swap3A_15], %swap3A_18 {strides = array<i32>} : memref<128xf32, #tpu.memory_space<vmem>>, vector<16xf32>,
    %broadcast_in_dim3A_19 = arith.constant 1.000000e+00 : f32
    %broadcast_in_dim3A_20 = vector.broadcast %broadcast_in_dim3A_19 : f32 to vector<16xf32>
    %swap3A_21 = arith.constant 48 : index
    %swap3A_22 = tpu.vector_load %arg6[%swap3A_21] {strides = array<i32>} : memref<128xf32, #tpu.memory_space<vmem>>, vector<16xf32>,
    %swap3A_23 = vector.shape_cast %swap3A_22 : vector<16xf32> to vector<16xf32>
    %swap3A_24 = vector.shape_cast %broadcast_in_dim3A_20 : vector<16xf32> to vector<16xf32>
    tpu.vector_store %arg6[%swap3A_21], %swap3A_24 {strides = array<i32>} : memref<128xf32, #tpu.memory_space<vmem>>, vector<16xf32>,
    %broadcast_in_dim3A_25 = arith.constant 1.000000e+00 : f32
    %broadcast_in_dim3A_26 = vector.broadcast %broadcast_in_dim3A_25 : f32 to vector<16xf32>
    %swap3A_27 = arith.constant 64 : index
    %swap3A_28 = tpu.vector_load %arg6[%swap3A_27] {strides = array<i32>} : memref<128xf32, #tpu.memory_space<vmem>>, vector<16xf32>,
    %swap3A_29 = vector.shape_cast %swap3A_28 : vector<16xf32> to vector<16xf32>
    %swap3A_30 = vector.shape_cast %broadcast_in_dim3A_26 : vector<16xf32> to vector<16xf32>
    tpu.vector_store %arg6[%swap3A_27], %swap3A_30 {strides = array<i32>} : memref<128xf32, #tpu.memory_space<vmem>>, vector<16xf32>,
    %broadcast_in_dim3A_31 = arith.constant 1.000000e+00 : f32
    %broadcast_in_dim3A_32 = vector.broadcast %broadcast_in_dim3A_31 : f32 to vector<16xf32>
    %swap3A_33 = arith.constant 80 : index
    %swap3A_34 = tpu.vector_load %arg6[%swap3A_33] {strides = array<i32>} : memref<128xf32, #tpu.memory_space<vmem>>, vector<16xf32>,
    %swap3A_35 = vector.shape_cast %swap3A_34 : vector<16xf32> to vector<16xf32>
    %swap3A_36 = vector.shape_cast %broadcast_in_dim3A_32 : vector<16xf32> to vector<16xf32>
    tpu.vector_store %arg6[%swap3A_33], %swap3A_36 {strides = array<i32>} : memref<128xf32, #tpu.memory_space<vmem>>, vector<16xf32>,
    %broadcast_in_dim3A_37 = arith.constant 1.000000e+00 : f32
    %broadcast_in_dim3A_38 = vector.broadcast %broadcast_in_dim3A_37 : f32 to vector<16xf32>
    %swap3A_39 = arith.constant 96 : index
    %swap3A_40 = tpu.vector_load %arg6[%swap3A_39] {strides = array<i32>} : memref<128xf32, #tpu.memory_space<vmem>>, vector<16xf32>,
    %swap3A_41 = vector.shape_cast %swap3A_40 : vector<16xf32> to vector<16xf32>
    %swap3A_42 = vector.shape_cast %broadcast_in_dim3A_38 : vector<16xf32> to vector<16xf32>
    tpu.vector_store %arg6[%swap3A_39], %swap3A_42 {strides = array<i32>} : memref<128xf32, #tpu.memory_space<vmem>>, vector<16xf32>,
    %broadcast_in_dim3A_43 = arith.constant 1.000000e+00 : f32
    %broadcast_in_dim3A_44 = vector.broadcast %broadcast_in_dim3A_43 : f32 to vector<16xf32>
    %swap3A_45 = arith.constant 112 : index
    %swap3A_46 = tpu.vector_load %arg6[%swap3A_45] {strides = array<i32>} : memref<128xf32, #tpu.memory_space<vmem>>, vector<16xf32>,
    %swap3A_47 = vector.shape_cast %swap3A_46 : vector<16xf32> to vector<16xf32>
    %swap3A_48 = vector.shape_cast %broadcast_in_dim3A_44 : vector<16xf32> to vector<16xf32>
    tpu.vector_store %arg6[%swap3A_45], %swap3A_48 {strides = array<i32>} : memref<128xf32, #tpu.memory_space<vmem>>, vector<16xf32>,
    %scan3A = arith.constant 0 : i32
    %scan3A_49 = arith.constant 0 : i32
    %scan3A_50 = arith.constant 40 : i32
    %scan3A_51 = arith.addi %scan3A_49, %scan3A_50 : i32
    %scan3A_52 = arith.constant 1 : i32
    scf.for %scan3A_67 = %scan3A_49 to %scan3A_51 step %scan3A_52  : i32 {
      %broadcast_in_dim3A_68 = arith.constant 0.000000e+00 : f32
      %broadcast_in_dim3A_69 = vector.broadcast %broadcast_in_dim3A_68 : f32 to vector<16xf32>
      %mul3A_70 = arith.constant 16 : i32
      %mul3A_71 = arith.muli %scan3A_67, %mul3A_70 : i32
      %swap3A_72 = arith.index_cast %mul3A_71 : i32 to index
      %swap3A_73 = tpu.vector_load %arg7[%swap3A_72] {strides = array<i32>} : memref<640xf32, #tpu.memory_space<vmem>>, vector<16xf32>,
      %swap3A_74 = vector.shape_cast %swap3A_73 : vector<16xf32> to vector<16xf32>
      %swap3A_75 = vector.shape_cast %broadcast_in_dim3A_69 : vector<16xf32> to vector<16xf32>
      tpu.vector_store %arg7[%swap3A_72], %swap3A_75 {strides = array<i32>} : memref<640xf32, #tpu.memory_space<vmem>>, vector<16xf32>,
    }
    %scan3A_53 = arith.constant 40 : i32
    "tpu.region"() ({
      %run_scoped3A = tpu.sem_alloc : memref<!tpu.dma_semaphore, #tpu.memory_space<semaphore_mem>>
      %dma_start3A = arith.constant 0 : i32
      %dma_start3A_67 = tpu.memref_slice %arg7[%dma_start3A] : memref<640xf32, #tpu.memory_space<vmem>> -> memref<632xf32, #tpu.memory_space<vmem>>
      %dma_start3A_68 = tpu.memref_slice %arg8[%mul3A_2] : memref<10112xf32, #tpu.memory_space<vmem_shared>> -> memref<632xf32, #tpu.memory_space<vmem_shared>>
      %dma_start3A_69 = tpu.memref_slice %arg8[%mul3A_2] : memref<10112xf32, #tpu.memory_space<vmem_shared>> -> memref<632xf32, #tpu.memory_space<vmem_shared>>
      %dma_start3A_70 = arith.constant 0 : i32
      %dma_start3A_71 = tpu.memref_slice %arg7[%dma_start3A_70] : memref<640xf32, #tpu.memory_space<vmem>> -> memref<632xf32, #tpu.memory_space<vmem>>
      tpu.enqueue_dma source(%dma_start3A_71 : memref<632xf32, #tpu.memory_space<vmem>>) target(%dma_start3A_69 : memref<632xf32, #tpu.memory_space<vmem_shared>>) target_semaphore(%run_scoped3A : memref<!tpu.dma_semaphore, #tpu.memory_space<semaphore_mem>>)
      %dma_wait3A = arith.constant 0 : i32
      %dma_wait3A_72 = tpu.memref_slice %arg7[%dma_wait3A] : memref<640xf32, #tpu.memory_space<vmem>> -> memref<632xf32, #tpu.memory_space<vmem>>
      %dma_wait3A_73 = tpu.memref_slice %arg8[%mul3A_2] : memref<10112xf32, #tpu.memory_space<vmem_shared>> -> memref<632xf32, #tpu.memory_space<vmem_shared>>
      %dma_wait3A_74 = tpu.memref_slice %arg8[%mul3A_2] : memref<10112xf32, #tpu.memory_space<vmem_shared>> -> memref<632xf32, #tpu.memory_space<vmem_shared>>
      %dma_wait3A_75 = arith.constant 0 : i32
      %dma_wait3A_76 = tpu.memref_slice %arg7[%dma_wait3A_75] : memref<640xf32, #tpu.memory_space<vmem>> -> memref<632xf32, #tpu.memory_space<vmem>>
      tpu.wait_dma2 semaphore(%run_scoped3A : memref<!tpu.dma_semaphore, #tpu.memory_space<semaphore_mem>>) src(%dma_wait3A_76 : memref<632xf32, #tpu.memory_space<vmem>>) dst(%dma_wait3A_74 : memref<632xf32, #tpu.memory_space<vmem_shared>>)
      tpu.yield
    }) : () -> ()
    %barrier3A = arith.constant 0 : index
    tpu.barrier barrier_id(%barrier3A)
    %scan3A_54 = arith.constant 0 : i32
    %scan3A_55 = arith.constant 0 : i32
    %scan3A_56 = arith.constant 80 : i32
    %scan3A_57 = arith.addi %scan3A_55, %scan3A_56 : i32
    %scan3A_58 = arith.constant 1 : i32
    scf.for %scan3A_67 = %scan3A_55 to %scan3A_57 step %scan3A_58  : i32 {
      "tpu.region"() ({
        %run_scoped3A = tpu.sem_alloc : memref<!tpu.dma_semaphore, #tpu.memory_space<semaphore_mem>>
        %dma_start3A = arith.constant 0 : i32
        %dma_start3A_68 = tpu.memref_slice %arg5[%scan3A_67, %dma_start3A] : memref<80x128xi32, #tpu.memory_space<vmem>> -> memref<1x128xi32, #tpu.memory_space<vmem>>
        %dma_start3A_69 = tpu.memref_squeeze %dma_start3A_68 : memref<1x128xi32, #tpu.memory_space<vmem>> -> memref<128xi32, #tpu.memory_space<vmem>>
        %dma_start3A_70 = arith.constant 0 : i32
        %dma_start3A_71 = tpu.memref_slice %arg8[%dma_start3A_70] : memref<10112xf32, #tpu.memory_space<vmem_shared>> -> memref<10112xf32, #tpu.memory_space<vmem_shared>>
        tpu.enqueue_indirect_dma source(%arg6 : memref<128xf32, #tpu.memory_space<vmem>>) target(%dma_start3A_71 : memref<10112xf32, #tpu.memory_space<vmem_shared>>) offsets(%dma_start3A_69 : memref<128xi32, #tpu.memory_space<vmem>>) semaphore(%run_scoped3A : memref<!tpu.dma_semaphore, #tpu.memory_space<semaphore_mem>>) {add = true}
        %dma_wait3A = arith.constant 0 : i32
        %dma_wait3A_72 = tpu.memref_slice %arg5[%scan3A_67, %dma_wait3A] : memref<80x128xi32, #tpu.memory_space<vmem>> -> memref<1x128xi32, #tpu.memory_space<vmem>>
        %dma_wait3A_73 = tpu.memref_squeeze %dma_wait3A_72 : memref<1x128xi32, #tpu.memory_space<vmem>> -> memref<128xi32, #tpu.memory_space<vmem>>
        %dma_wait3A_74 = arith.constant 0 : i32
        %dma_wait3A_75 = tpu.memref_slice %arg8[%dma_wait3A_74] : memref<10112xf32, #tpu.memory_space<vmem_shared>> -> memref<10112xf32, #tpu.memory_space<vmem_shared>>
        tpu.wait_indirect_dma semaphore(%run_scoped3A : memref<!tpu.dma_semaphore, #tpu.memory_space<semaphore_mem>>) src(%arg6 : memref<128xf32, #tpu.memory_space<vmem>>) dst(%dma_wait3A_75 : memref<10112xf32, #tpu.memory_space<vmem_shared>>)
        tpu.yield
      }) : () -> ()
    }
    %scan3A_59 = arith.constant 80 : i32
    %barrier3A_60 = arith.constant 0 : index
    tpu.barrier barrier_id(%barrier3A_60)
    "tpu.region"() ({
      %run_scoped3A = tpu.sem_alloc : memref<!tpu.dma_semaphore, #tpu.memory_space<semaphore_mem>>
      %dma_start3A = arith.constant 0 : i32
      %dma_start3A_67 = tpu.memref_slice %arg7[%dma_start3A] : memref<640xf32, #tpu.memory_space<vmem>> -> memref<632xf32, #tpu.memory_space<vmem>>
      %dma_start3A_68 = tpu.memref_slice %arg8[%mul3A_2] : memref<10112xf32, #tpu.memory_space<vmem_shared>> -> memref<632xf32, #tpu.memory_space<vmem_shared>>
      %dma_start3A_69 = arith.constant 0 : i32
      %dma_start3A_70 = tpu.memref_slice %arg7[%dma_start3A_69] : memref<640xf32, #tpu.memory_space<vmem>> -> memref<632xf32, #tpu.memory_space<vmem>>
      %dma_start3A_71 = tpu.memref_slice %arg8[%mul3A_2] : memref<10112xf32, #tpu.memory_space<vmem_shared>> -> memref<632xf32, #tpu.memory_space<vmem_shared>>
      tpu.enqueue_dma source(%dma_start3A_71 : memref<632xf32, #tpu.memory_space<vmem_shared>>) target(%dma_start3A_70 : memref<632xf32, #tpu.memory_space<vmem>>) target_semaphore(%run_scoped3A : memref<!tpu.dma_semaphore, #tpu.memory_space<semaphore_mem>>)
      %dma_wait3A = arith.constant 0 : i32
      %dma_wait3A_72 = tpu.memref_slice %arg7[%dma_wait3A] : memref<640xf32, #tpu.memory_space<vmem>> -> memref<632xf32, #tpu.memory_space<vmem>>
      %dma_wait3A_73 = tpu.memref_slice %arg8[%mul3A_2] : memref<10112xf32, #tpu.memory_space<vmem_shared>> -> memref<632xf32, #tpu.memory_space<vmem_shared>>
      %dma_wait3A_74 = arith.constant 0 : i32
      %dma_wait3A_75 = tpu.memref_slice %arg7[%dma_wait3A_74] : memref<640xf32, #tpu.memory_space<vmem>> -> memref<632xf32, #tpu.memory_space<vmem>>
      %dma_wait3A_76 = tpu.memref_slice %arg8[%mul3A_2] : memref<10112xf32, #tpu.memory_space<vmem_shared>> -> memref<632xf32, #tpu.memory_space<vmem_shared>>
      tpu.wait_dma2 semaphore(%run_scoped3A : memref<!tpu.dma_semaphore, #tpu.memory_space<semaphore_mem>>) src(%dma_wait3A_76 : memref<632xf32, #tpu.memory_space<vmem_shared>>) dst(%dma_wait3A_75 : memref<632xf32, #tpu.memory_space<vmem>>)
      tpu.yield
    }) : () -> ()
    %eq3A = arith.constant 0 : i32
    %eq3A_61 = arith.cmpi eq, %arg0, %eq3A : i32
    %convert_element_type3A = arith.extui %eq3A_61 : i1 to i32
    %cond3A = arith.constant 0 : i32
    %cond3A_62 = arith.cmpi ne, %convert_element_type3A, %cond3A : i32
    scf.if %cond3A_62 {
      "tpu.region"() ({
        %run_scoped3A = tpu.sem_alloc : memref<!tpu.dma_semaphore, #tpu.memory_space<semaphore_mem>>
        %dma_start3A = arith.constant 0 : i32
        %dma_start3A_67 = tpu.memref_slice %arg7[%dma_start3A] : memref<640xf32, #tpu.memory_space<vmem>> -> memref<632xf32, #tpu.memory_space<vmem>>
        %dma_start3A_68 = tpu.memref_slice %arg3[%mul3A_2] : memref<10112xf32, #tpu.memory_space<hbm>> -> memref<632xf32, #tpu.memory_space<hbm>>
        %dma_start3A_69 = tpu.memref_slice %arg3[%mul3A_2] : memref<10112xf32, #tpu.memory_space<hbm>> -> memref<632xf32, #tpu.memory_space<hbm>>
        %dma_start3A_70 = arith.constant 0 : i32
        %dma_start3A_71 = tpu.memref_slice %arg7[%dma_start3A_70] : memref<640xf32, #tpu.memory_space<vmem>> -> memref<632xf32, #tpu.memory_space<vmem>>
        tpu.enqueue_dma source(%dma_start3A_71 : memref<632xf32, #tpu.memory_space<vmem>>) target(%dma_start3A_69 : memref<632xf32, #tpu.memory_space<hbm>>) target_semaphore(%run_scoped3A : memref<!tpu.dma_semaphore, #tpu.memory_space<semaphore_mem>>)
        %dma_wait3A = arith.constant 0 : i32
        %dma_wait3A_72 = tpu.memref_slice %arg7[%dma_wait3A] : memref<640xf32, #tpu.memory_space<vmem>> -> memref<632xf32, #tpu.memory_space<vmem>>
        %dma_wait3A_73 = tpu.memref_slice %arg3[%mul3A_2] : memref<10112xf32, #tpu.memory_space<hbm>> -> memref<632xf32, #tpu.memory_space<hbm>>
        %dma_wait3A_74 = tpu.memref_slice %arg3[%mul3A_2] : memref<10112xf32, #tpu.memory_space<hbm>> -> memref<632xf32, #tpu.memory_space<hbm>>
        %dma_wait3A_75 = arith.constant 0 : i32
        %dma_wait3A_76 = tpu.memref_slice %arg7[%dma_wait3A_75] : memref<640xf32, #tpu.memory_space<vmem>> -> memref<632xf32, #tpu.memory_space<vmem>>
        tpu.wait_dma2 semaphore(%run_scoped3A : memref<!tpu.dma_semaphore, #tpu.memory_space<semaphore_mem>>) src(%dma_wait3A_76 : memref<632xf32, #tpu.memory_space<vmem>>) dst(%dma_wait3A_74 : memref<632xf32, #tpu.memory_space<hbm>>)
        tpu.yield
      }) : () -> ()
    } else {
    }
    %ne3A = arith.constant 0 : i32
    %ne3A_63 = arith.cmpi ne, %arg0, %ne3A : i32
    %convert_element_type3A_64 = arith.extui %ne3A_63 : i1 to i32
    %cond3A_65 = arith.constant 0 : i32
    %cond3A_66 = arith.cmpi ne, %convert_element_type3A_64, %cond3A_65 : i32
    scf.if %cond3A_66 {
      "tpu.region"() ({
        %run_scoped3A = tpu.sem_alloc : memref<!tpu.dma_semaphore, #tpu.memory_space<semaphore_mem>>
        %dma_start3A = arith.constant 0 : i32
        %dma_start3A_67 = tpu.memref_slice %arg7[%dma_start3A] : memref<640xf32, #tpu.memory_space<vmem>> -> memref<632xf32, #tpu.memory_space<vmem>>
        %dma_start3A_68 = tpu.memref_slice %arg4[%mul3A_2] : memref<10112xf32, #tpu.memory_space<hbm>> -> memref<632xf32, #tpu.memory_space<hbm>>
        %dma_start3A_69 = tpu.memref_slice %arg4[%mul3A_2] : memref<10112xf32, #tpu.memory_space<hbm>> -> memref<632xf32, #tpu.memory_space<hbm>>
        %dma_start3A_70 = arith.constant 0 : i32
        %dma_start3A_71 = tpu.memref_slice %arg7[%dma_start3A_70] : memref<640xf32, #tpu.memory_space<vmem>> -> memref<632xf32, #tpu.memory_space<vmem>>
        tpu.enqueue_dma source(%dma_start3A_71 : memref<632xf32, #tpu.memory_space<vmem>>) target(%dma_start3A_69 : memref<632xf32, #tpu.memory_space<hbm>>) target_semaphore(%run_scoped3A : memref<!tpu.dma_semaphore, #tpu.memory_space<semaphore_mem>>)
        %dma_wait3A = arith.constant 0 : i32
        %dma_wait3A_72 = tpu.memref_slice %arg7[%dma_wait3A] : memref<640xf32, #tpu.memory_space<vmem>> -> memref<632xf32, #tpu.memory_space<vmem>>
        %dma_wait3A_73 = tpu.memref_slice %arg4[%mul3A_2] : memref<10112xf32, #tpu.memory_space<hbm>> -> memref<632xf32, #tpu.memory_space<hbm>>
        %dma_wait3A_74 = tpu.memref_slice %arg4[%mul3A_2] : memref<10112xf32, #tpu.memory_space<hbm>> -> memref<632xf32, #tpu.memory_space<hbm>>
        %dma_wait3A_75 = arith.constant 0 : i32
        %dma_wait3A_76 = tpu.memref_slice %arg7[%dma_wait3A_75] : memref<640xf32, #tpu.memory_space<vmem>> -> memref<632xf32, #tpu.memory_space<vmem>>
        tpu.wait_dma2 semaphore(%run_scoped3A : memref<!tpu.dma_semaphore, #tpu.memory_space<semaphore_mem>>) src(%dma_wait3A_76 : memref<632xf32, #tpu.memory_space<vmem>>) dst(%dma_wait3A_74 : memref<632xf32, #tpu.memory_space<hbm>>)
        tpu.yield
      }) : () -> ()
    } else {
    }
    return
  }
}

#map = affine_map<(d0, d1) -> (0, 0)>
#map1 = affine_map<(d0, d1) -> (0, 0, 0, 0)>
#map2 = affine_map<(d0, d1) -> (0, 0, 0)>
module attributes {stable_mosaic.version = 14 : i64} {
  func.func @_scatter_body(%arg0: i32, %arg1: i32, %arg2: memref<10048x128xf32, #tpu.memory_space<hbm>>, %arg3: memref<32x28x3x120xi32, #tpu.memory_space<hbm>>, %arg4: memref<32x28x3x120xi32, #tpu.memory_space<hbm>>, %arg5: memref<2x10000x128xf32, #tpu.memory_space<hbm>>, %arg6: memref<2x3x120xi32, #tpu.memory_space<vmem>>, %arg7: memref<2x3x120xi32, #tpu.memory_space<vmem>>, %arg8: memref<120x128xf32, #tpu.memory_space<vmem>>, %arg9: memref<120x128xf32, #tpu.memory_space<vmem>>, %arg10: memref<120x128xf32, #tpu.memory_space<vmem>>, %arg11: memref<10000x128xf32, #tpu.memory_space<vmem_shared>>, %arg12: memref<!tpu.dma_semaphore, #tpu.memory_space<semaphore_mem>>, %arg13: memref<!tpu.dma_semaphore, #tpu.memory_space<semaphore_mem>>, %arg14: memref<!tpu.dma_semaphore, #tpu.memory_space<semaphore_mem>>, %arg15: memref<!tpu.dma_semaphore, #tpu.memory_space<semaphore_mem>>) attributes {dimension_semantics = [#tpu.dimension_semantics<core_parallel>, #tpu.dimension_semantics<subcore_parallel>], iteration_bounds = array<i64: 2, 16>, scalar_prefetch = 0 : i64, scratch_operands = 10 : i64, tpu.core_type = #tpu.core_type<sc_vector_subcore>, window_params = [{transform_indices = #map}, {transform_indices = #map1}, {transform_indices = #map1}, {transform_indices = #map2}]} {
    %mul3A = arith.constant 2 : i32
    %mul3A_0 = arith.muli %arg1, %mul3A : i32
    %add3A = arith.addi %mul3A_0, %arg0 : i32
    %mul3A_1 = arith.constant 624 : i32
    %mul3A_2 = arith.muli %arg1, %mul3A_1 : i32
    %run_scoped3A = arith.constant 0 : i32
    %run_scoped3A_3 = arith.constant 0 : i32
    "tpu.region"() ({
      %run_scoped3A_42 = tpu.sem_alloc : memref<!tpu.dma_semaphore, #tpu.memory_space<semaphore_mem>>
      %dma_start3A_43 = arith.constant 0 : i32
      %dma_start3A_44 = arith.constant 0 : i32
      %dma_start3A_45 = tpu.memref_slice %arg6[%run_scoped3A_3, %dma_start3A_43, %dma_start3A_44] : memref<2x3x120xi32, #tpu.memory_space<vmem>> -> memref<1x3x120xi32, #tpu.memory_space<vmem>>
      %dma_start3A_46 = tpu.memref_squeeze %dma_start3A_45 : memref<1x3x120xi32, #tpu.memory_space<vmem>> -> memref<3x120xi32, #tpu.memory_space<vmem>>
      %dma_start3A_47 = arith.constant 0 : i32
      %dma_start3A_48 = arith.constant 0 : i32
      %dma_start3A_49 = tpu.memref_slice %arg3[%add3A, %run_scoped3A, %dma_start3A_47, %dma_start3A_48] : memref<32x28x3x120xi32, #tpu.memory_space<hbm>> -> memref<1x1x3x120xi32, #tpu.memory_space<hbm>>
      %dma_start3A_50 = tpu.memref_squeeze %dma_start3A_49 : memref<1x1x3x120xi32, #tpu.memory_space<hbm>> -> memref<3x120xi32, #tpu.memory_space<hbm>>
      %dma_start3A_51 = arith.constant 0 : i32
      %dma_start3A_52 = arith.constant 0 : i32
      %dma_start3A_53 = tpu.memref_slice %arg6[%run_scoped3A_3, %dma_start3A_51, %dma_start3A_52] : memref<2x3x120xi32, #tpu.memory_space<vmem>> -> memref<1x3x120xi32, #tpu.memory_space<vmem>>
      %dma_start3A_54 = tpu.memref_squeeze %dma_start3A_53 : memref<1x3x120xi32, #tpu.memory_space<vmem>> -> memref<3x120xi32, #tpu.memory_space<vmem>>
      %dma_start3A_55 = arith.constant 0 : i32
      %dma_start3A_56 = arith.constant 0 : i32
      %dma_start3A_57 = tpu.memref_slice %arg3[%add3A, %run_scoped3A, %dma_start3A_55, %dma_start3A_56] : memref<32x28x3x120xi32, #tpu.memory_space<hbm>> -> memref<1x1x3x120xi32, #tpu.memory_space<hbm>>
      %dma_start3A_58 = tpu.memref_squeeze %dma_start3A_57 : memref<1x1x3x120xi32, #tpu.memory_space<hbm>> -> memref<3x120xi32, #tpu.memory_space<hbm>>
      tpu.enqueue_dma source(%dma_start3A_58 : memref<3x120xi32, #tpu.memory_space<hbm>>) target(%dma_start3A_54 : memref<3x120xi32, #tpu.memory_space<vmem>>) target_semaphore(%run_scoped3A_42 : memref<!tpu.dma_semaphore, #tpu.memory_space<semaphore_mem>>)
      %dma_wait3A = arith.constant 0 : i32
      %dma_wait3A_59 = arith.constant 0 : i32
      %dma_wait3A_60 = tpu.memref_slice %arg6[%run_scoped3A_3, %dma_wait3A, %dma_wait3A_59] : memref<2x3x120xi32, #tpu.memory_space<vmem>> -> memref<1x3x120xi32, #tpu.memory_space<vmem>>
      %dma_wait3A_61 = tpu.memref_squeeze %dma_wait3A_60 : memref<1x3x120xi32, #tpu.memory_space<vmem>> -> memref<3x120xi32, #tpu.memory_space<vmem>>
      %dma_wait3A_62 = arith.constant 0 : i32
      %dma_wait3A_63 = arith.constant 0 : i32
      %dma_wait3A_64 = tpu.memref_slice %arg3[%add3A, %run_scoped3A, %dma_wait3A_62, %dma_wait3A_63] : memref<32x28x3x120xi32, #tpu.memory_space<hbm>> -> memref<1x1x3x120xi32, #tpu.memory_space<hbm>>
      %dma_wait3A_65 = tpu.memref_squeeze %dma_wait3A_64 : memref<1x1x3x120xi32, #tpu.memory_space<hbm>> -> memref<3x120xi32, #tpu.memory_space<hbm>>
      %dma_wait3A_66 = arith.constant 0 : i32
      %dma_wait3A_67 = arith.constant 0 : i32
      %dma_wait3A_68 = tpu.memref_slice %arg6[%run_scoped3A_3, %dma_wait3A_66, %dma_wait3A_67] : memref<2x3x120xi32, #tpu.memory_space<vmem>> -> memref<1x3x120xi32, #tpu.memory_space<vmem>>
      %dma_wait3A_69 = tpu.memref_squeeze %dma_wait3A_68 : memref<1x3x120xi32, #tpu.memory_space<vmem>> -> memref<3x120xi32, #tpu.memory_space<vmem>>
      %dma_wait3A_70 = arith.constant 0 : i32
      %dma_wait3A_71 = arith.constant 0 : i32
      %dma_wait3A_72 = tpu.memref_slice %arg3[%add3A, %run_scoped3A, %dma_wait3A_70, %dma_wait3A_71] : memref<32x28x3x120xi32, #tpu.memory_space<hbm>> -> memref<1x1x3x120xi32, #tpu.memory_space<hbm>>
      %dma_wait3A_73 = tpu.memref_squeeze %dma_wait3A_72 : memref<1x1x3x120xi32, #tpu.memory_space<hbm>> -> memref<3x120xi32, #tpu.memory_space<hbm>>
      tpu.wait_dma2 semaphore(%run_scoped3A_42 : memref<!tpu.dma_semaphore, #tpu.memory_space<semaphore_mem>>) src(%dma_wait3A_73 : memref<3x120xi32, #tpu.memory_space<hbm>>) dst(%dma_wait3A_69 : memref<3x120xi32, #tpu.memory_space<vmem>>)
      tpu.yield
    }) : () -> ()
    %run_scoped3A_4 = arith.constant 0 : i32
    %run_scoped3A_5 = arith.constant 0 : i32
    "tpu.region"() ({
      %run_scoped3A_42 = tpu.sem_alloc : memref<!tpu.dma_semaphore, #tpu.memory_space<semaphore_mem>>
      %dma_start3A_43 = arith.constant 0 : i32
      %dma_start3A_44 = arith.constant 0 : i32
      %dma_start3A_45 = tpu.memref_slice %arg7[%run_scoped3A_5, %dma_start3A_43, %dma_start3A_44] : memref<2x3x120xi32, #tpu.memory_space<vmem>> -> memref<1x3x120xi32, #tpu.memory_space<vmem>>
      %dma_start3A_46 = tpu.memref_squeeze %dma_start3A_45 : memref<1x3x120xi32, #tpu.memory_space<vmem>> -> memref<3x120xi32, #tpu.memory_space<vmem>>
      %dma_start3A_47 = arith.constant 0 : i32
      %dma_start3A_48 = arith.constant 0 : i32
      %dma_start3A_49 = tpu.memref_slice %arg4[%add3A, %run_scoped3A_4, %dma_start3A_47, %dma_start3A_48] : memref<32x28x3x120xi32, #tpu.memory_space<hbm>> -> memref<1x1x3x120xi32, #tpu.memory_space<hbm>>
      %dma_start3A_50 = tpu.memref_squeeze %dma_start3A_49 : memref<1x1x3x120xi32, #tpu.memory_space<hbm>> -> memref<3x120xi32, #tpu.memory_space<hbm>>
      %dma_start3A_51 = arith.constant 0 : i32
      %dma_start3A_52 = arith.constant 0 : i32
      %dma_start3A_53 = tpu.memref_slice %arg7[%run_scoped3A_5, %dma_start3A_51, %dma_start3A_52] : memref<2x3x120xi32, #tpu.memory_space<vmem>> -> memref<1x3x120xi32, #tpu.memory_space<vmem>>
      %dma_start3A_54 = tpu.memref_squeeze %dma_start3A_53 : memref<1x3x120xi32, #tpu.memory_space<vmem>> -> memref<3x120xi32, #tpu.memory_space<vmem>>
      %dma_start3A_55 = arith.constant 0 : i32
      %dma_start3A_56 = arith.constant 0 : i32
      %dma_start3A_57 = tpu.memref_slice %arg4[%add3A, %run_scoped3A_4, %dma_start3A_55, %dma_start3A_56] : memref<32x28x3x120xi32, #tpu.memory_space<hbm>> -> memref<1x1x3x120xi32, #tpu.memory_space<hbm>>
      %dma_start3A_58 = tpu.memref_squeeze %dma_start3A_57 : memref<1x1x3x120xi32, #tpu.memory_space<hbm>> -> memref<3x120xi32, #tpu.memory_space<hbm>>
      tpu.enqueue_dma source(%dma_start3A_58 : memref<3x120xi32, #tpu.memory_space<hbm>>) target(%dma_start3A_54 : memref<3x120xi32, #tpu.memory_space<vmem>>) target_semaphore(%run_scoped3A_42 : memref<!tpu.dma_semaphore, #tpu.memory_space<semaphore_mem>>)
      %dma_wait3A = arith.constant 0 : i32
      %dma_wait3A_59 = arith.constant 0 : i32
      %dma_wait3A_60 = tpu.memref_slice %arg7[%run_scoped3A_5, %dma_wait3A, %dma_wait3A_59] : memref<2x3x120xi32, #tpu.memory_space<vmem>> -> memref<1x3x120xi32, #tpu.memory_space<vmem>>
      %dma_wait3A_61 = tpu.memref_squeeze %dma_wait3A_60 : memref<1x3x120xi32, #tpu.memory_space<vmem>> -> memref<3x120xi32, #tpu.memory_space<vmem>>
      %dma_wait3A_62 = arith.constant 0 : i32
      %dma_wait3A_63 = arith.constant 0 : i32
      %dma_wait3A_64 = tpu.memref_slice %arg4[%add3A, %run_scoped3A_4, %dma_wait3A_62, %dma_wait3A_63] : memref<32x28x3x120xi32, #tpu.memory_space<hbm>> -> memref<1x1x3x120xi32, #tpu.memory_space<hbm>>
      %dma_wait3A_65 = tpu.memref_squeeze %dma_wait3A_64 : memref<1x1x3x120xi32, #tpu.memory_space<hbm>> -> memref<3x120xi32, #tpu.memory_space<hbm>>
      %dma_wait3A_66 = arith.constant 0 : i32
      %dma_wait3A_67 = arith.constant 0 : i32
      %dma_wait3A_68 = tpu.memref_slice %arg7[%run_scoped3A_5, %dma_wait3A_66, %dma_wait3A_67] : memref<2x3x120xi32, #tpu.memory_space<vmem>> -> memref<1x3x120xi32, #tpu.memory_space<vmem>>
      %dma_wait3A_69 = tpu.memref_squeeze %dma_wait3A_68 : memref<1x3x120xi32, #tpu.memory_space<vmem>> -> memref<3x120xi32, #tpu.memory_space<vmem>>
      %dma_wait3A_70 = arith.constant 0 : i32
      %dma_wait3A_71 = arith.constant 0 : i32
      %dma_wait3A_72 = tpu.memref_slice %arg4[%add3A, %run_scoped3A_4, %dma_wait3A_70, %dma_wait3A_71] : memref<32x28x3x120xi32, #tpu.memory_space<hbm>> -> memref<1x1x3x120xi32, #tpu.memory_space<hbm>>
      %dma_wait3A_73 = tpu.memref_squeeze %dma_wait3A_72 : memref<1x1x3x120xi32, #tpu.memory_space<hbm>> -> memref<3x120xi32, #tpu.memory_space<hbm>>
      tpu.wait_dma2 semaphore(%run_scoped3A_42 : memref<!tpu.dma_semaphore, #tpu.memory_space<semaphore_mem>>) src(%dma_wait3A_73 : memref<3x120xi32, #tpu.memory_space<hbm>>) dst(%dma_wait3A_69 : memref<3x120xi32, #tpu.memory_space<vmem>>)
      tpu.yield
    }) : () -> ()
    %dma_start3A = arith.constant 0 : i32
    %dma_start3A_6 = arith.constant 0 : i32
    %dma_start3A_7 = arith.constant 0 : i32
    %dma_start3A_8 = tpu.memref_slice %arg6[%dma_start3A, %dma_start3A_6, %dma_start3A_7] : memref<2x3x120xi32, #tpu.memory_space<vmem>> -> memref<1x1x120xi32, #tpu.memory_space<vmem>>
    %dma_start3A_9 = tpu.memref_squeeze %dma_start3A_8 : memref<1x1x120xi32, #tpu.memory_space<vmem>> -> memref<120xi32, #tpu.memory_space<vmem>>
    %dma_start3A_10 = arith.constant 0 : i32
    %dma_start3A_11 = arith.constant 0 : i32
    %dma_start3A_12 = tpu.memref_slice %arg2[%dma_start3A_10, %dma_start3A_11] : memref<10048x128xf32, #tpu.memory_space<hbm>> -> memref<10048x128xf32, #tpu.memory_space<hbm>>
    tpu.enqueue_indirect_dma source(%dma_start3A_12 : memref<10048x128xf32, #tpu.memory_space<hbm>>) target(%arg8 : memref<120x128xf32, #tpu.memory_space<vmem>>) offsets(%dma_start3A_9 : memref<120xi32, #tpu.memory_space<vmem>>) semaphore(%arg12 : memref<!tpu.dma_semaphore, #tpu.memory_space<semaphore_mem>>)
    %dma_start3A_13 = arith.constant 0 : i32
    %dma_start3A_14 = arith.constant 1 : i32
    %dma_start3A_15 = arith.constant 0 : i32
    %dma_start3A_16 = tpu.memref_slice %arg6[%dma_start3A_13, %dma_start3A_14, %dma_start3A_15] : memref<2x3x120xi32, #tpu.memory_space<vmem>> -> memref<1x1x120xi32, #tpu.memory_space<vmem>>
    %dma_start3A_17 = tpu.memref_squeeze %dma_start3A_16 : memref<1x1x120xi32, #tpu.memory_space<vmem>> -> memref<120xi32, #tpu.memory_space<vmem>>
    %dma_start3A_18 = arith.constant 0 : i32
    %dma_start3A_19 = arith.constant 0 : i32
    %dma_start3A_20 = tpu.memref_slice %arg2[%dma_start3A_18, %dma_start3A_19] : memref<10048x128xf32, #tpu.memory_space<hbm>> -> memref<10048x128xf32, #tpu.memory_space<hbm>>
    tpu.enqueue_indirect_dma source(%dma_start3A_20 : memref<10048x128xf32, #tpu.memory_space<hbm>>) target(%arg9 : memref<120x128xf32, #tpu.memory_space<vmem>>) offsets(%dma_start3A_17 : memref<120xi32, #tpu.memory_space<vmem>>) semaphore(%arg13 : memref<!tpu.dma_semaphore, #tpu.memory_space<semaphore_mem>>)
    %eq3A = arith.constant 0 : i32
    %eq3A_21 = arith.cmpi eq, %arg0, %eq3A : i32
    %convert_element_type3A = arith.extui %eq3A_21 : i1 to i32
    %cond3A = arith.constant 0 : i32
    %cond3A_22 = arith.cmpi ne, %convert_element_type3A, %cond3A : i32
    scf.if %cond3A_22 {
      %lt3A_42 = arith.constant 15 : i32
      %lt3A_43 = arith.cmpi slt, %arg1, %lt3A_42 : i32
      %convert_element_type3A_44 = arith.extui %lt3A_43 : i1 to i32
      %cond3A_45 = arith.constant 0 : i32
      %cond3A_46 = arith.cmpi ne, %convert_element_type3A_44, %cond3A_45 : i32
      scf.if %cond3A_46 {
        "tpu.region"() ({
          %run_scoped3A_52 = tpu.sem_alloc : memref<!tpu.dma_semaphore, #tpu.memory_space<semaphore_mem>>
          %dma_start3A_53 = arith.constant 0 : i32
          %dma_start3A_54 = tpu.memref_slice %arg11[%mul3A_2, %dma_start3A_53] : memref<10000x128xf32, #tpu.memory_space<vmem_shared>> -> memref<624x128xf32, #tpu.memory_space<vmem_shared>>
          %dma_start3A_55 = arith.constant 0 : i32
          %dma_start3A_56 = tpu.memref_slice %arg2[%mul3A_2, %dma_start3A_55] : memref<10048x128xf32, #tpu.memory_space<hbm>> -> memref<624x128xf32, #tpu.memory_space<hbm>>
          tpu.enqueue_dma source(%dma_start3A_56 : memref<624x128xf32, #tpu.memory_space<hbm>>) target(%dma_start3A_54 : memref<624x128xf32, #tpu.memory_space<vmem_shared>>) target_semaphore(%run_scoped3A_52 : memref<!tpu.dma_semaphore, #tpu.memory_space<semaphore_mem>>)
          %dma_wait3A = arith.constant 0 : i32
          %dma_wait3A_57 = tpu.memref_slice %arg11[%mul3A_2, %dma_wait3A] : memref<10000x128xf32, #tpu.memory_space<vmem_shared>> -> memref<624x128xf32, #tpu.memory_space<vmem_shared>>
          %dma_wait3A_58 = arith.constant 0 : i32
          %dma_wait3A_59 = tpu.memref_slice %arg2[%mul3A_2, %dma_wait3A_58] : memref<10048x128xf32, #tpu.memory_space<hbm>> -> memref<624x128xf32, #tpu.memory_space<hbm>>
          tpu.wait_dma2 semaphore(%run_scoped3A_52 : memref<!tpu.dma_semaphore, #tpu.memory_space<semaphore_mem>>) src(%dma_wait3A_59 : memref<624x128xf32, #tpu.memory_space<hbm>>) dst(%dma_wait3A_57 : memref<624x128xf32, #tpu.memory_space<vmem_shared>>)
          tpu.yield
        }) : () -> ()
      } else {
      }
      %eq3A_47 = arith.constant 15 : i32
      %eq3A_48 = arith.cmpi eq, %arg1, %eq3A_47 : i32
      %convert_element_type3A_49 = arith.extui %eq3A_48 : i1 to i32
      %cond3A_50 = arith.constant 0 : i32
      %cond3A_51 = arith.cmpi ne, %convert_element_type3A_49, %cond3A_50 : i32
      scf.if %cond3A_51 {
        "tpu.region"() ({
          %run_scoped3A_52 = tpu.sem_alloc : memref<!tpu.dma_semaphore, #tpu.memory_space<semaphore_mem>>
          %dma_start3A_53 = arith.constant 9360 : i32
          %dma_start3A_54 = arith.constant 0 : i32
          %dma_start3A_55 = tpu.memref_slice %arg11[%dma_start3A_53, %dma_start3A_54] : memref<10000x128xf32, #tpu.memory_space<vmem_shared>> -> memref<640x128xf32, #tpu.memory_space<vmem_shared>>
          %dma_start3A_56 = arith.constant 9360 : i32
          %dma_start3A_57 = arith.constant 0 : i32
          %dma_start3A_58 = tpu.memref_slice %arg2[%dma_start3A_56, %dma_start3A_57] : memref<10048x128xf32, #tpu.memory_space<hbm>> -> memref<640x128xf32, #tpu.memory_space<hbm>>
          tpu.enqueue_dma source(%dma_start3A_58 : memref<640x128xf32, #tpu.memory_space<hbm>>) target(%dma_start3A_55 : memref<640x128xf32, #tpu.memory_space<vmem_shared>>) target_semaphore(%run_scoped3A_52 : memref<!tpu.dma_semaphore, #tpu.memory_space<semaphore_mem>>)
          %dma_wait3A = arith.constant 9360 : i32
          %dma_wait3A_59 = arith.constant 0 : i32
          %dma_wait3A_60 = tpu.memref_slice %arg11[%dma_wait3A, %dma_wait3A_59] : memref<10000x128xf32, #tpu.memory_space<vmem_shared>> -> memref<640x128xf32, #tpu.memory_space<vmem_shared>>
          %dma_wait3A_61 = arith.constant 9360 : i32
          %dma_wait3A_62 = arith.constant 0 : i32
          %dma_wait3A_63 = tpu.memref_slice %arg2[%dma_wait3A_61, %dma_wait3A_62] : memref<10048x128xf32, #tpu.memory_space<hbm>> -> memref<640x128xf32, #tpu.memory_space<hbm>>
          tpu.wait_dma2 semaphore(%run_scoped3A_52 : memref<!tpu.dma_semaphore, #tpu.memory_space<semaphore_mem>>) src(%dma_wait3A_63 : memref<640x128xf32, #tpu.memory_space<hbm>>) dst(%dma_wait3A_60 : memref<640x128xf32, #tpu.memory_space<vmem_shared>>)
          tpu.yield
        }) : () -> ()
      } else {
      }
    } else {
    }
    %ne3A = arith.constant 0 : i32
    %ne3A_23 = arith.cmpi ne, %arg0, %ne3A : i32
    %convert_element_type3A_24 = arith.extui %ne3A_23 : i1 to i32
    %cond3A_25 = arith.constant 0 : i32
    %cond3A_26 = arith.cmpi ne, %convert_element_type3A_24, %cond3A_25 : i32
    scf.if %cond3A_26 {
      %scan3A_42 = arith.constant 0 : i32
      %scan3A_43 = arith.constant 0 : i32
      %scan3A_44 = arith.constant 960 : i32
      %scan3A_45 = arith.addi %scan3A_43, %scan3A_44 : i32
      %scan3A_46 = arith.constant 1 : i32
      scf.for %scan3A_68 = %scan3A_43 to %scan3A_45 step %scan3A_46  : i32 {
        %broadcast_in_dim3A = arith.constant 0.000000e+00 : f32
        %broadcast_in_dim3A_69 = vector.broadcast %broadcast_in_dim3A : f32 to vector<16xf32>
        %jit3A = arith.constant 8 : i32
        %div3A = arith.divsi %scan3A_68, %jit3A : i32
        %sign3A = arith.constant 0 : i32
        %sign3A_70 = arith.cmpi sgt, %scan3A_68, %sign3A : i32
        %sign3A_71 = arith.extui %sign3A_70 : i1 to i32
        %sign3A_72 = arith.constant 0 : i32
        %sign3A_73 = arith.cmpi slt, %scan3A_68, %sign3A_72 : i32
        %sign3A_74 = arith.extui %sign3A_73 : i1 to i32
        %sign3A_75 = arith.subi %sign3A_71, %sign3A_74 : i32
        %sign3A_76 = arith.constant 0 : i32
        %sign3A_77 = arith.cmpi sgt, %jit3A, %sign3A_76 : i32
        %sign3A_78 = arith.extui %sign3A_77 : i1 to i32
        %sign3A_79 = arith.constant 0 : i32
        %sign3A_80 = arith.cmpi slt, %jit3A, %sign3A_79 : i32
        %sign3A_81 = arith.extui %sign3A_80 : i1 to i32
        %sign3A_82 = arith.subi %sign3A_78, %sign3A_81 : i32
        %ne3A_83 = arith.cmpi ne, %sign3A_75, %sign3A_82 : i32
        %rem3A = arith.remsi %scan3A_68, %jit3A : i32
        %ne3A_84 = arith.constant 0 : i32
        %ne3A_85 = arith.cmpi ne, %rem3A, %ne3A_84 : i32
        %and3A = arith.andi %ne3A_83, %ne3A_85 : i1
        %sub3A = arith.constant 1 : i32
        %sub3A_86 = arith.subi %div3A, %sub3A : i32
        %select_n3A = arith.select %and3A, %sub3A_86, %div3A : i32
        %jit3A_87 = arith.constant 8 : i32
        %eq3A_88 = arith.constant 0 : i32
        %eq3A_89 = arith.cmpi eq, %jit3A_87, %eq3A_88 : i32
        %jit3A_90 = arith.constant 1 : i32
        %select_n3A_91 = arith.select %eq3A_89, %jit3A_90, %jit3A_87 : i32
        %rem3A_92 = arith.remsi %scan3A_68, %select_n3A_91 : i32
        %ne3A_93 = arith.constant 0 : i32
        %ne3A_94 = arith.cmpi ne, %rem3A_92, %ne3A_93 : i32
        %lt3A_95 = arith.constant 0 : i32
        %lt3A_96 = arith.cmpi slt, %rem3A_92, %lt3A_95 : i32
        %lt3A_97 = arith.constant 0 : i32
        %lt3A_98 = arith.cmpi slt, %select_n3A_91, %lt3A_97 : i32
        %ne3A_99 = arith.xori %lt3A_96, %lt3A_98 : i1
        %and3A_100 = arith.andi %ne3A_99, %ne3A_94 : i1
        %add3A_101 = arith.addi %rem3A_92, %select_n3A_91 : i32
        %select_n3A_102 = arith.select %and3A_100, %add3A_101, %rem3A_92 : i32
        %mul3A_103 = arith.constant 16 : i32
        %mul3A_104 = arith.muli %select_n3A_102, %mul3A_103 : i32
        %swap3A = arith.index_cast %select_n3A : i32 to index
        %swap3A_105 = arith.index_cast %mul3A_104 : i32 to index
        %swap3A_106 = tpu.vector_load %arg10[%swap3A, %swap3A_105] {strides = array<i32>} : memref<120x128xf32, #tpu.memory_space<vmem>>, vector<1x16xf32>,
        %swap3A_107 = vector.shape_cast %swap3A_106 : vector<1x16xf32> to vector<16xf32>
        %swap3A_108 = vector.shape_cast %broadcast_in_dim3A_69 : vector<16xf32> to vector<1x16xf32>
        tpu.vector_store %arg10[%swap3A, %swap3A_105], %swap3A_108 {strides = array<i32>} : memref<120x128xf32, #tpu.memory_space<vmem>>, vector<1x16xf32>,
      }
      %scan3A_47 = arith.constant 960 : i32
      %add3A_48 = arith.constant 0 : i32
      %add3A_49 = arith.addi %mul3A_2, %add3A_48 : i32
      "tpu.region"() ({
        %run_scoped3A_68 = tpu.sem_alloc : memref<!tpu.dma_semaphore, #tpu.memory_space<semaphore_mem>>
        %dma_start3A_69 = arith.constant 0 : i32
        %dma_start3A_70 = arith.constant 0 : i32
        %dma_start3A_71 = tpu.memref_slice %arg10[%dma_start3A_69, %dma_start3A_70] : memref<120x128xf32, #tpu.memory_space<vmem>> -> memref<120x128xf32, #tpu.memory_space<vmem>>
        %dma_start3A_72 = arith.constant 0 : i32
        %dma_start3A_73 = tpu.memref_slice %arg11[%add3A_49, %dma_start3A_72] : memref<10000x128xf32, #tpu.memory_space<vmem_shared>> -> memref<120x128xf32, #tpu.memory_space<vmem_shared>>
        %dma_start3A_74 = arith.constant 0 : i32
        %dma_start3A_75 = tpu.memref_slice %arg11[%add3A_49, %dma_start3A_74] : memref<10000x128xf32, #tpu.memory_space<vmem_shared>> -> memref<120x128xf32, #tpu.memory_space<vmem_shared>>
        %dma_start3A_76 = arith.constant 0 : i32
        %dma_start3A_77 = arith.constant 0 : i32
        %dma_start3A_78 = tpu.memref_slice %arg10[%dma_start3A_76, %dma_start3A_77] : memref<120x128xf32, #tpu.memory_space<vmem>> -> memref<120x128xf32, #tpu.memory_space<vmem>>
        tpu.enqueue_dma source(%dma_start3A_78 : memref<120x128xf32, #tpu.memory_space<vmem>>) target(%dma_start3A_75 : memref<120x128xf32, #tpu.memory_space<vmem_shared>>) target_semaphore(%run_scoped3A_68 : memref<!tpu.dma_semaphore, #tpu.memory_space<semaphore_mem>>)
        %dma_wait3A = arith.constant 0 : i32
        %dma_wait3A_79 = arith.constant 0 : i32
        %dma_wait3A_80 = tpu.memref_slice %arg10[%dma_wait3A, %dma_wait3A_79] : memref<120x128xf32, #tpu.memory_space<vmem>> -> memref<120x128xf32, #tpu.memory_space<vmem>>
        %dma_wait3A_81 = arith.constant 0 : i32
        %dma_wait3A_82 = tpu.memref_slice %arg11[%add3A_49, %dma_wait3A_81] : memref<10000x128xf32, #tpu.memory_space<vmem_shared>> -> memref<120x128xf32, #tpu.memory_space<vmem_shared>>
        %dma_wait3A_83 = arith.constant 0 : i32
        %dma_wait3A_84 = tpu.memref_slice %arg11[%add3A_49, %dma_wait3A_83] : memref<10000x128xf32, #tpu.memory_space<vmem_shared>> -> memref<120x128xf32, #tpu.memory_space<vmem_shared>>
        %dma_wait3A_85 = arith.constant 0 : i32
        %dma_wait3A_86 = arith.constant 0 : i32
        %dma_wait3A_87 = tpu.memref_slice %arg10[%dma_wait3A_85, %dma_wait3A_86] : memref<120x128xf32, #tpu.memory_space<vmem>> -> memref<120x128xf32, #tpu.memory_space<vmem>>
        tpu.wait_dma2 semaphore(%run_scoped3A_68 : memref<!tpu.dma_semaphore, #tpu.memory_space<semaphore_mem>>) src(%dma_wait3A_87 : memref<120x128xf32, #tpu.memory_space<vmem>>) dst(%dma_wait3A_84 : memref<120x128xf32, #tpu.memory_space<vmem_shared>>)
        tpu.yield
      }) : () -> ()
      %add3A_50 = arith.constant 120 : i32
      %add3A_51 = arith.addi %mul3A_2, %add3A_50 : i32
      "tpu.region"() ({
        %run_scoped3A_68 = tpu.sem_alloc : memref<!tpu.dma_semaphore, #tpu.memory_space<semaphore_mem>>
        %dma_start3A_69 = arith.constant 0 : i32
        %dma_start3A_70 = arith.constant 0 : i32
        %dma_start3A_71 = tpu.memref_slice %arg10[%dma_start3A_69, %dma_start3A_70] : memref<120x128xf32, #tpu.memory_space<vmem>> -> memref<120x128xf32, #tpu.memory_space<vmem>>
        %dma_start3A_72 = arith.constant 0 : i32
        %dma_start3A_73 = tpu.memref_slice %arg11[%add3A_51, %dma_start3A_72] : memref<10000x128xf32, #tpu.memory_space<vmem_shared>> -> memref<120x128xf32, #tpu.memory_space<vmem_shared>>
        %dma_start3A_74 = arith.constant 0 : i32
        %dma_start3A_75 = tpu.memref_slice %arg11[%add3A_51, %dma_start3A_74] : memref<10000x128xf32, #tpu.memory_space<vmem_shared>> -> memref<120x128xf32, #tpu.memory_space<vmem_shared>>
        %dma_start3A_76 = arith.constant 0 : i32
        %dma_start3A_77 = arith.constant 0 : i32
        %dma_start3A_78 = tpu.memref_slice %arg10[%dma_start3A_76, %dma_start3A_77] : memref<120x128xf32, #tpu.memory_space<vmem>> -> memref<120x128xf32, #tpu.memory_space<vmem>>
        tpu.enqueue_dma source(%dma_start3A_78 : memref<120x128xf32, #tpu.memory_space<vmem>>) target(%dma_start3A_75 : memref<120x128xf32, #tpu.memory_space<vmem_shared>>) target_semaphore(%run_scoped3A_68 : memref<!tpu.dma_semaphore, #tpu.memory_space<semaphore_mem>>)
        %dma_wait3A = arith.constant 0 : i32
        %dma_wait3A_79 = arith.constant 0 : i32
        %dma_wait3A_80 = tpu.memref_slice %arg10[%dma_wait3A, %dma_wait3A_79] : memref<120x128xf32, #tpu.memory_space<vmem>> -> memref<120x128xf32, #tpu.memory_space<vmem>>
        %dma_wait3A_81 = arith.constant 0 : i32
        %dma_wait3A_82 = tpu.memref_slice %arg11[%add3A_51, %dma_wait3A_81] : memref<10000x128xf32, #tpu.memory_space<vmem_shared>> -> memref<120x128xf32, #tpu.memory_space<vmem_shared>>
        %dma_wait3A_83 = arith.constant 0 : i32
        %dma_wait3A_84 = tpu.memref_slice %arg11[%add3A_51, %dma_wait3A_83] : memref<10000x128xf32, #tpu.memory_space<vmem_shared>> -> memref<120x128xf32, #tpu.memory_space<vmem_shared>>
        %dma_wait3A_85 = arith.constant 0 : i32
        %dma_wait3A_86 = arith.constant 0 : i32
        %dma_wait3A_87 = tpu.memref_slice %arg10[%dma_wait3A_85, %dma_wait3A_86] : memref<120x128xf32, #tpu.memory_space<vmem>> -> memref<120x128xf32, #tpu.memory_space<vmem>>
        tpu.wait_dma2 semaphore(%run_scoped3A_68 : memref<!tpu.dma_semaphore, #tpu.memory_space<semaphore_mem>>) src(%dma_wait3A_87 : memref<120x128xf32, #tpu.memory_space<vmem>>) dst(%dma_wait3A_84 : memref<120x128xf32, #tpu.memory_space<vmem_shared>>)
        tpu.yield
      }) : () -> ()
      %add3A_52 = arith.constant 240 : i32
      %add3A_53 = arith.addi %mul3A_2, %add3A_52 : i32
      "tpu.region"() ({
        %run_scoped3A_68 = tpu.sem_alloc : memref<!tpu.dma_semaphore, #tpu.memory_space<semaphore_mem>>
        %dma_start3A_69 = arith.constant 0 : i32
        %dma_start3A_70 = arith.constant 0 : i32
        %dma_start3A_71 = tpu.memref_slice %arg10[%dma_start3A_69, %dma_start3A_70] : memref<120x128xf32, #tpu.memory_space<vmem>> -> memref<120x128xf32, #tpu.memory_space<vmem>>
        %dma_start3A_72 = arith.constant 0 : i32
        %dma_start3A_73 = tpu.memref_slice %arg11[%add3A_53, %dma_start3A_72] : memref<10000x128xf32, #tpu.memory_space<vmem_shared>> -> memref<120x128xf32, #tpu.memory_space<vmem_shared>>
        %dma_start3A_74 = arith.constant 0 : i32
        %dma_start3A_75 = tpu.memref_slice %arg11[%add3A_53, %dma_start3A_74] : memref<10000x128xf32, #tpu.memory_space<vmem_shared>> -> memref<120x128xf32, #tpu.memory_space<vmem_shared>>
        %dma_start3A_76 = arith.constant 0 : i32
        %dma_start3A_77 = arith.constant 0 : i32
        %dma_start3A_78 = tpu.memref_slice %arg10[%dma_start3A_76, %dma_start3A_77] : memref<120x128xf32, #tpu.memory_space<vmem>> -> memref<120x128xf32, #tpu.memory_space<vmem>>
        tpu.enqueue_dma source(%dma_start3A_78 : memref<120x128xf32, #tpu.memory_space<vmem>>) target(%dma_start3A_75 : memref<120x128xf32, #tpu.memory_space<vmem_shared>>) target_semaphore(%run_scoped3A_68 : memref<!tpu.dma_semaphore, #tpu.memory_space<semaphore_mem>>)
        %dma_wait3A = arith.constant 0 : i32
        %dma_wait3A_79 = arith.constant 0 : i32
        %dma_wait3A_80 = tpu.memref_slice %arg10[%dma_wait3A, %dma_wait3A_79] : memref<120x128xf32, #tpu.memory_space<vmem>> -> memref<120x128xf32, #tpu.memory_space<vmem>>
        %dma_wait3A_81 = arith.constant 0 : i32
        %dma_wait3A_82 = tpu.memref_slice %arg11[%add3A_53, %dma_wait3A_81] : memref<10000x128xf32, #tpu.memory_space<vmem_shared>> -> memref<120x128xf32, #tpu.memory_space<vmem_shared>>
        %dma_wait3A_83 = arith.constant 0 : i32
        %dma_wait3A_84 = tpu.memref_slice %arg11[%add3A_53, %dma_wait3A_83] : memref<10000x128xf32, #tpu.memory_space<vmem_shared>> -> memref<120x128xf32, #tpu.memory_space<vmem_shared>>
        %dma_wait3A_85 = arith.constant 0 : i32
        %dma_wait3A_86 = arith.constant 0 : i32
        %dma_wait3A_87 = tpu.memref_slice %arg10[%dma_wait3A_85, %dma_wait3A_86] : memref<120x128xf32, #tpu.memory_space<vmem>> -> memref<120x128xf32, #tpu.memory_space<vmem>>
        tpu.wait_dma2 semaphore(%run_scoped3A_68 : memref<!tpu.dma_semaphore, #tpu.memory_space<semaphore_mem>>) src(%dma_wait3A_87 : memref<120x128xf32, #tpu.memory_space<vmem>>) dst(%dma_wait3A_84 : memref<120x128xf32, #tpu.memory_space<vmem_shared>>)
        tpu.yield
      }) : () -> ()
      %add3A_54 = arith.constant 360 : i32
      %add3A_55 = arith.addi %mul3A_2, %add3A_54 : i32
      "tpu.region"() ({
        %run_scoped3A_68 = tpu.sem_alloc : memref<!tpu.dma_semaphore, #tpu.memory_space<semaphore_mem>>
        %dma_start3A_69 = arith.constant 0 : i32
        %dma_start3A_70 = arith.constant 0 : i32
        %dma_start3A_71 = tpu.memref_slice %arg10[%dma_start3A_69, %dma_start3A_70] : memref<120x128xf32, #tpu.memory_space<vmem>> -> memref<120x128xf32, #tpu.memory_space<vmem>>
        %dma_start3A_72 = arith.constant 0 : i32
        %dma_start3A_73 = tpu.memref_slice %arg11[%add3A_55, %dma_start3A_72] : memref<10000x128xf32, #tpu.memory_space<vmem_shared>> -> memref<120x128xf32, #tpu.memory_space<vmem_shared>>
        %dma_start3A_74 = arith.constant 0 : i32
        %dma_start3A_75 = tpu.memref_slice %arg11[%add3A_55, %dma_start3A_74] : memref<10000x128xf32, #tpu.memory_space<vmem_shared>> -> memref<120x128xf32, #tpu.memory_space<vmem_shared>>
        %dma_start3A_76 = arith.constant 0 : i32
        %dma_start3A_77 = arith.constant 0 : i32
        %dma_start3A_78 = tpu.memref_slice %arg10[%dma_start3A_76, %dma_start3A_77] : memref<120x128xf32, #tpu.memory_space<vmem>> -> memref<120x128xf32, #tpu.memory_space<vmem>>
        tpu.enqueue_dma source(%dma_start3A_78 : memref<120x128xf32, #tpu.memory_space<vmem>>) target(%dma_start3A_75 : memref<120x128xf32, #tpu.memory_space<vmem_shared>>) target_semaphore(%run_scoped3A_68 : memref<!tpu.dma_semaphore, #tpu.memory_space<semaphore_mem>>)
        %dma_wait3A = arith.constant 0 : i32
        %dma_wait3A_79 = arith.constant 0 : i32
        %dma_wait3A_80 = tpu.memref_slice %arg10[%dma_wait3A, %dma_wait3A_79] : memref<120x128xf32, #tpu.memory_space<vmem>> -> memref<120x128xf32, #tpu.memory_space<vmem>>
        %dma_wait3A_81 = arith.constant 0 : i32
        %dma_wait3A_82 = tpu.memref_slice %arg11[%add3A_55, %dma_wait3A_81] : memref<10000x128xf32, #tpu.memory_space<vmem_shared>> -> memref<120x128xf32, #tpu.memory_space<vmem_shared>>
        %dma_wait3A_83 = arith.constant 0 : i32
        %dma_wait3A_84 = tpu.memref_slice %arg11[%add3A_55, %dma_wait3A_83] : memref<10000x128xf32, #tpu.memory_space<vmem_shared>> -> memref<120x128xf32, #tpu.memory_space<vmem_shared>>
        %dma_wait3A_85 = arith.constant 0 : i32
        %dma_wait3A_86 = arith.constant 0 : i32
        %dma_wait3A_87 = tpu.memref_slice %arg10[%dma_wait3A_85, %dma_wait3A_86] : memref<120x128xf32, #tpu.memory_space<vmem>> -> memref<120x128xf32, #tpu.memory_space<vmem>>
        tpu.wait_dma2 semaphore(%run_scoped3A_68 : memref<!tpu.dma_semaphore, #tpu.memory_space<semaphore_mem>>) src(%dma_wait3A_87 : memref<120x128xf32, #tpu.memory_space<vmem>>) dst(%dma_wait3A_84 : memref<120x128xf32, #tpu.memory_space<vmem_shared>>)
        tpu.yield
      }) : () -> ()
      %add3A_56 = arith.constant 480 : i32
      %add3A_57 = arith.addi %mul3A_2, %add3A_56 : i32
      "tpu.region"() ({
        %run_scoped3A_68 = tpu.sem_alloc : memref<!tpu.dma_semaphore, #tpu.memory_space<semaphore_mem>>
        %dma_start3A_69 = arith.constant 0 : i32
        %dma_start3A_70 = arith.constant 0 : i32
        %dma_start3A_71 = tpu.memref_slice %arg10[%dma_start3A_69, %dma_start3A_70] : memref<120x128xf32, #tpu.memory_space<vmem>> -> memref<120x128xf32, #tpu.memory_space<vmem>>
        %dma_start3A_72 = arith.constant 0 : i32
        %dma_start3A_73 = tpu.memref_slice %arg11[%add3A_57, %dma_start3A_72] : memref<10000x128xf32, #tpu.memory_space<vmem_shared>> -> memref<120x128xf32, #tpu.memory_space<vmem_shared>>
        %dma_start3A_74 = arith.constant 0 : i32
        %dma_start3A_75 = tpu.memref_slice %arg11[%add3A_57, %dma_start3A_74] : memref<10000x128xf32, #tpu.memory_space<vmem_shared>> -> memref<120x128xf32, #tpu.memory_space<vmem_shared>>
        %dma_start3A_76 = arith.constant 0 : i32
        %dma_start3A_77 = arith.constant 0 : i32
        %dma_start3A_78 = tpu.memref_slice %arg10[%dma_start3A_76, %dma_start3A_77] : memref<120x128xf32, #tpu.memory_space<vmem>> -> memref<120x128xf32, #tpu.memory_space<vmem>>
        tpu.enqueue_dma source(%dma_start3A_78 : memref<120x128xf32, #tpu.memory_space<vmem>>) target(%dma_start3A_75 : memref<120x128xf32, #tpu.memory_space<vmem_shared>>) target_semaphore(%run_scoped3A_68 : memref<!tpu.dma_semaphore, #tpu.memory_space<semaphore_mem>>)
        %dma_wait3A = arith.constant 0 : i32
        %dma_wait3A_79 = arith.constant 0 : i32
        %dma_wait3A_80 = tpu.memref_slice %arg10[%dma_wait3A, %dma_wait3A_79] : memref<120x128xf32, #tpu.memory_space<vmem>> -> memref<120x128xf32, #tpu.memory_space<vmem>>
        %dma_wait3A_81 = arith.constant 0 : i32
        %dma_wait3A_82 = tpu.memref_slice %arg11[%add3A_57, %dma_wait3A_81] : memref<10000x128xf32, #tpu.memory_space<vmem_shared>> -> memref<120x128xf32, #tpu.memory_space<vmem_shared>>
        %dma_wait3A_83 = arith.constant 0 : i32
        %dma_wait3A_84 = tpu.memref_slice %arg11[%add3A_57, %dma_wait3A_83] : memref<10000x128xf32, #tpu.memory_space<vmem_shared>> -> memref<120x128xf32, #tpu.memory_space<vmem_shared>>
        %dma_wait3A_85 = arith.constant 0 : i32
        %dma_wait3A_86 = arith.constant 0 : i32
        %dma_wait3A_87 = tpu.memref_slice %arg10[%dma_wait3A_85, %dma_wait3A_86] : memref<120x128xf32, #tpu.memory_space<vmem>> -> memref<120x128xf32, #tpu.memory_space<vmem>>
        tpu.wait_dma2 semaphore(%run_scoped3A_68 : memref<!tpu.dma_semaphore, #tpu.memory_space<semaphore_mem>>) src(%dma_wait3A_87 : memref<120x128xf32, #tpu.memory_space<vmem>>) dst(%dma_wait3A_84 : memref<120x128xf32, #tpu.memory_space<vmem_shared>>)
        tpu.yield
      }) : () -> ()
      %lt3A_58 = arith.constant 15 : i32
      %lt3A_59 = arith.cmpi slt, %arg1, %lt3A_58 : i32
      %convert_element_type3A_60 = arith.extui %lt3A_59 : i1 to i32
      %cond3A_61 = arith.constant 0 : i32
      %cond3A_62 = arith.cmpi ne, %convert_element_type3A_60, %cond3A_61 : i32
      scf.if %cond3A_62 {
        %add3A_68 = arith.constant 600 : i32
        %add3A_69 = arith.addi %mul3A_2, %add3A_68 : i32
        "tpu.region"() ({
          %run_scoped3A_70 = tpu.sem_alloc : memref<!tpu.dma_semaphore, #tpu.memory_space<semaphore_mem>>
          %dma_start3A_71 = arith.constant 0 : i32
          %dma_start3A_72 = arith.constant 0 : i32
          %dma_start3A_73 = tpu.memref_slice %arg10[%dma_start3A_71, %dma_start3A_72] : memref<120x128xf32, #tpu.memory_space<vmem>> -> memref<24x128xf32, #tpu.memory_space<vmem>>
          %dma_start3A_74 = arith.constant 0 : i32
          %dma_start3A_75 = tpu.memref_slice %arg11[%add3A_69, %dma_start3A_74] : memref<10000x128xf32, #tpu.memory_space<vmem_shared>> -> memref<24x128xf32, #tpu.memory_space<vmem_shared>>
          %dma_start3A_76 = arith.constant 0 : i32
          %dma_start3A_77 = tpu.memref_slice %arg11[%add3A_69, %dma_start3A_76] : memref<10000x128xf32, #tpu.memory_space<vmem_shared>> -> memref<24x128xf32, #tpu.memory_space<vmem_shared>>
          %dma_start3A_78 = arith.constant 0 : i32
          %dma_start3A_79 = arith.constant 0 : i32
          %dma_start3A_80 = tpu.memref_slice %arg10[%dma_start3A_78, %dma_start3A_79] : memref<120x128xf32, #tpu.memory_space<vmem>> -> memref<24x128xf32, #tpu.memory_space<vmem>>
          tpu.enqueue_dma source(%dma_start3A_80 : memref<24x128xf32, #tpu.memory_space<vmem>>) target(%dma_start3A_77 : memref<24x128xf32, #tpu.memory_space<vmem_shared>>) target_semaphore(%run_scoped3A_70 : memref<!tpu.dma_semaphore, #tpu.memory_space<semaphore_mem>>)
          %dma_wait3A = arith.constant 0 : i32
          %dma_wait3A_81 = arith.constant 0 : i32
          %dma_wait3A_82 = tpu.memref_slice %arg10[%dma_wait3A, %dma_wait3A_81] : memref<120x128xf32, #tpu.memory_space<vmem>> -> memref<24x128xf32, #tpu.memory_space<vmem>>
          %dma_wait3A_83 = arith.constant 0 : i32
          %dma_wait3A_84 = tpu.memref_slice %arg11[%add3A_69, %dma_wait3A_83] : memref<10000x128xf32, #tpu.memory_space<vmem_shared>> -> memref<24x128xf32, #tpu.memory_space<vmem_shared>>
          %dma_wait3A_85 = arith.constant 0 : i32
          %dma_wait3A_86 = tpu.memref_slice %arg11[%add3A_69, %dma_wait3A_85] : memref<10000x128xf32, #tpu.memory_space<vmem_shared>> -> memref<24x128xf32, #tpu.memory_space<vmem_shared>>
          %dma_wait3A_87 = arith.constant 0 : i32
          %dma_wait3A_88 = arith.constant 0 : i32
          %dma_wait3A_89 = tpu.memref_slice %arg10[%dma_wait3A_87, %dma_wait3A_88] : memref<120x128xf32, #tpu.memory_space<vmem>> -> memref<24x128xf32, #tpu.memory_space<vmem>>
          tpu.wait_dma2 semaphore(%run_scoped3A_70 : memref<!tpu.dma_semaphore, #tpu.memory_space<semaphore_mem>>) src(%dma_wait3A_89 : memref<24x128xf32, #tpu.memory_space<vmem>>) dst(%dma_wait3A_86 : memref<24x128xf32, #tpu.memory_space<vmem_shared>>)
          tpu.yield
        }) : () -> ()
      } else {
      }
      %eq3A_63 = arith.constant 15 : i32
      %eq3A_64 = arith.cmpi eq, %arg1, %eq3A_63 : i32
      %convert_element_type3A_65 = arith.extui %eq3A_64 : i1 to i32
      %cond3A_66 = arith.constant 0 : i32
      %cond3A_67 = arith.cmpi ne, %convert_element_type3A_65, %cond3A_66 : i32
      scf.if %cond3A_67 {
        %add3A_68 = arith.constant 600 : i32
        %add3A_69 = arith.addi %mul3A_2, %add3A_68 : i32
        "tpu.region"() ({
          %run_scoped3A_70 = tpu.sem_alloc : memref<!tpu.dma_semaphore, #tpu.memory_space<semaphore_mem>>
          %dma_start3A_71 = arith.constant 0 : i32
          %dma_start3A_72 = arith.constant 0 : i32
          %dma_start3A_73 = tpu.memref_slice %arg10[%dma_start3A_71, %dma_start3A_72] : memref<120x128xf32, #tpu.memory_space<vmem>> -> memref<40x128xf32, #tpu.memory_space<vmem>>
          %dma_start3A_74 = arith.constant 0 : i32
          %dma_start3A_75 = tpu.memref_slice %arg11[%add3A_69, %dma_start3A_74] : memref<10000x128xf32, #tpu.memory_space<vmem_shared>> -> memref<40x128xf32, #tpu.memory_space<vmem_shared>>
          %dma_start3A_76 = arith.constant 0 : i32
          %dma_start3A_77 = tpu.memref_slice %arg11[%add3A_69, %dma_start3A_76] : memref<10000x128xf32, #tpu.memory_space<vmem_shared>> -> memref<40x128xf32, #tpu.memory_space<vmem_shared>>
          %dma_start3A_78 = arith.constant 0 : i32
          %dma_start3A_79 = arith.constant 0 : i32
          %dma_start3A_80 = tpu.memref_slice %arg10[%dma_start3A_78, %dma_start3A_79] : memref<120x128xf32, #tpu.memory_space<vmem>> -> memref<40x128xf32, #tpu.memory_space<vmem>>
          tpu.enqueue_dma source(%dma_start3A_80 : memref<40x128xf32, #tpu.memory_space<vmem>>) target(%dma_start3A_77 : memref<40x128xf32, #tpu.memory_space<vmem_shared>>) target_semaphore(%run_scoped3A_70 : memref<!tpu.dma_semaphore, #tpu.memory_space<semaphore_mem>>)
          %dma_wait3A = arith.constant 0 : i32
          %dma_wait3A_81 = arith.constant 0 : i32
          %dma_wait3A_82 = tpu.memref_slice %arg10[%dma_wait3A, %dma_wait3A_81] : memref<120x128xf32, #tpu.memory_space<vmem>> -> memref<40x128xf32, #tpu.memory_space<vmem>>
          %dma_wait3A_83 = arith.constant 0 : i32
          %dma_wait3A_84 = tpu.memref_slice %arg11[%add3A_69, %dma_wait3A_83] : memref<10000x128xf32, #tpu.memory_space<vmem_shared>> -> memref<40x128xf32, #tpu.memory_space<vmem_shared>>
          %dma_wait3A_85 = arith.constant 0 : i32
          %dma_wait3A_86 = tpu.memref_slice %arg11[%add3A_69, %dma_wait3A_85] : memref<10000x128xf32, #tpu.memory_space<vmem_shared>> -> memref<40x128xf32, #tpu.memory_space<vmem_shared>>
          %dma_wait3A_87 = arith.constant 0 : i32
          %dma_wait3A_88 = arith.constant 0 : i32
          %dma_wait3A_89 = tpu.memref_slice %arg10[%dma_wait3A_87, %dma_wait3A_88] : memref<120x128xf32, #tpu.memory_space<vmem>> -> memref<40x128xf32, #tpu.memory_space<vmem>>
          tpu.wait_dma2 semaphore(%run_scoped3A_70 : memref<!tpu.dma_semaphore, #tpu.memory_space<semaphore_mem>>) src(%dma_wait3A_89 : memref<40x128xf32, #tpu.memory_space<vmem>>) dst(%dma_wait3A_86 : memref<40x128xf32, #tpu.memory_space<vmem_shared>>)
          tpu.yield
        }) : () -> ()
      } else {
      }
    } else {
    }
    %barrier3A = arith.constant 0 : index
    tpu.barrier barrier_id(%barrier3A)
    %scan3A = arith.constant 0 : i32
    %scan3A_27 = arith.constant 0 : i32
    %scan3A_28 = arith.constant 28 : i32
    %scan3A_29 = arith.addi %scan3A_27, %scan3A_28 : i32
    %scan3A_30 = arith.constant 1 : i32
    scf.for %scan3A_42 = %scan3A_27 to %scan3A_29 step %scan3A_30  : i32 {
      %jit3A = arith.constant 2 : i32
      %eq3A_43 = arith.constant 0 : i32
      %eq3A_44 = arith.cmpi eq, %jit3A, %eq3A_43 : i32
      %jit3A_45 = arith.constant 1 : i32
      %select_n3A = arith.select %eq3A_44, %jit3A_45, %jit3A : i32
      %rem3A = arith.remsi %scan3A_42, %select_n3A : i32
      %ne3A_46 = arith.constant 0 : i32
      %ne3A_47 = arith.cmpi ne, %rem3A, %ne3A_46 : i32
      %lt3A_48 = arith.constant 0 : i32
      %lt3A_49 = arith.cmpi slt, %rem3A, %lt3A_48 : i32
      %lt3A_50 = arith.constant 0 : i32
      %lt3A_51 = arith.cmpi slt, %select_n3A, %lt3A_50 : i32
      %ne3A_52 = arith.xori %lt3A_49, %lt3A_51 : i1
      %and3A = arith.andi %ne3A_52, %ne3A_47 : i1
      %add3A_53 = arith.addi %rem3A, %select_n3A : i32
      %select_n3A_54 = arith.select %and3A, %add3A_53, %rem3A : i32
      %add3A_55 = arith.constant 1 : i32
      %add3A_56 = arith.addi %scan3A_42, %add3A_55 : i32
      %jit3A_57 = arith.constant 2 : i32
      %eq3A_58 = arith.constant 0 : i32
      %eq3A_59 = arith.cmpi eq, %jit3A_57, %eq3A_58 : i32
      %jit3A_60 = arith.constant 1 : i32
      %select_n3A_61 = arith.select %eq3A_59, %jit3A_60, %jit3A_57 : i32
      %rem3A_62 = arith.remsi %add3A_56, %select_n3A_61 : i32
      %ne3A_63 = arith.constant 0 : i32
      %ne3A_64 = arith.cmpi ne, %rem3A_62, %ne3A_63 : i32
      %lt3A_65 = arith.constant 0 : i32
      %lt3A_66 = arith.cmpi slt, %rem3A_62, %lt3A_65 : i32
      %lt3A_67 = arith.constant 0 : i32
      %lt3A_68 = arith.cmpi slt, %select_n3A_61, %lt3A_67 : i32
      %ne3A_69 = arith.xori %lt3A_66, %lt3A_68 : i1
      %and3A_70 = arith.andi %ne3A_69, %ne3A_64 : i1
      %add3A_71 = arith.addi %rem3A_62, %select_n3A_61 : i32
      %select_n3A_72 = arith.select %and3A_70, %add3A_71, %rem3A_62 : i32
      %lt3A_73 = arith.constant 27 : i32
      %lt3A_74 = arith.cmpi slt, %scan3A_42, %lt3A_73 : i32
      %convert_element_type3A_75 = arith.extui %lt3A_74 : i1 to i32
      %cond3A_76 = arith.constant 0 : i32
      %cond3A_77 = arith.cmpi ne, %convert_element_type3A_75, %cond3A_76 : i32
      scf.if %cond3A_77 {
        %add3A_118 = arith.constant 1 : i32
        %add3A_119 = arith.addi %scan3A_42, %add3A_118 : i32
        %dma_start3A_120 = arith.constant 0 : i32
        %dma_start3A_121 = arith.constant 0 : i32
        %dma_start3A_122 = tpu.memref_slice %arg6[%select_n3A_72, %dma_start3A_120, %dma_start3A_121] : memref<2x3x120xi32, #tpu.memory_space<vmem>> -> memref<1x3x120xi32, #tpu.memory_space<vmem>>
        %dma_start3A_123 = tpu.memref_squeeze %dma_start3A_122 : memref<1x3x120xi32, #tpu.memory_space<vmem>> -> memref<3x120xi32, #tpu.memory_space<vmem>>
        %dma_start3A_124 = arith.constant 0 : i32
        %dma_start3A_125 = arith.constant 0 : i32
        %dma_start3A_126 = tpu.memref_slice %arg3[%add3A, %add3A_119, %dma_start3A_124, %dma_start3A_125] : memref<32x28x3x120xi32, #tpu.memory_space<hbm>> -> memref<1x1x3x120xi32, #tpu.memory_space<hbm>>
        %dma_start3A_127 = tpu.memref_squeeze %dma_start3A_126 : memref<1x1x3x120xi32, #tpu.memory_space<hbm>> -> memref<3x120xi32, #tpu.memory_space<hbm>>
        %dma_start3A_128 = arith.constant 0 : i32
        %dma_start3A_129 = arith.constant 0 : i32
        %dma_start3A_130 = tpu.memref_slice %arg6[%select_n3A_72, %dma_start3A_128, %dma_start3A_129] : memref<2x3x120xi32, #tpu.memory_space<vmem>> -> memref<1x3x120xi32, #tpu.memory_space<vmem>>
        %dma_start3A_131 = tpu.memref_squeeze %dma_start3A_130 : memref<1x3x120xi32, #tpu.memory_space<vmem>> -> memref<3x120xi32, #tpu.memory_space<vmem>>
        %dma_start3A_132 = arith.constant 0 : i32
        %dma_start3A_133 = arith.constant 0 : i32
        %dma_start3A_134 = tpu.memref_slice %arg3[%add3A, %add3A_119, %dma_start3A_132, %dma_start3A_133] : memref<32x28x3x120xi32, #tpu.memory_space<hbm>> -> memref<1x1x3x120xi32, #tpu.memory_space<hbm>>
        %dma_start3A_135 = tpu.memref_squeeze %dma_start3A_134 : memref<1x1x3x120xi32, #tpu.memory_space<hbm>> -> memref<3x120xi32, #tpu.memory_space<hbm>>
        tpu.enqueue_dma source(%dma_start3A_135 : memref<3x120xi32, #tpu.memory_space<hbm>>) target(%dma_start3A_131 : memref<3x120xi32, #tpu.memory_space<vmem>>) target_semaphore(%arg15 : memref<!tpu.dma_semaphore, #tpu.memory_space<semaphore_mem>>)
        %add3A_136 = arith.constant 1 : i32
        %add3A_137 = arith.addi %scan3A_42, %add3A_136 : i32
        %dma_start3A_138 = arith.constant 0 : i32
        %dma_start3A_139 = arith.constant 0 : i32
        %dma_start3A_140 = tpu.memref_slice %arg7[%select_n3A_72, %dma_start3A_138, %dma_start3A_139] : memref<2x3x120xi32, #tpu.memory_space<vmem>> -> memref<1x3x120xi32, #tpu.memory_space<vmem>>
        %dma_start3A_141 = tpu.memref_squeeze %dma_start3A_140 : memref<1x3x120xi32, #tpu.memory_space<vmem>> -> memref<3x120xi32, #tpu.memory_space<vmem>>
        %dma_start3A_142 = arith.constant 0 : i32
        %dma_start3A_143 = arith.constant 0 : i32
        %dma_start3A_144 = tpu.memref_slice %arg4[%add3A, %add3A_137, %dma_start3A_142, %dma_start3A_143] : memref<32x28x3x120xi32, #tpu.memory_space<hbm>> -> memref<1x1x3x120xi32, #tpu.memory_space<hbm>>
        %dma_start3A_145 = tpu.memref_squeeze %dma_start3A_144 : memref<1x1x3x120xi32, #tpu.memory_space<hbm>> -> memref<3x120xi32, #tpu.memory_space<hbm>>
        %dma_start3A_146 = arith.constant 0 : i32
        %dma_start3A_147 = arith.constant 0 : i32
        %dma_start3A_148 = tpu.memref_slice %arg7[%select_n3A_72, %dma_start3A_146, %dma_start3A_147] : memref<2x3x120xi32, #tpu.memory_space<vmem>> -> memref<1x3x120xi32, #tpu.memory_space<vmem>>
        %dma_start3A_149 = tpu.memref_squeeze %dma_start3A_148 : memref<1x3x120xi32, #tpu.memory_space<vmem>> -> memref<3x120xi32, #tpu.memory_space<vmem>>
        %dma_start3A_150 = arith.constant 0 : i32
        %dma_start3A_151 = arith.constant 0 : i32
        %dma_start3A_152 = tpu.memref_slice %arg4[%add3A, %add3A_137, %dma_start3A_150, %dma_start3A_151] : memref<32x28x3x120xi32, #tpu.memory_space<hbm>> -> memref<1x1x3x120xi32, #tpu.memory_space<hbm>>
        %dma_start3A_153 = tpu.memref_squeeze %dma_start3A_152 : memref<1x1x3x120xi32, #tpu.memory_space<hbm>> -> memref<3x120xi32, #tpu.memory_space<hbm>>
        tpu.enqueue_dma source(%dma_start3A_153 : memref<3x120xi32, #tpu.memory_space<hbm>>) target(%dma_start3A_149 : memref<3x120xi32, #tpu.memory_space<vmem>>) target_semaphore(%arg15 : memref<!tpu.dma_semaphore, #tpu.memory_space<semaphore_mem>>)
      } else {
      }
      %dma_wait3A = arith.constant 0 : i32
      %dma_wait3A_78 = arith.constant 0 : i32
      %dma_wait3A_79 = tpu.memref_slice %arg6[%select_n3A_54, %dma_wait3A, %dma_wait3A_78] : memref<2x3x120xi32, #tpu.memory_space<vmem>> -> memref<1x1x120xi32, #tpu.memory_space<vmem>>
      %dma_wait3A_80 = tpu.memref_squeeze %dma_wait3A_79 : memref<1x1x120xi32, #tpu.memory_space<vmem>> -> memref<120xi32, #tpu.memory_space<vmem>>
      %dma_wait3A_81 = arith.constant 0 : i32
      %dma_wait3A_82 = arith.constant 0 : i32
      %dma_wait3A_83 = tpu.memref_slice %arg2[%dma_wait3A_81, %dma_wait3A_82] : memref<10048x128xf32, #tpu.memory_space<hbm>> -> memref<10048x128xf32, #tpu.memory_space<hbm>>
      tpu.wait_indirect_dma semaphore(%arg12 : memref<!tpu.dma_semaphore, #tpu.memory_space<semaphore_mem>>) src(%dma_wait3A_83 : memref<10048x128xf32, #tpu.memory_space<hbm>>) dst(%arg8 : memref<120x128xf32, #tpu.memory_space<vmem>>)
      %dma_start3A_84 = arith.constant 2 : i32
      %dma_start3A_85 = arith.constant 0 : i32
      %dma_start3A_86 = tpu.memref_slice %arg6[%select_n3A_54, %dma_start3A_84, %dma_start3A_85] : memref<2x3x120xi32, #tpu.memory_space<vmem>> -> memref<1x1x120xi32, #tpu.memory_space<vmem>>
      %dma_start3A_87 = tpu.memref_squeeze %dma_start3A_86 : memref<1x1x120xi32, #tpu.memory_space<vmem>> -> memref<120xi32, #tpu.memory_space<vmem>>
      %dma_start3A_88 = arith.constant 0 : i32
      %dma_start3A_89 = arith.constant 0 : i32
      %dma_start3A_90 = tpu.memref_slice %arg2[%dma_start3A_88, %dma_start3A_89] : memref<10048x128xf32, #tpu.memory_space<hbm>> -> memref<10048x128xf32, #tpu.memory_space<hbm>>
      tpu.enqueue_indirect_dma source(%dma_start3A_90 : memref<10048x128xf32, #tpu.memory_space<hbm>>) target(%arg10 : memref<120x128xf32, #tpu.memory_space<vmem>>) offsets(%dma_start3A_87 : memref<120xi32, #tpu.memory_space<vmem>>) semaphore(%arg14 : memref<!tpu.dma_semaphore, #tpu.memory_space<semaphore_mem>>)
      %run_scoped3A_91 = arith.constant 0 : i32
      "tpu.region"() ({
        %run_scoped3A_118 = tpu.sem_alloc : memref<!tpu.dma_semaphore, #tpu.memory_space<semaphore_mem>>
        %dma_start3A_119 = arith.constant 0 : i32
        %dma_start3A_120 = tpu.memref_slice %arg7[%select_n3A_54, %run_scoped3A_91, %dma_start3A_119] : memref<2x3x120xi32, #tpu.memory_space<vmem>> -> memref<1x1x120xi32, #tpu.memory_space<vmem>>
        %dma_start3A_121 = tpu.memref_squeeze %dma_start3A_120 : memref<1x1x120xi32, #tpu.memory_space<vmem>> -> memref<120xi32, #tpu.memory_space<vmem>>
        %dma_start3A_122 = arith.constant 0 : i32
        %dma_start3A_123 = arith.constant 0 : i32
        %dma_start3A_124 = tpu.memref_slice %arg11[%dma_start3A_122, %dma_start3A_123] : memref<10000x128xf32, #tpu.memory_space<vmem_shared>> -> memref<10000x128xf32, #tpu.memory_space<vmem_shared>>
        tpu.enqueue_indirect_dma source(%arg8 : memref<120x128xf32, #tpu.memory_space<vmem>>) target(%dma_start3A_124 : memref<10000x128xf32, #tpu.memory_space<vmem_shared>>) offsets(%dma_start3A_121 : memref<120xi32, #tpu.memory_space<vmem>>) semaphore(%run_scoped3A_118 : memref<!tpu.dma_semaphore, #tpu.memory_space<semaphore_mem>>) {add = true}
        %dma_wait3A_125 = arith.constant 0 : i32
        %dma_wait3A_126 = tpu.memref_slice %arg7[%select_n3A_54, %run_scoped3A_91, %dma_wait3A_125] : memref<2x3x120xi32, #tpu.memory_space<vmem>> -> memref<1x1x120xi32, #tpu.memory_space<vmem>>
        %dma_wait3A_127 = tpu.memref_squeeze %dma_wait3A_126 : memref<1x1x120xi32, #tpu.memory_space<vmem>> -> memref<120xi32, #tpu.memory_space<vmem>>
        %dma_wait3A_128 = arith.constant 0 : i32
        %dma_wait3A_129 = arith.constant 0 : i32
        %dma_wait3A_130 = tpu.memref_slice %arg11[%dma_wait3A_128, %dma_wait3A_129] : memref<10000x128xf32, #tpu.memory_space<vmem_shared>> -> memref<10000x128xf32, #tpu.memory_space<vmem_shared>>
        tpu.wait_indirect_dma semaphore(%run_scoped3A_118 : memref<!tpu.dma_semaphore, #tpu.memory_space<semaphore_mem>>) src(%arg8 : memref<120x128xf32, #tpu.memory_space<vmem>>) dst(%dma_wait3A_130 : memref<10000x128xf32, #tpu.memory_space<vmem_shared>>)
        tpu.yield
      }) : () -> ()
      %lt3A_92 = arith.constant 27 : i32
      %lt3A_93 = arith.cmpi slt, %scan3A_42, %lt3A_92 : i32
      %convert_element_type3A_94 = arith.extui %lt3A_93 : i1 to i32
      %cond3A_95 = arith.constant 0 : i32
      %cond3A_96 = arith.cmpi ne, %convert_element_type3A_94, %cond3A_95 : i32
      scf.if %cond3A_96 {
        %dma_wait3A_118 = arith.constant 0 : i32
        %dma_wait3A_119 = arith.constant 0 : i32
        %dma_wait3A_120 = arith.constant 0 : i32
        %dma_wait3A_121 = tpu.memref_slice %arg6[%select_n3A_72, %dma_wait3A_119, %dma_wait3A_120] : memref<2x3x120xi32, #tpu.memory_space<vmem>> -> memref<1x3x120xi32, #tpu.memory_space<vmem>>
        %dma_wait3A_122 = tpu.memref_squeeze %dma_wait3A_121 : memref<1x3x120xi32, #tpu.memory_space<vmem>> -> memref<3x120xi32, #tpu.memory_space<vmem>>
        %dma_wait3A_123 = arith.constant 0 : i32
        %dma_wait3A_124 = arith.constant 0 : i32
        %dma_wait3A_125 = tpu.memref_slice %arg3[%add3A, %dma_wait3A_118, %dma_wait3A_123, %dma_wait3A_124] : memref<32x28x3x120xi32, #tpu.memory_space<hbm>> -> memref<1x1x3x120xi32, #tpu.memory_space<hbm>>
        %dma_wait3A_126 = tpu.memref_squeeze %dma_wait3A_125 : memref<1x1x3x120xi32, #tpu.memory_space<hbm>> -> memref<3x120xi32, #tpu.memory_space<hbm>>
        %dma_wait3A_127 = arith.constant 0 : i32
        %dma_wait3A_128 = arith.constant 0 : i32
        %dma_wait3A_129 = tpu.memref_slice %arg6[%select_n3A_72, %dma_wait3A_127, %dma_wait3A_128] : memref<2x3x120xi32, #tpu.memory_space<vmem>> -> memref<1x3x120xi32, #tpu.memory_space<vmem>>
        %dma_wait3A_130 = tpu.memref_squeeze %dma_wait3A_129 : memref<1x3x120xi32, #tpu.memory_space<vmem>> -> memref<3x120xi32, #tpu.memory_space<vmem>>
        %dma_wait3A_131 = arith.constant 0 : i32
        %dma_wait3A_132 = arith.constant 0 : i32
        %dma_wait3A_133 = tpu.memref_slice %arg3[%add3A, %dma_wait3A_118, %dma_wait3A_131, %dma_wait3A_132] : memref<32x28x3x120xi32, #tpu.memory_space<hbm>> -> memref<1x1x3x120xi32, #tpu.memory_space<hbm>>
        %dma_wait3A_134 = tpu.memref_squeeze %dma_wait3A_133 : memref<1x1x3x120xi32, #tpu.memory_space<hbm>> -> memref<3x120xi32, #tpu.memory_space<hbm>>
        tpu.wait_dma2 semaphore(%arg15 : memref<!tpu.dma_semaphore, #tpu.memory_space<semaphore_mem>>) src(%dma_wait3A_134 : memref<3x120xi32, #tpu.memory_space<hbm>>) dst(%dma_wait3A_130 : memref<3x120xi32, #tpu.memory_space<vmem>>)
        %dma_wait3A_135 = arith.constant 0 : i32
        %dma_wait3A_136 = arith.constant 0 : i32
        %dma_wait3A_137 = arith.constant 0 : i32
        %dma_wait3A_138 = tpu.memref_slice %arg7[%select_n3A_72, %dma_wait3A_136, %dma_wait3A_137] : memref<2x3x120xi32, #tpu.memory_space<vmem>> -> memref<1x3x120xi32, #tpu.memory_space<vmem>>
        %dma_wait3A_139 = tpu.memref_squeeze %dma_wait3A_138 : memref<1x3x120xi32, #tpu.memory_space<vmem>> -> memref<3x120xi32, #tpu.memory_space<vmem>>
        %dma_wait3A_140 = arith.constant 0 : i32
        %dma_wait3A_141 = arith.constant 0 : i32
        %dma_wait3A_142 = tpu.memref_slice %arg4[%add3A, %dma_wait3A_135, %dma_wait3A_140, %dma_wait3A_141] : memref<32x28x3x120xi32, #tpu.memory_space<hbm>> -> memref<1x1x3x120xi32, #tpu.memory_space<hbm>>
        %dma_wait3A_143 = tpu.memref_squeeze %dma_wait3A_142 : memref<1x1x3x120xi32, #tpu.memory_space<hbm>> -> memref<3x120xi32, #tpu.memory_space<hbm>>
        %dma_wait3A_144 = arith.constant 0 : i32
        %dma_wait3A_145 = arith.constant 0 : i32
        %dma_wait3A_146 = tpu.memref_slice %arg7[%select_n3A_72, %dma_wait3A_144, %dma_wait3A_145] : memref<2x3x120xi32, #tpu.memory_space<vmem>> -> memref<1x3x120xi32, #tpu.memory_space<vmem>>
        %dma_wait3A_147 = tpu.memref_squeeze %dma_wait3A_146 : memref<1x3x120xi32, #tpu.memory_space<vmem>> -> memref<3x120xi32, #tpu.memory_space<vmem>>
        %dma_wait3A_148 = arith.constant 0 : i32
        %dma_wait3A_149 = arith.constant 0 : i32
        %dma_wait3A_150 = tpu.memref_slice %arg4[%add3A, %dma_wait3A_135, %dma_wait3A_148, %dma_wait3A_149] : memref<32x28x3x120xi32, #tpu.memory_space<hbm>> -> memref<1x1x3x120xi32, #tpu.memory_space<hbm>>
        %dma_wait3A_151 = tpu.memref_squeeze %dma_wait3A_150 : memref<1x1x3x120xi32, #tpu.memory_space<hbm>> -> memref<3x120xi32, #tpu.memory_space<hbm>>
        tpu.wait_dma2 semaphore(%arg15 : memref<!tpu.dma_semaphore, #tpu.memory_space<semaphore_mem>>) src(%dma_wait3A_151 : memref<3x120xi32, #tpu.memory_space<hbm>>) dst(%dma_wait3A_147 : memref<3x120xi32, #tpu.memory_space<vmem>>)
        %dma_start3A_152 = arith.constant 0 : i32
        %dma_start3A_153 = arith.constant 0 : i32
        %dma_start3A_154 = tpu.memref_slice %arg6[%select_n3A_72, %dma_start3A_152, %dma_start3A_153] : memref<2x3x120xi32, #tpu.memory_space<vmem>> -> memref<1x1x120xi32, #tpu.memory_space<vmem>>
        %dma_start3A_155 = tpu.memref_squeeze %dma_start3A_154 : memref<1x1x120xi32, #tpu.memory_space<vmem>> -> memref<120xi32, #tpu.memory_space<vmem>>
        %dma_start3A_156 = arith.constant 0 : i32
        %dma_start3A_157 = arith.constant 0 : i32
        %dma_start3A_158 = tpu.memref_slice %arg2[%dma_start3A_156, %dma_start3A_157] : memref<10048x128xf32, #tpu.memory_space<hbm>> -> memref<10048x128xf32, #tpu.memory_space<hbm>>
        tpu.enqueue_indirect_dma source(%dma_start3A_158 : memref<10048x128xf32, #tpu.memory_space<hbm>>) target(%arg8 : memref<120x128xf32, #tpu.memory_space<vmem>>) offsets(%dma_start3A_155 : memref<120xi32, #tpu.memory_space<vmem>>) semaphore(%arg12 : memref<!tpu.dma_semaphore, #tpu.memory_space<semaphore_mem>>)
      } else {
      }
      %dma_wait3A_97 = arith.constant 1 : i32
      %dma_wait3A_98 = arith.constant 0 : i32
      %dma_wait3A_99 = tpu.memref_slice %arg6[%select_n3A_54, %dma_wait3A_97, %dma_wait3A_98] : memref<2x3x120xi32, #tpu.memory_space<vmem>> -> memref<1x1x120xi32, #tpu.memory_space<vmem>>
      %dma_wait3A_100 = tpu.memref_squeeze %dma_wait3A_99 : memref<1x1x120xi32, #tpu.memory_space<vmem>> -> memref<120xi32, #tpu.memory_space<vmem>>
      %dma_wait3A_101 = arith.constant 0 : i32
      %dma_wait3A_102 = arith.constant 0 : i32
      %dma_wait3A_103 = tpu.memref_slice %arg2[%dma_wait3A_101, %dma_wait3A_102] : memref<10048x128xf32, #tpu.memory_space<hbm>> -> memref<10048x128xf32, #tpu.memory_space<hbm>>
      tpu.wait_indirect_dma semaphore(%arg13 : memref<!tpu.dma_semaphore, #tpu.memory_space<semaphore_mem>>) src(%dma_wait3A_103 : memref<10048x128xf32, #tpu.memory_space<hbm>>) dst(%arg9 : memref<120x128xf32, #tpu.memory_space<vmem>>)
      %run_scoped3A_104 = arith.constant 1 : i32
      "tpu.region"() ({
        %run_scoped3A_118 = tpu.sem_alloc : memref<!tpu.dma_semaphore, #tpu.memory_space<semaphore_mem>>
        %dma_start3A_119 = arith.constant 0 : i32
        %dma_start3A_120 = tpu.memref_slice %arg7[%select_n3A_54, %run_scoped3A_104, %dma_start3A_119] : memref<2x3x120xi32, #tpu.memory_space<vmem>> -> memref<1x1x120xi32, #tpu.memory_space<vmem>>
        %dma_start3A_121 = tpu.memref_squeeze %dma_start3A_120 : memref<1x1x120xi32, #tpu.memory_space<vmem>> -> memref<120xi32, #tpu.memory_space<vmem>>
        %dma_start3A_122 = arith.constant 0 : i32
        %dma_start3A_123 = arith.constant 0 : i32
        %dma_start3A_124 = tpu.memref_slice %arg11[%dma_start3A_122, %dma_start3A_123] : memref<10000x128xf32, #tpu.memory_space<vmem_shared>> -> memref<10000x128xf32, #tpu.memory_space<vmem_shared>>
        tpu.enqueue_indirect_dma source(%arg9 : memref<120x128xf32, #tpu.memory_space<vmem>>) target(%dma_start3A_124 : memref<10000x128xf32, #tpu.memory_space<vmem_shared>>) offsets(%dma_start3A_121 : memref<120xi32, #tpu.memory_space<vmem>>) semaphore(%run_scoped3A_118 : memref<!tpu.dma_semaphore, #tpu.memory_space<semaphore_mem>>) {add = true}
        %dma_wait3A_125 = arith.constant 0 : i32
        %dma_wait3A_126 = tpu.memref_slice %arg7[%select_n3A_54, %run_scoped3A_104, %dma_wait3A_125] : memref<2x3x120xi32, #tpu.memory_space<vmem>> -> memref<1x1x120xi32, #tpu.memory_space<vmem>>
        %dma_wait3A_127 = tpu.memref_squeeze %dma_wait3A_126 : memref<1x1x120xi32, #tpu.memory_space<vmem>> -> memref<120xi32, #tpu.memory_space<vmem>>
        %dma_wait3A_128 = arith.constant 0 : i32
        %dma_wait3A_129 = arith.constant 0 : i32
        %dma_wait3A_130 = tpu.memref_slice %arg11[%dma_wait3A_128, %dma_wait3A_129] : memref<10000x128xf32, #tpu.memory_space<vmem_shared>> -> memref<10000x128xf32, #tpu.memory_space<vmem_shared>>
        tpu.wait_indirect_dma semaphore(%run_scoped3A_118 : memref<!tpu.dma_semaphore, #tpu.memory_space<semaphore_mem>>) src(%arg9 : memref<120x128xf32, #tpu.memory_space<vmem>>) dst(%dma_wait3A_130 : memref<10000x128xf32, #tpu.memory_space<vmem_shared>>)
        tpu.yield
      }) : () -> ()
      %lt3A_105 = arith.constant 27 : i32
      %lt3A_106 = arith.cmpi slt, %scan3A_42, %lt3A_105 : i32
      %convert_element_type3A_107 = arith.extui %lt3A_106 : i1 to i32
      %cond3A_108 = arith.constant 0 : i32
      %cond3A_109 = arith.cmpi ne, %convert_element_type3A_107, %cond3A_108 : i32
      scf.if %cond3A_109 {
        %dma_start3A_118 = arith.constant 1 : i32
        %dma_start3A_119 = arith.constant 0 : i32
        %dma_start3A_120 = tpu.memref_slice %arg6[%select_n3A_72, %dma_start3A_118, %dma_start3A_119] : memref<2x3x120xi32, #tpu.memory_space<vmem>> -> memref<1x1x120xi32, #tpu.memory_space<vmem>>
        %dma_start3A_121 = tpu.memref_squeeze %dma_start3A_120 : memref<1x1x120xi32, #tpu.memory_space<vmem>> -> memref<120xi32, #tpu.memory_space<vmem>>
        %dma_start3A_122 = arith.constant 0 : i32
        %dma_start3A_123 = arith.constant 0 : i32
        %dma_start3A_124 = tpu.memref_slice %arg2[%dma_start3A_122, %dma_start3A_123] : memref<10048x128xf32, #tpu.memory_space<hbm>> -> memref<10048x128xf32, #tpu.memory_space<hbm>>
        tpu.enqueue_indirect_dma source(%dma_start3A_124 : memref<10048x128xf32, #tpu.memory_space<hbm>>) target(%arg9 : memref<120x128xf32, #tpu.memory_space<vmem>>) offsets(%dma_start3A_121 : memref<120xi32, #tpu.memory_space<vmem>>) semaphore(%arg13 : memref<!tpu.dma_semaphore, #tpu.memory_space<semaphore_mem>>)
      } else {
      }
      %dma_wait3A_110 = arith.constant 2 : i32
      %dma_wait3A_111 = arith.constant 0 : i32
      %dma_wait3A_112 = tpu.memref_slice %arg6[%select_n3A_54, %dma_wait3A_110, %dma_wait3A_111] : memref<2x3x120xi32, #tpu.memory_space<vmem>> -> memref<1x1x120xi32, #tpu.memory_space<vmem>>
      %dma_wait3A_113 = tpu.memref_squeeze %dma_wait3A_112 : memref<1x1x120xi32, #tpu.memory_space<vmem>> -> memref<120xi32, #tpu.memory_space<vmem>>
      %dma_wait3A_114 = arith.constant 0 : i32
      %dma_wait3A_115 = arith.constant 0 : i32
      %dma_wait3A_116 = tpu.memref_slice %arg2[%dma_wait3A_114, %dma_wait3A_115] : memref<10048x128xf32, #tpu.memory_space<hbm>> -> memref<10048x128xf32, #tpu.memory_space<hbm>>
      tpu.wait_indirect_dma semaphore(%arg14 : memref<!tpu.dma_semaphore, #tpu.memory_space<semaphore_mem>>) src(%dma_wait3A_116 : memref<10048x128xf32, #tpu.memory_space<hbm>>) dst(%arg10 : memref<120x128xf32, #tpu.memory_space<vmem>>)
      %run_scoped3A_117 = arith.constant 2 : i32
      "tpu.region"() ({
        %run_scoped3A_118 = tpu.sem_alloc : memref<!tpu.dma_semaphore, #tpu.memory_space<semaphore_mem>>
        %dma_start3A_119 = arith.constant 0 : i32
        %dma_start3A_120 = tpu.memref_slice %arg7[%select_n3A_54, %run_scoped3A_117, %dma_start3A_119] : memref<2x3x120xi32, #tpu.memory_space<vmem>> -> memref<1x1x120xi32, #tpu.memory_space<vmem>>
        %dma_start3A_121 = tpu.memref_squeeze %dma_start3A_120 : memref<1x1x120xi32, #tpu.memory_space<vmem>> -> memref<120xi32, #tpu.memory_space<vmem>>
        %dma_start3A_122 = arith.constant 0 : i32
        %dma_start3A_123 = arith.constant 0 : i32
        %dma_start3A_124 = tpu.memref_slice %arg11[%dma_start3A_122, %dma_start3A_123] : memref<10000x128xf32, #tpu.memory_space<vmem_shared>> -> memref<10000x128xf32, #tpu.memory_space<vmem_shared>>
        tpu.enqueue_indirect_dma source(%arg10 : memref<120x128xf32, #tpu.memory_space<vmem>>) target(%dma_start3A_124 : memref<10000x128xf32, #tpu.memory_space<vmem_shared>>) offsets(%dma_start3A_121 : memref<120xi32, #tpu.memory_space<vmem>>) semaphore(%run_scoped3A_118 : memref<!tpu.dma_semaphore, #tpu.memory_space<semaphore_mem>>) {add = true}
        %dma_wait3A_125 = arith.constant 0 : i32
        %dma_wait3A_126 = tpu.memref_slice %arg7[%select_n3A_54, %run_scoped3A_117, %dma_wait3A_125] : memref<2x3x120xi32, #tpu.memory_space<vmem>> -> memref<1x1x120xi32, #tpu.memory_space<vmem>>
        %dma_wait3A_127 = tpu.memref_squeeze %dma_wait3A_126 : memref<1x1x120xi32, #tpu.memory_space<vmem>> -> memref<120xi32, #tpu.memory_space<vmem>>
        %dma_wait3A_128 = arith.constant 0 : i32
        %dma_wait3A_129 = arith.constant 0 : i32
        %dma_wait3A_130 = tpu.memref_slice %arg11[%dma_wait3A_128, %dma_wait3A_129] : memref<10000x128xf32, #tpu.memory_space<vmem_shared>> -> memref<10000x128xf32, #tpu.memory_space<vmem_shared>>
        tpu.wait_indirect_dma semaphore(%run_scoped3A_118 : memref<!tpu.dma_semaphore, #tpu.memory_space<semaphore_mem>>) src(%arg10 : memref<120x128xf32, #tpu.memory_space<vmem>>) dst(%dma_wait3A_130 : memref<10000x128xf32, #tpu.memory_space<vmem_shared>>)
        tpu.yield
      }) : () -> ()
    }
    %scan3A_31 = arith.constant 28 : i32
    %barrier3A_32 = arith.constant 0 : index
    tpu.barrier barrier_id(%barrier3A_32)
    %lt3A = arith.constant 15 : i32
    %lt3A_33 = arith.cmpi slt, %arg1, %lt3A : i32
    %convert_element_type3A_34 = arith.extui %lt3A_33 : i1 to i32
    %cond3A_35 = arith.constant 0 : i32
    %cond3A_36 = arith.cmpi ne, %convert_element_type3A_34, %cond3A_35 : i32
    scf.if %cond3A_36 {
      "tpu.region"() ({
        %run_scoped3A_42 = tpu.sem_alloc : memref<!tpu.dma_semaphore, #tpu.memory_space<semaphore_mem>>
        %dma_start3A_43 = arith.constant 0 : i32
        %dma_start3A_44 = tpu.memref_slice %arg5[%arg0, %mul3A_2, %dma_start3A_43] : memref<2x10000x128xf32, #tpu.memory_space<hbm>> -> memref<1x624x128xf32, #tpu.memory_space<hbm>>
        %dma_start3A_45 = tpu.memref_squeeze %dma_start3A_44 : memref<1x624x128xf32, #tpu.memory_space<hbm>> -> memref<624x128xf32, #tpu.memory_space<hbm>>
        %dma_start3A_46 = arith.constant 0 : i32
        %dma_start3A_47 = tpu.memref_slice %arg11[%mul3A_2, %dma_start3A_46] : memref<10000x128xf32, #tpu.memory_space<vmem_shared>> -> memref<624x128xf32, #tpu.memory_space<vmem_shared>>
        tpu.enqueue_dma source(%dma_start3A_47 : memref<624x128xf32, #tpu.memory_space<vmem_shared>>) target(%dma_start3A_45 : memref<624x128xf32, #tpu.memory_space<hbm>>) target_semaphore(%run_scoped3A_42 : memref<!tpu.dma_semaphore, #tpu.memory_space<semaphore_mem>>)
        %dma_wait3A = arith.constant 0 : i32
        %dma_wait3A_48 = tpu.memref_slice %arg5[%arg0, %mul3A_2, %dma_wait3A] : memref<2x10000x128xf32, #tpu.memory_space<hbm>> -> memref<1x624x128xf32, #tpu.memory_space<hbm>>
        %dma_wait3A_49 = tpu.memref_squeeze %dma_wait3A_48 : memref<1x624x128xf32, #tpu.memory_space<hbm>> -> memref<624x128xf32, #tpu.memory_space<hbm>>
        %dma_wait3A_50 = arith.constant 0 : i32
        %dma_wait3A_51 = tpu.memref_slice %arg11[%mul3A_2, %dma_wait3A_50] : memref<10000x128xf32, #tpu.memory_space<vmem_shared>> -> memref<624x128xf32, #tpu.memory_space<vmem_shared>>
        tpu.wait_dma2 semaphore(%run_scoped3A_42 : memref<!tpu.dma_semaphore, #tpu.memory_space<semaphore_mem>>) src(%dma_wait3A_51 : memref<624x128xf32, #tpu.memory_space<vmem_shared>>) dst(%dma_wait3A_49 : memref<624x128xf32, #tpu.memory_space<hbm>>)
        tpu.yield
      }) : () -> ()
    } else {
    }
    %eq3A_37 = arith.constant 15 : i32
    %eq3A_38 = arith.cmpi eq, %arg1, %eq3A_37 : i32
    %convert_element_type3A_39 = arith.extui %eq3A_38 : i1 to i32
    %cond3A_40 = arith.constant 0 : i32
    %cond3A_41 = arith.cmpi ne, %convert_element_type3A_39, %cond3A_40 : i32
    scf.if %cond3A_41 {
      "tpu.region"() ({
        %run_scoped3A_42 = tpu.sem_alloc : memref<!tpu.dma_semaphore, #tpu.memory_space<semaphore_mem>>
        %dma_start3A_43 = arith.constant 9360 : i32
        %dma_start3A_44 = arith.constant 0 : i32
        %dma_start3A_45 = tpu.memref_slice %arg5[%arg0, %dma_start3A_43, %dma_start3A_44] : memref<2x10000x128xf32, #tpu.memory_space<hbm>> -> memref<1x640x128xf32, #tpu.memory_space<hbm>>
        %dma_start3A_46 = tpu.memref_squeeze %dma_start3A_45 : memref<1x640x128xf32, #tpu.memory_space<hbm>> -> memref<640x128xf32, #tpu.memory_space<hbm>>
        %dma_start3A_47 = arith.constant 9360 : i32
        %dma_start3A_48 = arith.constant 0 : i32
        %dma_start3A_49 = tpu.memref_slice %arg11[%dma_start3A_47, %dma_start3A_48] : memref<10000x128xf32, #tpu.memory_space<vmem_shared>> -> memref<640x128xf32, #tpu.memory_space<vmem_shared>>
        tpu.enqueue_dma source(%dma_start3A_49 : memref<640x128xf32, #tpu.memory_space<vmem_shared>>) target(%dma_start3A_46 : memref<640x128xf32, #tpu.memory_space<hbm>>) target_semaphore(%run_scoped3A_42 : memref<!tpu.dma_semaphore, #tpu.memory_space<semaphore_mem>>)
        %dma_wait3A = arith.constant 9360 : i32
        %dma_wait3A_50 = arith.constant 0 : i32
        %dma_wait3A_51 = tpu.memref_slice %arg5[%arg0, %dma_wait3A, %dma_wait3A_50] : memref<2x10000x128xf32, #tpu.memory_space<hbm>> -> memref<1x640x128xf32, #tpu.memory_space<hbm>>
        %dma_wait3A_52 = tpu.memref_squeeze %dma_wait3A_51 : memref<1x640x128xf32, #tpu.memory_space<hbm>> -> memref<640x128xf32, #tpu.memory_space<hbm>>
        %dma_wait3A_53 = arith.constant 9360 : i32
        %dma_wait3A_54 = arith.constant 0 : i32
        %dma_wait3A_55 = tpu.memref_slice %arg11[%dma_wait3A_53, %dma_wait3A_54] : memref<10000x128xf32, #tpu.memory_space<vmem_shared>> -> memref<640x128xf32, #tpu.memory_space<vmem_shared>>
        tpu.wait_dma2 semaphore(%run_scoped3A_42 : memref<!tpu.dma_semaphore, #tpu.memory_space<semaphore_mem>>) src(%dma_wait3A_55 : memref<640x128xf32, #tpu.memory_space<vmem_shared>>) dst(%dma_wait3A_52 : memref<640x128xf32, #tpu.memory_space<hbm>>)
        tpu.yield
      }) : () -> ()
    } else {
    }
    return
  }
}

module attributes {stable_mosaic.version = 14 : i64} {
  func.func @_prep_body(%arg0: memref<2x320000xi32, #tpu.memory_space<vmem>>, %arg1: memref<320000xi32, #tpu.memory_space<vmem>>, %arg2: memref<320000xi32, #tpu.memory_space<vmem>>) attributes {dimension_semantics = [], scalar_prefetch = 0 : i64, scratch_operands = 0 : i64, tpu.core_type = #tpu.core_type<tc>} {
    %get3A = arith.constant 0 : index
    %get3A_0 = arith.constant 0 : index
    %get3A_1 = vector.load %arg0[%get3A, %get3A_0] : memref<2x320000xi32, #tpu.memory_space<vmem>>, vector<1x320000xi32>
    %get3A_2 = vector.shape_cast %get3A_1 : vector<1x320000xi32> to vector<320000xi32>
    %swap3A = arith.constant 0 : index
    %swap3A_3 = vector.load %arg1[%swap3A] : memref<320000xi32, #tpu.memory_space<vmem>>, vector<320000xi32>
    tpu.vector_store %arg1[%swap3A], %get3A_2 {strides = array<i32>} : memref<320000xi32, #tpu.memory_space<vmem>>, vector<320000xi32>,
    %get3A_4 = arith.constant 1 : index
    %get3A_5 = arith.constant 0 : index
    %get3A_6 = vector.load %arg0[%get3A_4, %get3A_5] : memref<2x320000xi32, #tpu.memory_space<vmem>>, vector<1x320000xi32>
    %get3A_7 = vector.shape_cast %get3A_6 : vector<1x320000xi32> to vector<320000xi32>
    %swap3A_8 = arith.constant 0 : index
    %swap3A_9 = vector.load %arg2[%swap3A_8] : memref<320000xi32, #tpu.memory_space<vmem>>, vector<320000xi32>
    tpu.vector_store %arg2[%swap3A_8], %get3A_7 {strides = array<i32>} : memref<320000xi32, #tpu.memory_space<vmem>>, vector<320000xi32>,
    return
  }
}

module attributes {stable_mosaic.version = 14 : i64} {
  func.func @_tc1_body(%arg0: memref<10112xf32, #tpu.memory_space<vmem>>, %arg1: memref<10112xf32, #tpu.memory_space<vmem>>, %arg2: memref<10000x128xf32, #tpu.memory_space<vmem>>, %arg3: memref<128x128xf32, #tpu.memory_space<vmem>>, %arg4: memref<10112xf32, #tpu.memory_space<vmem>>, %arg5: memref<10048x128xf32, #tpu.memory_space<vmem>>) attributes {dimension_semantics = [], scalar_prefetch = 0 : i64, scratch_operands = 0 : i64, tpu.core_type = #tpu.core_type<tc>} {
    %get3A = arith.constant 0 : index
    %get3A_0 = vector.load %arg0[%get3A] : memref<10112xf32, #tpu.memory_space<vmem>>, vector<10112xf32>
    %get3A_1 = arith.constant 0 : index
    %get3A_2 = vector.load %arg1[%get3A_1] : memref<10112xf32, #tpu.memory_space<vmem>>, vector<10112xf32>
    %add3A = arith.addf %get3A_0, %get3A_2 : vector<10112xf32>
    %add3A_3 = arith.constant 1.000000e+00 : f32
    %add3A_4 = vector.broadcast %add3A_3 : f32 to vector<10112xf32>
    %add3A_5 = arith.addf %add3A, %add3A_4 : vector<10112xf32>
    %rsqrt3A = math.rsqrt %add3A_5 : vector<10112xf32>
    %swap3A = arith.constant 0 : index
    %swap3A_6 = vector.load %arg4[%swap3A] : memref<10112xf32, #tpu.memory_space<vmem>>, vector<10112xf32>
    tpu.vector_store %arg4[%swap3A], %rsqrt3A {strides = array<i32>} : memref<10112xf32, #tpu.memory_space<vmem>>, vector<10112xf32>,
    %get3A_7 = arith.constant 0 : index
    %get3A_8 = arith.constant 0 : index
    %get3A_9 = vector.load %arg2[%get3A_7, %get3A_8] : memref<10000x128xf32, #tpu.memory_space<vmem>>, vector<10000x128xf32>
    %get3A_10 = arith.constant 0 : index
    %get3A_11 = arith.constant 0 : index
    %get3A_12 = vector.load %arg3[%get3A_10, %get3A_11] : memref<128x128xf32, #tpu.memory_space<vmem>>, vector<128x128xf32>
    %dot_general3A = arith.constant dense<0.000000e+00> : vector<10000x128xf32>
    %dot_general3A_13 = tpu.matmul %get3A_9, %get3A_12, %dot_general3A {dimension_numbers = #tpu.dot_dimension_numbers<[1], [0], [0], [1], [0, 0, 1, 1], [], []>, transpose_lhs_hint = false} : vector<10000x128xf32>, vector<128x128xf32>, vector<10000x128xf32> -> vector<10000x128xf32>
    %slice3A = vector.extract_strided_slice %rsqrt3A {offsets = [0], sizes = [10000], strides = [1]} : vector<10112xf32> to vector<10000xf32>
    %broadcast_in_dim3A = vector.shape_cast %slice3A : vector<10000xf32> to vector<10000x1xf32>
    %mul3A = vector.broadcast %broadcast_in_dim3A : vector<10000x1xf32> to vector<10000x128xf32>
    %mul3A_14 = arith.mulf %dot_general3A_13, %mul3A : vector<10000x128xf32>
    %swap3A_15 = arith.constant 0 : index
    %swap3A_16 = arith.constant 0 : index
    %swap3A_17 = vector.load %arg5[%swap3A_15, %swap3A_16] : memref<10048x128xf32, #tpu.memory_space<vmem>>, vector<10000x128xf32>
    tpu.vector_store %arg5[%swap3A_15, %swap3A_16], %mul3A_14 {strides = array<i32>} : memref<10048x128xf32, #tpu.memory_space<vmem>>, vector<10000x128xf32>,
    %broadcast_in_dim3A_18 = arith.constant 0.000000e+00 : f32
    %broadcast_in_dim3A_19 = vector.broadcast %broadcast_in_dim3A_18 : f32 to vector<48x128xf32>
    %swap3A_20 = arith.constant 10000 : index
    %swap3A_21 = arith.constant 0 : index
    %swap3A_22 = vector.load %arg5[%swap3A_20, %swap3A_21] : memref<10048x128xf32, #tpu.memory_space<vmem>>, vector<48x128xf32>
    tpu.vector_store %arg5[%swap3A_20, %swap3A_21], %broadcast_in_dim3A_19 {strides = array<i32>} : memref<10048x128xf32, #tpu.memory_space<vmem>>, vector<48x128xf32>,
    return
  }
}

module attributes {stable_mosaic.version = 14 : i64} {
  func.func @_tc2_body(%arg0: memref<2x10000x128xf32, #tpu.memory_space<vmem>>, %arg1: memref<10112xf32, #tpu.memory_space<vmem>>, %arg2: memref<128xf32, #tpu.memory_space<vmem>>, %arg3: memref<128xf32, #tpu.memory_space<vmem>>, %arg4: memref<128xf32, #tpu.memory_space<vmem>>, %arg5: memref<128x128xf32, #tpu.memory_space<vmem>>, %arg6: memref<10048x128xf32, #tpu.memory_space<vmem>>) attributes {dimension_semantics = [], scalar_prefetch = 0 : i64, scratch_operands = 0 : i64, tpu.core_type = #tpu.core_type<tc>} {
    %get3A = arith.constant 0 : index
    %get3A_0 = arith.constant 0 : index
    %get3A_1 = arith.constant 0 : index
    %get3A_2 = vector.load %arg0[%get3A, %get3A_0, %get3A_1] : memref<2x10000x128xf32, #tpu.memory_space<vmem>>, vector<1x10000x128xf32>
    %get3A_3 = vector.shape_cast %get3A_2 : vector<1x10000x128xf32> to vector<10000x128xf32>
    %get3A_4 = arith.constant 1 : index
    %get3A_5 = arith.constant 0 : index
    %get3A_6 = arith.constant 0 : index
    %get3A_7 = vector.load %arg0[%get3A_4, %get3A_5, %get3A_6] : memref<2x10000x128xf32, #tpu.memory_space<vmem>>, vector<1x10000x128xf32>
    %get3A_8 = vector.shape_cast %get3A_7 : vector<1x10000x128xf32> to vector<10000x128xf32>
    %add3A = arith.addf %get3A_3, %get3A_8 : vector<10000x128xf32>
    %get3A_9 = arith.constant 0 : index
    %get3A_10 = vector.load %arg1[%get3A_9] : memref<10112xf32, #tpu.memory_space<vmem>>, vector<10000xf32>
    %broadcast_in_dim3A = vector.shape_cast %get3A_10 : vector<10000xf32> to vector<10000x1xf32>
    %mul3A = vector.broadcast %broadcast_in_dim3A : vector<10000x1xf32> to vector<10000x128xf32>
    %mul3A_11 = arith.mulf %add3A, %mul3A : vector<10000x128xf32>
    %get3A_12 = arith.constant 0 : index
    %get3A_13 = vector.load %arg2[%get3A_12] : memref<128xf32, #tpu.memory_space<vmem>>, vector<128xf32>
    %broadcast_in_dim3A_14 = vector.shape_cast %get3A_13 : vector<128xf32> to vector<1x128xf32>
    %add3A_15 = vector.broadcast %broadcast_in_dim3A_14 : vector<1x128xf32> to vector<10000x128xf32>
    %add3A_16 = arith.addf %mul3A_11, %add3A_15 : vector<10000x128xf32>
    %ge3A = arith.constant 0.000000e+00 : f32
    %ge3A_17 = vector.broadcast %ge3A : f32 to vector<10000x128xf32>
    %ge3A_18 = arith.cmpf oge, %add3A_16, %ge3A_17 : vector<10000x128xf32>
    %mul3A_19 = arith.constant 2.000000e-01 : f32
    %mul3A_20 = vector.broadcast %mul3A_19 : f32 to vector<10000x128xf32>
    %mul3A_21 = arith.mulf %mul3A_20, %add3A_16 : vector<10000x128xf32>
    %select_n3A = arith.select %ge3A_18, %add3A_16, %mul3A_21 : vector<10000x128xi1>, vector<10000x128xf32>
    %reduce_sum3A = arith.constant dense<0.000000e+00> : vector<128xf32>
    %reduce_sum3A_22 = vector.multi_reduction <add>, %select_n3A, %reduce_sum3A [0] : vector<10000x128xf32> to vector<128xf32>
    %div3A = arith.constant 1.000000e+04 : f32
    %div3A_23 = vector.broadcast %div3A : f32 to vector<128xf32>
    %div3A_24 = arith.divf %reduce_sum3A_22, %div3A_23 : vector<128xf32>
    %broadcast_in_dim3A_25 = vector.shape_cast %div3A_24 : vector<128xf32> to vector<1x128xf32>
    %sub3A = vector.broadcast %broadcast_in_dim3A_25 : vector<1x128xf32> to vector<10000x128xf32>
    %sub3A_26 = arith.subf %select_n3A, %sub3A : vector<10000x128xf32>
    %integer_pow3A = arith.mulf %sub3A_26, %sub3A_26 : vector<10000x128xf32>
    %reduce_sum3A_27 = arith.constant dense<0.000000e+00> : vector<128xf32>
    %reduce_sum3A_28 = vector.multi_reduction <add>, %integer_pow3A, %reduce_sum3A_27 [0] : vector<10000x128xf32> to vector<128xf32>
    %div3A_29 = arith.constant 1.000000e+04 : f32
    %div3A_30 = vector.broadcast %div3A_29 : f32 to vector<128xf32>
    %div3A_31 = arith.divf %reduce_sum3A_28, %div3A_30 : vector<128xf32>
    %broadcast_in_dim3A_32 = vector.shape_cast %div3A_24 : vector<128xf32> to vector<1x128xf32>
    %sub3A_33 = vector.broadcast %broadcast_in_dim3A_32 : vector<1x128xf32> to vector<10000x128xf32>
    %sub3A_34 = arith.subf %select_n3A, %sub3A_33 : vector<10000x128xf32>
    %add3A_35 = arith.constant 9.99999974E-6 : f32
    %add3A_36 = vector.broadcast %add3A_35 : f32 to vector<128xf32>
    %add3A_37 = arith.addf %div3A_31, %add3A_36 : vector<128xf32>
    %rsqrt3A = math.rsqrt %add3A_37 : vector<128xf32>
    %broadcast_in_dim3A_38 = vector.shape_cast %rsqrt3A : vector<128xf32> to vector<1x128xf32>
    %mul3A_39 = vector.broadcast %broadcast_in_dim3A_38 : vector<1x128xf32> to vector<10000x128xf32>
    %mul3A_40 = arith.mulf %sub3A_34, %mul3A_39 : vector<10000x128xf32>
    %get3A_41 = arith.constant 0 : index
    %get3A_42 = vector.load %arg3[%get3A_41] : memref<128xf32, #tpu.memory_space<vmem>>, vector<128xf32>
    %broadcast_in_dim3A_43 = vector.shape_cast %get3A_42 : vector<128xf32> to vector<1x128xf32>
    %mul3A_44 = vector.broadcast %broadcast_in_dim3A_43 : vector<1x128xf32> to vector<10000x128xf32>
    %mul3A_45 = arith.mulf %mul3A_40, %mul3A_44 : vector<10000x128xf32>
    %get3A_46 = arith.constant 0 : index
    %get3A_47 = vector.load %arg4[%get3A_46] : memref<128xf32, #tpu.memory_space<vmem>>, vector<128xf32>
    %broadcast_in_dim3A_48 = vector.shape_cast %get3A_47 : vector<128xf32> to vector<1x128xf32>
    %add3A_49 = vector.broadcast %broadcast_in_dim3A_48 : vector<1x128xf32> to vector<10000x128xf32>
    %add3A_50 = arith.addf %mul3A_45, %add3A_49 : vector<10000x128xf32>
    %get3A_51 = arith.constant 0 : index
    %get3A_52 = arith.constant 0 : index
    %get3A_53 = vector.load %arg5[%get3A_51, %get3A_52] : memref<128x128xf32, #tpu.memory_space<vmem>>, vector<128x128xf32>
    %dot_general3A = arith.constant dense<0.000000e+00> : vector<10000x128xf32>
    %dot_general3A_54 = tpu.matmul %add3A_50, %get3A_53, %dot_general3A {dimension_numbers = #tpu.dot_dimension_numbers<[1], [0], [0], [1], [0, 0, 1, 1], [], []>, transpose_lhs_hint = false} : vector<10000x128xf32>, vector<128x128xf32>, vector<10000x128xf32> -> vector<10000x128xf32>
    %broadcast_in_dim3A_55 = vector.shape_cast %get3A_10 : vector<10000xf32> to vector<10000x1xf32>
    %mul3A_56 = vector.broadcast %broadcast_in_dim3A_55 : vector<10000x1xf32> to vector<10000x128xf32>
    %mul3A_57 = arith.mulf %dot_general3A_54, %mul3A_56 : vector<10000x128xf32>
    %swap3A = arith.constant 0 : index
    %swap3A_58 = arith.constant 0 : index
    %swap3A_59 = vector.load %arg6[%swap3A, %swap3A_58] : memref<10048x128xf32, #tpu.memory_space<vmem>>, vector<10000x128xf32>
    tpu.vector_store %arg6[%swap3A, %swap3A_58], %mul3A_57 {strides = array<i32>} : memref<10048x128xf32, #tpu.memory_space<vmem>>, vector<10000x128xf32>,
    %broadcast_in_dim3A_60 = arith.constant 0.000000e+00 : f32
    %broadcast_in_dim3A_61 = vector.broadcast %broadcast_in_dim3A_60 : f32 to vector<48x128xf32>
    %swap3A_62 = arith.constant 10000 : index
    %swap3A_63 = arith.constant 0 : index
    %swap3A_64 = vector.load %arg6[%swap3A_62, %swap3A_63] : memref<10048x128xf32, #tpu.memory_space<vmem>>, vector<48x128xf32>
    tpu.vector_store %arg6[%swap3A_62, %swap3A_63], %broadcast_in_dim3A_61 {strides = array<i32>} : memref<10048x128xf32, #tpu.memory_space<vmem>>, vector<48x128xf32>,
    return
  }
}

module attributes {stable_mosaic.version = 14 : i64} {
  func.func @_tc3_body(%arg0: memref<2x10000x128xf32, #tpu.memory_space<vmem>>, %arg1: memref<10112xf32, #tpu.memory_space<vmem>>, %arg2: memref<128xf32, #tpu.memory_space<vmem>>, %arg3: memref<128xf32, #tpu.memory_space<vmem>>, %arg4: memref<128xf32, #tpu.memory_space<vmem>>, %arg5: memref<10000x128xf32, #tpu.memory_space<vmem>>) attributes {dimension_semantics = [], scalar_prefetch = 0 : i64, scratch_operands = 0 : i64, tpu.core_type = #tpu.core_type<tc>} {
    %get3A = arith.constant 0 : index
    %get3A_0 = arith.constant 0 : index
    %get3A_1 = arith.constant 0 : index
    %get3A_2 = vector.load %arg0[%get3A, %get3A_0, %get3A_1] : memref<2x10000x128xf32, #tpu.memory_space<vmem>>, vector<1x10000x128xf32>
    %get3A_3 = vector.shape_cast %get3A_2 : vector<1x10000x128xf32> to vector<10000x128xf32>
    %get3A_4 = arith.constant 1 : index
    %get3A_5 = arith.constant 0 : index
    %get3A_6 = arith.constant 0 : index
    %get3A_7 = vector.load %arg0[%get3A_4, %get3A_5, %get3A_6] : memref<2x10000x128xf32, #tpu.memory_space<vmem>>, vector<1x10000x128xf32>
    %get3A_8 = vector.shape_cast %get3A_7 : vector<1x10000x128xf32> to vector<10000x128xf32>
    %add3A = arith.addf %get3A_3, %get3A_8 : vector<10000x128xf32>
    %get3A_9 = arith.constant 0 : index
    %get3A_10 = vector.load %arg1[%get3A_9] : memref<10112xf32, #tpu.memory_space<vmem>>, vector<10000xf32>
    %broadcast_in_dim3A = vector.shape_cast %get3A_10 : vector<10000xf32> to vector<10000x1xf32>
    %mul3A = vector.broadcast %broadcast_in_dim3A : vector<10000x1xf32> to vector<10000x128xf32>
    %mul3A_11 = arith.mulf %add3A, %mul3A : vector<10000x128xf32>
    %get3A_12 = arith.constant 0 : index
    %get3A_13 = vector.load %arg2[%get3A_12] : memref<128xf32, #tpu.memory_space<vmem>>, vector<128xf32>
    %broadcast_in_dim3A_14 = vector.shape_cast %get3A_13 : vector<128xf32> to vector<1x128xf32>
    %add3A_15 = vector.broadcast %broadcast_in_dim3A_14 : vector<1x128xf32> to vector<10000x128xf32>
    %add3A_16 = arith.addf %mul3A_11, %add3A_15 : vector<10000x128xf32>
    %ge3A = arith.constant 0.000000e+00 : f32
    %ge3A_17 = vector.broadcast %ge3A : f32 to vector<10000x128xf32>
    %ge3A_18 = arith.cmpf oge, %add3A_16, %ge3A_17 : vector<10000x128xf32>
    %mul3A_19 = arith.constant 2.000000e-01 : f32
    %mul3A_20 = vector.broadcast %mul3A_19 : f32 to vector<10000x128xf32>
    %mul3A_21 = arith.mulf %mul3A_20, %add3A_16 : vector<10000x128xf32>
    %select_n3A = arith.select %ge3A_18, %add3A_16, %mul3A_21 : vector<10000x128xi1>, vector<10000x128xf32>
    %reduce_sum3A = arith.constant dense<0.000000e+00> : vector<128xf32>
    %reduce_sum3A_22 = vector.multi_reduction <add>, %select_n3A, %reduce_sum3A [0] : vector<10000x128xf32> to vector<128xf32>
    %div3A = arith.constant 1.000000e+04 : f32
    %div3A_23 = vector.broadcast %div3A : f32 to vector<128xf32>
    %div3A_24 = arith.divf %reduce_sum3A_22, %div3A_23 : vector<128xf32>
    %broadcast_in_dim3A_25 = vector.shape_cast %div3A_24 : vector<128xf32> to vector<1x128xf32>
    %sub3A = vector.broadcast %broadcast_in_dim3A_25 : vector<1x128xf32> to vector<10000x128xf32>
    %sub3A_26 = arith.subf %select_n3A, %sub3A : vector<10000x128xf32>
    %integer_pow3A = arith.mulf %sub3A_26, %sub3A_26 : vector<10000x128xf32>
    %reduce_sum3A_27 = arith.constant dense<0.000000e+00> : vector<128xf32>
    %reduce_sum3A_28 = vector.multi_reduction <add>, %integer_pow3A, %reduce_sum3A_27 [0] : vector<10000x128xf32> to vector<128xf32>
    %div3A_29 = arith.constant 1.000000e+04 : f32
    %div3A_30 = vector.broadcast %div3A_29 : f32 to vector<128xf32>
    %div3A_31 = arith.divf %reduce_sum3A_28, %div3A_30 : vector<128xf32>
    %broadcast_in_dim3A_32 = vector.shape_cast %div3A_24 : vector<128xf32> to vector<1x128xf32>
    %sub3A_33 = vector.broadcast %broadcast_in_dim3A_32 : vector<1x128xf32> to vector<10000x128xf32>
    %sub3A_34 = arith.subf %select_n3A, %sub3A_33 : vector<10000x128xf32>
    %add3A_35 = arith.constant 9.99999974E-6 : f32
    %add3A_36 = vector.broadcast %add3A_35 : f32 to vector<128xf32>
    %add3A_37 = arith.addf %div3A_31, %add3A_36 : vector<128xf32>
    %rsqrt3A = math.rsqrt %add3A_37 : vector<128xf32>
    %broadcast_in_dim3A_38 = vector.shape_cast %rsqrt3A : vector<128xf32> to vector<1x128xf32>
    %mul3A_39 = vector.broadcast %broadcast_in_dim3A_38 : vector<1x128xf32> to vector<10000x128xf32>
    %mul3A_40 = arith.mulf %sub3A_34, %mul3A_39 : vector<10000x128xf32>
    %get3A_41 = arith.constant 0 : index
    %get3A_42 = vector.load %arg3[%get3A_41] : memref<128xf32, #tpu.memory_space<vmem>>, vector<128xf32>
    %broadcast_in_dim3A_43 = vector.shape_cast %get3A_42 : vector<128xf32> to vector<1x128xf32>
    %mul3A_44 = vector.broadcast %broadcast_in_dim3A_43 : vector<1x128xf32> to vector<10000x128xf32>
    %mul3A_45 = arith.mulf %mul3A_40, %mul3A_44 : vector<10000x128xf32>
    %get3A_46 = arith.constant 0 : index
    %get3A_47 = vector.load %arg4[%get3A_46] : memref<128xf32, #tpu.memory_space<vmem>>, vector<128xf32>
    %broadcast_in_dim3A_48 = vector.shape_cast %get3A_47 : vector<128xf32> to vector<1x128xf32>
    %add3A_49 = vector.broadcast %broadcast_in_dim3A_48 : vector<1x128xf32> to vector<10000x128xf32>
    %add3A_50 = arith.addf %mul3A_45, %add3A_49 : vector<10000x128xf32>
    %swap3A = arith.constant 0 : index
    %swap3A_51 = arith.constant 0 : index
    %swap3A_52 = vector.load %arg5[%swap3A, %swap3A_51] : memref<10000x128xf32, #tpu.memory_space<vmem>>, vector<10000x128xf32>
    tpu.vector_store %arg5[%swap3A, %swap3A_51], %add3A_50 {strides = array<i32>} : memref<10000x128xf32, #tpu.memory_space<vmem>>, vector<10000x128xf32>,
    return
  }
}

</mosaic_0001>

<sc_bundles>
// kernel: kernel.12.cloned.1.call-start
scs
__scs_entry_jumppad:
0x0: {  	(pc) =	sbr.rel $0x88, $3  }
0x1: {  	(tag) =	ssettag $0x0;
	lr =	simm.s32 $0x1  }
0x2: {  	[smem:$0x3F97] =	sst lr;
	_ =	strace $0xD0000000  }
0x3: {  	_ = 	snop  }
0x4: {  	_ = 	snop  }
0x5: {  	_ = 	snop  }
0x6: {  	_ = 	snop  }
0x7: {  	_ = 	snop  }
__scs_overlays_trampoline_lowered:
0x8: {  	[smem:$0x3FA6] =	sst s0  }
0x9: {  	[smem:$0x3FA7] =	sst s1  }
0xa: {  	[smem:$0x3FA8] =	sst s2  }
0xb: {  	[smem:$0x3FA9] =	sst s3  }
0xc: {  	[smem:$0x3FAA] =	sst s4  }
0xd: {  	[smem:$0x3FAB] =	sst s5  }
0xe: {  	[smem:$0x3FAC] =	sst s6  }
0xf: {  	[smem:$0x3FAD] =	sst s7  }
0x10: {  	[smem:$0x3FAE] =	sst s8  }
0x11: {  	[smem:$0x3FAF] =	sst s9;
	s0 =	simm.s32 @!p0 $0x0  }
0x12: {  	s1 =	sld [smem:$0x3F95];
	s0 =	simm.s32 @p0 $0x1  }
0x13: {  	[smem:$0x3FB0] =	sst s0;
	s0 =	simm.s32 @!p1 $0x0  }
0x14: {  	s2 =	sld [smem:$0x3F94];
	s0 =	simm.s32 @p1 $0x1  }
0x15: {  	[smem:$0x3FB1] =	sst s0;
	s0 =	simm.s32 @!p2 $0x0  }
0x16: {  	s3 =	sld [smem:$0x3FDB];
	s0 =	simm.s32 @p2 $0x1  }
0x17: {  	s4 =	simm.s32 $0x1BF5;
	[smem:$0x3FB3] =	sst s0  }
0x18: {  	s0 =	sld [smem:$0x3F96];
	_ =	swait.ge [sflag:s4], $0x0  }
0x19: {  	s7 =	sld [smem:$0x3F97]  }
0x1a: {  	s8 =	sadd.s32 $0xFFFFE003, lr  }
0x1b: {  	s9 =	sadd.s32 $0xFFFFFEF7, lr;
	s5 =	simm.s32 $0xFFFFFFFF;
	p2 =	slt.u32 s8, $0xFFFFF086  }
0x1c: {  	p1 =	slt.u32 s9, $0xF7A;
	s5 =	simm.s32 @!p2 $0x0  }
0x1d: {  	s5 =	simm.s32 @p1 $0x1;
	p0 =	seq.s32 s7, s2  }
0x1e: {  	s7 =	smul.u32 @!p0 $0xF7A, s2;
	p2 =	seq.s32 @!p0 s5, $0x0  }
0x1f: {  	s9 =	smul.u32 $0xF7A, s1;
	s8 =	simm.s32 @!p0 $0x1BF5;
	p2 =	por !p2, p0  }
0x20: {  	[sflag:s8] =	ssyncset.s32 @!p0 $0xFFFFF086;
	s6 =	sadd.s32 @!p0 s3, s7;
	s7 =	simm.s32 @!p0 $0x108  }
0x21: {  	s3 =	sadd.s32 s3, s9;
	s6 =	sadd.s32 @!p0 $0x88, s6;
	s7 =	simm.s32 @p2 $0x1082  }
0x22: {  	[simem:s7], [sflag:s8] =	dma.local @!p0 [hbm:s6], $0xF7A  }
0x23: {  	s9 =	sor.u32 $0xD0000000, s2;
	s6 =	simm.s32 $0x108;
	_ =	swait.ge @!p0 [sflag:s8], $0x0  }
0x24: {  	s3 =	sadd.s32 $0x88, s3;
	s6 =	simm.s32 @!p1 $0x1082;
	[sflag:s4] =	ssyncset.s32 $0xFFFFF086  }
0x25: {  	[simem:s6], [sflag:s4] =	dma.local [hbm:s3], $0xF7A  }
0x26: {  	[smem:$0x3F97] =	sst s1;
	(tag) =	ssettag s2;
	_ =	strace s9  }
0x27: {  	s1 =	sld [smem:$0x3FA7]  }
0x28: {  	s2 =	sld [smem:$0x3FA8]  }
0x29: {  	s4 =	sld [smem:$0x3FAA]  }
0x2a: {  	p0 =	seq.s32 s5, $0x0;
	s5 =	sld [smem:$0x3FAB]  }
0x2b: {  	s6 =	sld [smem:$0x3FAC]  }
0x2c: {  	s7 =	sld [smem:$0x3FAD]  }
0x2d: {  	s3 =	simm.s32 $0x108;
	s8 =	sld [smem:$0x3FAE]  }
0x2e: {  	s3 =	simm.s32 @!p0 $0x1082;
	s9 =	sld [smem:$0x3FAF]  }
0x2f: {  	lr =	sadd.s32 s0, s3;
	s0 =	sld [smem:$0x3FA6]  }
0x30: {  	s3 =	sld [smem:$0x3FA9]  }
0x31: {  	[smem:$0x3FB2] =	sst s10  }
0x32: {  	s10 =	sld [smem:$0x3FB0];
	_ =	sdelay $0x3  }
0x33: {  	p0 =	seq.s32 s10, $0x1;
	s10 =	sld [smem:$0x3FB2];
	_ =	sdelay $0x3  }
0x34: {  	[smem:$0x3FB2] =	sst s10  }
0x35: {  	s10 =	sld [smem:$0x3FB1];
	_ =	sdelay $0x3  }
0x36: {  	p1 =	seq.s32 s10, $0x1;
	s10 =	sld [smem:$0x3FB2];
	_ =	sdelay $0x3  }
0x37: {  	[smem:$0x3FB2] =	sst s10  }
0x38: {  	s10 =	sld [smem:$0x3FB3]  }
0x39: {  	_ = 	snop;
	(pc) =	sbr.ind lr, $3  }
0x3a: {  	_ = 	snop  }
0x3b: {  	_ = 	snop  }
0x3c: {  	p2 =	seq.s32 s10, $0x1;
	s10 =	sld [smem:$0x3FB2]  }
0x3d: {  	_ =	shalt  }
0x3e: {  	_ =	shalt  }
0x3f: {  	_ =	shalt  }
0x40: {  	_ =	shalt  }
0x41: {  	_ =	shalt  }
0x42: {  	_ =	shalt  }
0x43: {  	_ =	shalt  }
0x44: {  	_ =	shalt  }
0x45: {  	_ =	shalt  }
0x46: {  	_ =	shalt  }
0x47: {  	_ =	shalt  }
0x48: {  	_ =	shalt  }
0x49: {  	_ =	shalt  }
0x4a: {  	_ =	shalt  }
0x4b: {  	_ =	shalt  }
0x4c: {  	_ =	shalt  }
0x4d: {  	_ =	shalt  }
0x4e: {  	_ =	shalt  }
0x4f: {  	_ =	shalt  }
0x50: {  	_ =	shalt  }
0x51: {  	_ =	shalt  }
0x52: {  	_ =	shalt  }
0x53: {  	_ =	shalt  }
0x54: {  	_ =	shalt  }
0x55: {  	_ =	shalt  }
0x56: {  	_ =	shalt  }
0x57: {  	_ =	shalt  }
0x58: {  	_ =	shalt  }
0x59: {  	_ =	shalt  }
0x5a: {  	_ =	shalt  }
0x5b: {  	_ =	shalt  }
0x5c: {  	_ =	shalt  }
0x5d: {  	_ =	shalt  }
0x5e: {  	_ =	shalt  }
0x5f: {  	_ =	shalt  }
0x60: {  	_ =	shalt  }
0x61: {  	_ =	shalt  }
0x62: {  	_ =	shalt  }
0x63: {  	_ =	shalt  }
0x64: {  	_ =	shalt  }
0x65: {  	_ =	shalt  }
0x66: {  	_ =	shalt  }
0x67: {  	_ =	shalt  }
0x68: {  	_ =	shalt  }
0x69: {  	_ =	shalt  }
0x6a: {  	_ =	shalt  }
0x6b: {  	_ =	shalt  }
0x6c: {  	_ =	shalt  }
0x6d: {  	_ =	shalt  }
0x6e: {  	_ =	shalt  }
0x6f: {  	_ =	shalt  }
0x70: {  	_ =	shalt  }
0x71: {  	_ =	shalt  }
0x72: {  	_ =	shalt  }
0x73: {  	_ =	shalt  }
0x74: {  	_ =	shalt  }
0x75: {  	_ =	shalt  }
0x76: {  	_ =	shalt  }
0x77: {  	_ =	shalt  }
0x78: {  	_ =	shalt  }
0x79: {  	_ =	shalt  }
0x7a: {  	_ =	shalt  }
0x7b: {  	_ =	shalt  }
0x7c: {  	_ =	shalt  }
0x7d: {  	_ =	shalt  }
0x7e: {  	_ =	shalt  }
0x7f: {  	_ =	shalt  }
0x80: {  	_ =	shalt  }
0x81: {  	_ =	shalt  }
0x82: {  	_ =	shalt  }
0x83: {  	_ =	shalt  }
0x84: {  	_ =	shalt  }
0x85: {  	_ =	shalt  }
0x86: {  	_ =	shalt  }
0x87: {  	_ =	shalt  }
.Lfunc_end0:
.L_simem_size_0:
called_computation.1_lowered:
.L_overlay_start_0:
0x88: {  	s2 =	sld [smem:$0x3FD9]  }
0x89: {  	s3 =	sld [smem:$0x3FFE];
	_ =	sdelay $0x1  }
0x8a: {  	s1 =	srdreg.scid  }
0x8b: {  	s0 =	sand.u32 $0x1, s1  }
0x8c: {  	s17 =	sshll.u32 s0, $0xA;
	s2 =	sadd.s32 s3, s2  }
0x8d: {  	s2 =	sadd.s32 s2, s17  }
0x8e: {  	[smem:$0x3FBE] =	sst s2  }
0x8f: {  	_ = 	snop  }
0x90: {  	s2 =	sld [smem:$0x3FD0];
	(tm) =	ssettm $0x1  }
0x91: {  	s18 =	sld [smem:$0x3FFB];
	_ =	sdelay $0x3  }
0x92: {  	_ =	strace s18  }
0x93: {  	s3 =	sld [smem:$0x3FFC];
	_ =	sdelay $0x3  }
0x94: {  	_ =	strace s3  }
0x95: {  	s3 =	sld [smem:$0x3FFD];
	_ =	sdelay $0x3  }
0x96: {  	_ =	strace s3  }
0x97: {  	_ =	strace $0x8FFFFFFF  }
0x98: {  	s19 =	sld [smem:$0x3FDB];
	_ =	sdelay $0x1  }
0x99: {  	s4 =	simm.s32 $_scs_section_size  }
0x9a: {  	s5 =	simm.s32 $_size__tile_overlayer_lowered;
	s6 =	simm.s32 $_tile_overlayer_lowered  }
0x9b: {  	s22 =	simm.s32 $0x1BFF;
	s21 =	sshll.u32 s6, $0x1;
	s3 =	sadd.s32 s4, s19  }
0x9c: {  	s7 =	simm.s32 $0x0;
	s20 =	sshll.u32 s5, $0x1;
	s5 =	sadd.s32 s21, s3  }
0x9d: {  	[timem:s7], [sflag:s22] =	dma.local [hbm:s5], s20  }
0x9e: {  	_ =	swait.ge [sflag:s22], s20  }
0x9f: {  	s4 =	ssub.s32 $0x0, s20;
	[sflag:s22] =	ssyncset.done $0x0  }
0xa0: {  	[sflag:s22] =	ssyncadd.s32 s4;
	_ =	sdelay $0x1  }
0xa1: {  	s23 =	simm.s32 $0x1B8B  }
0xa2: {  	_ =	swait.ge [sflag:s23], $0x1  }
0xa3: {  	[sflag:s23] =	ssyncset.done $0x0  }
0xa4: {  	s25 =	simm.s32 $0x1B8E;
	s24 =	sld [smem:$0x3FFE];
	[sflag:s23] =	ssyncadd.s32 $0xFFFFFFFF  }
0xa5: {  	s26 =	simm.s32 $execute0_lowered;
	[smem:$0x3FD2] =	sst s25  }
0xa6: {  	s5 =	sshll.u32 s26, $0x1;
	_ =	strace $0x80000049;
	[dreg:$0x1] =	wrdreg $0xFFFFFFFF  }
0xa7: {  	s28 =	simm.s32 $_size_execute0_lowered;
	s3 =	sadd.s32 s3, s5;
	[dreg:$0x0] =	wrdreg $0x0  }
0xa8: {  	s5 =	sshll.u32 s28, $0x1;
	[dreg:$0x2] =	wrdreg s3  }
0xa9: {  	[dreg:$0x3] =	wrdreg s5  }
0xaa: {  	[dreg:$0x4] =	wrdreg $0xC0  }
0xab: {  	_ =	task [dreg:s7], $0x5FFFF  }
0xac: {  	[dreg:$0x1] =	wrdreg $0xFFFFFFFF  }
0xad: {  	[dreg:$0x0] =	wrdreg $0x60  }
0xae: {  	[dreg:$0x2] =	wrdreg s24  }
0xaf: {  	[dreg:$0x3] =	wrdreg s2  }
0xb0: {  	[dreg:$0x4] =	wrdreg $0xBC000  }
0xb1: {  	[dreg:$0x5] =	wrdreg $0x9  }
0xb2: {  	_ =	task.clear_ibuf [dreg:s7], $0x6FFFF;
	_ =	strace $0x90000049  }
0xb3: {  	s29 =	simm.s32 $0x9;
	_ =	strace $0x8000004B  }
0xb4: {  	_ =	swait.ge [sflag:s29], $0x1  }
0xb5: {  	[sflag:s29] =	ssyncadd.s32 $0xFFFFFFFF  }
0xb6: {  	_ =	strace $0x9000004B  }
0xb7: {  	_ =	sfence  }
0xb8: {  	s30 =	sld [smem:$0x0];
	_ =	sdelay $0x2  }
0xb9: {  	s31 =	sshll.u32 s1, $0xD;
	s1 =	sshrl.u32 s1, $0x2  }
0xba: {  	s3 =	sand.u32 $0x4000, s31;
	s1 =	sadd.s32 s1, s30  }
0xbb: {  	s0 =	sor.u32 s3, s0;
	s1 =	sshll.u32 s1, $0x11  }
0xbc: {  	s0 =	sor.u32 s1, s0  }
0xbd: {  	s0 =	sadd.s32 $0x8F2B, s0  }
0xbe: {  	[sflag:s0] =	ssyncadd.remote.s32 $0x1  }
0xbf: {  	_ =	sfence.sel $0xFFFF  }
0xc0: {  	[dreg:$0x0] =	wrdreg $0xFFFFFFFF;
	(pc) =	sbr.abs _section_cstart, $3  }
0xc1: {  	[dreg:$0x1] =	wrdreg $0xFFFFFFFF  }
0xc2: {  	_ =	task.clear_ibuf [dreg:s7], $0x2FFFF;
	_ =	strace $0x9FFFFFFF  }
0xc3: {  	(tm) =	ssettm $0x7FFFFFFF  }
tec
execute0_lowered:
.L_overlay_start_1:
0x0: {  	(tag) =	ssettag $0x1  }
0x1: {  	s0 =	rddreg [dreg:$0x0]  }
0x2: {  	s1 =	rddreg [dreg:$0x1]  }
0x3: {  	s2 =	rddreg [dreg:$0x2]  }
0x4: {  	s3 =	simm.s32 $0x0;
	s4 =	srdreg.scid;
	s20 =	stileid.u32  }
0x5: {  	s28 =	simm.s32 $0x4400;
	s29 =	simm.s32 $0x1;
	s30 =	simm.s32 $0x8000  }
0x6: {  	s31 =	simm.s32 $0x4;
	[smem:$0x7FF] =	sst s3;
	s8 =	sand.u32 $0x1, s4  }
0x7: {  	s23 =	sshll.u32 s20, $0x1;
	s4 =	sadd.s32 $0x1C600, s0;
	s10 =	smul.u32 $0x4E000, s20  }
0x8: {  	s9 =	sadd.s32 $0xE600, s0;
	s11 =	sadd.s32 $0x43A00, s0;
	s26 =	smul.u32 $0x2700, s20  }
0x9: {  	s21 =	sadd.s32 $0x137400, s2;
	s0 =	sadd.s32 $0x40F00, s0;
	p1 =	seq.s32 s20, $0xF  }
0xa: {  	_ =	strace $0x8000004A;
	s5 =	sor.u32 s8, s23;
	[dreg:$0xb] =	wrdreg s21  }
0xb: {  	s6 =	ssub.s32 $0x2, s8;
	s13 =	smul.u32 $0x138800, s8;
	[dreg:$0xd] =	wrdreg s0  }
0xc: {  	p0 =	sne.s32 s8, $0x0;
	s7 =	sshrl.u32 s6, $0x1;
	s25 =	sshrl.u32 s10, $0x2  }
0xd: {  	s22 =	sadd.s32 s4, s26;
	s12 =	ssub.s32 s6, s7;
	s7 =	sadd.s32 s25, s2  }
0xe: {  	s5 =	smul.u32 $0x3800, s5;
	[dreg:$0xc] =	wrdreg s22;
	s15 =	sadd.s32 $0x3C00, s7  }
0xf: {  	s22 =	simm.s32 $0x5;
	s16 =	sadd.s32 $0x7800, s7;
	[dreg:$0x6] =	wrdreg s15  }
0x10: {  	s24 =	sshrl.u32 s5, $0x3;
	s17 =	sadd.s32 $0xB400, s7;
	[dreg:$0x7] =	wrdreg s16  }
0x11: {  	s18 =	sadd.s32 $0xF000, s7;
	s19 =	sadd.s32 $0x12C00, s7;
	[dreg:$0x8] =	wrdreg s17  }
0x12: {  	s5 =	sadd.s32 s1, s24;
	[dreg:$0x9] =	wrdreg s18;
	s16 =	smul.u32 $0x7000, s20  }
0x13: {  	s14 =	sadd.s32 s9, s24;
	[dreg:$0xa] =	wrdreg s19;
	s17 =	smul.u32 $0x3800, s8  }
0x14: {  	s15 =	sadd.s32 $0x124800, s2;
	s24 =	sshrl.u32 s13, $0x3;
	s19 =	smax.u32 s12, $0x1  }
0x15: {  	s8 =	simm.s32 $0x3;
	[dreg:$0x5] =	wrdreg s14;
	s14 =	smul.u32 $0x13800, s20  }
0x16: {  	[dreg:$0x4] =	wrdreg s5;
	s10 =	sadd.s32 s11, s24;
	s24 =	simm.s32 $0x78  }
0x17: {  	s25 =	sadd.s32 s17, s16;
	s18 =	sadd.s32 $0x24900, s10;
	s23 =	sadd.s32 s14, s13  }
0x18: {  	s13 =	sor.u32 $0x200, s25;
	s25 =	simm.s32 $0x800;
	s0 =	sshrl.u32 s23, $0x3  }
0x19: {  	s26 =	sshrl.u32 s13, $0x3;
	s13 =	simm.s32 $0x0;
	s17 =	sadd.s32 s11, s0  }
0x1a: {  	v0 =	vimm.f32 $0.0e+00;
	s10 =	sadd.s32 s26, s9;
	s21 =	sadd.s32 s26, s1;
	s0 =	simm.s32 $0x2  }
.LBB2_1:
0x1b: {  	s1 =	rddreg [dreg:$0x4]  }
0x1c: {  	[tilespmem:s3], [sflag:$0x5] =	stream.linear.gather [hbm4b:s1+s3], $0x180, $0x38;
	[tilespmem:$0x1F480] =	vst v63  }
0x1d: {  	_ =	swait.ge [sflag:s22], $0x180  }
0x1e: {  	[sflag:s22] =	ssyncset.done $0x0  }
0x1f: {  	s5 =	simm.s32 $0x400;
	s23 =	rddreg [dreg:$0x5];
	[sflag:s22] =	ssyncadd.s32 $0xFFFFFE80  }
0x20: {  	[tilespmem:s5], [sflag:$0x5] =	stream.linear.gather [hbm4b:s23+s3], $0x180, $0x38;
	[tilespmem:$0x1F480] =	vst v63  }
0x21: {  	_ =	swait.ge [sflag:s22], $0x180  }
.Ltmp0:
0x22: {  	s1 =	stileid.u32;
	[sflag:s22] =	ssyncset.done $0x0;
	(pc) =	sbr.rel @p0 .LBB2_3-.Ltmp0, $4  }
0x23: {  	s26 =	simm.s32 $0x80;
	s1 =	sshll.u32 @!p1 s1, $0x6;
	[sflag:s22] =	ssyncadd.s32 $0xFFFFFE80  }
0x24: {  	[tilespmem:s25], [sflag:$0x1] =	stream.indirect.gather [hbm4b:s4+s24], $0x80, s3, s24, $0xb8;
	[tilespmem:$0x1F480] =	vst v63  }
0x25: {  	s14 =	sshrl.u32 @!p1 s7, $0x3;
	s16 =	sor.u32 @!p1 $0x1C05, s1;
	s23 =	sshrl.u32 @p1 s15, $0x3  }
0x26: {  	[tilespmem:s28], [sflag:$0x2] =	stream.indirect.gather [hbm4b:s4+s24], $0x80, s26, s24, $0xb8;
	[tilespmem:$0x1F480] =	vst v63  }
0x27: {  	s1 =	simm.s32 @p1 $0x1FC5;
	s5 =	rddreg [dreg:$0xd]  }
0x28: {  	[spmem:s23], [sflag:s1] =	dma.local @p1 [hbm:s5], $0x2800  }
0x29: {  	s1 =	simm.s32 @p1 $0x5  }
0x2a: {  	_ =	swait.ge @p1 [sflag:s1], $0x2800  }
0x2b: {  	[sflag:s1] =	ssyncset.done @p1 $0x0  }
0x2c: {  	[sflag:s1] =	ssyncadd.s32 @p1 $0xFFFFD800;
	s1 =	rddreg [dreg:$0xc]  }
0x2d: {  	[spmem:s14], [sflag:s16] =	dma.local @!p1 [hbm:s1], $0x2700  }
.Ltmp1:
0x2e: {  	_ = 	snop;
	(pc) =	sbr.rel .LBB2_6-.Ltmp1, $4  }
0x2f: {  	s1 =	simm.s32 @!p1 $0x5  }
0x30: {  	_ =	swait.ge @!p1 [sflag:s1], $0x2700  }
0x31: {  	[sflag:s1] =	ssyncset.done @!p1 $0x0  }
0x32: {  	[sflag:s1] =	ssyncadd.s32 @!p1 $0xFFFFD900  }
.LBB2_3:
0x33: {  	s1 =	sand.u32 $0xFE00, s3  }
0x34: {  	s11 =	sand.u32 $0x70, s3;
	s1 =	sshrl.u32 s1, $0x2  }
0x35: {  	s9 =	simm.s32 $0x40;
	s1 =	sor.u32 s11, s1;
	s11 =	simm.s32 $0x0  }
.LBB2_4:
0x36: {  	p2 =	sne.s32 s9, $0xEFC0  }
0x37: {  	[tilespmem:s1+$0x8000] =	vst v0;
	s11 =	sadd.s32 $0x10, s11;
	s1 =	smov.u32 s9;
	s9 =	sadd.s32 $0x40, s9  }
.Ltmp2:
0x38: {  	(pc) =	sbr.rel @p2 .LBB2_4-.Ltmp2, $4  }
0x39: {  	_ = 	snop  }
0x3a: {  	s1 =	sand.u32 $0xFE00, s1  }
0x3b: {  	s12 =	sand.u32 $0x70, s11;
	s1 =	sshrl.u32 s1, $0x2  }
0x3c: {  	s1 =	sor.u32 s12, s1  }
0x3d: {  	[tilespmem:s1+$0x8000] =	vst v0  }
0x3e: {  	[spmem:s7] =	stream.linear.scatter [tilespmem:s30], [sflag:$0x5], $0x3C00, $0x38;
	[tilespmem:$0x1F480] =	vst v63  }
0x3f: {  	_ =	swait.ge [sflag:s22], $0x3C00  }
0x40: {  	[sflag:s22] =	ssyncset.done $0x0  }
0x41: {  	s11 =	rddreg [dreg:$0x6];
	[sflag:s22] =	ssyncadd.s32 $0xFFFFC400  }
0x42: {  	[spmem:s11] =	stream.linear.scatter [tilespmem:s30], [sflag:$0x5], $0x3C00, $0x38;
	[tilespmem:$0x1F480] =	vst v63  }
0x43: {  	_ =	swait.ge [sflag:s22], $0x3C00  }
0x44: {  	[sflag:s22] =	ssyncset.done $0x0  }
0x45: {  	s12 =	rddreg [dreg:$0x7];
	[sflag:s22] =	ssyncadd.s32 $0xFFFFC400  }
0x46: {  	[spmem:s12] =	stream.linear.scatter [tilespmem:s30], [sflag:$0x5], $0x3C00, $0x38;
	[tilespmem:$0x1F480] =	vst v63  }
0x47: {  	_ =	swait.ge [sflag:s22], $0x3C00  }
0x48: {  	[sflag:s22] =	ssyncset.done $0x0  }
0x49: {  	s20 =	rddreg [dreg:$0x8];
	[sflag:s22] =	ssyncadd.s32 $0xFFFFC400  }
0x4a: {  	[spmem:s20] =	stream.linear.scatter [tilespmem:s30], [sflag:$0x5], $0x3C00, $0x38;
	[tilespmem:$0x1F480] =	vst v63  }
0x4b: {  	_ =	swait.ge [sflag:s22], $0x3C00  }
0x4c: {  	[sflag:s22] =	ssyncset.done $0x0  }
0x4d: {  	s26 =	rddreg [dreg:$0x9];
	[sflag:s22] =	ssyncadd.s32 $0xFFFFC400  }
0x4e: {  	[spmem:s26] =	stream.linear.scatter [tilespmem:s30], [sflag:$0x5], $0x3C00, $0x38;
	[tilespmem:$0x1F480] =	vst v63  }
0x4f: {  	_ =	swait.ge [sflag:s22], $0x3C00  }
0x50: {  	[sflag:s22] =	ssyncset.done $0x0  }
0x51: {  	s1 =	simm.s32 @p1 $0x8000;
	s5 =	rddreg [dreg:$0xb];
	[sflag:s22] =	ssyncadd.s32 $0xFFFFC400  }
0x52: {  	[spmem:s5] =	stream.linear.scatter @p1 [tilespmem:s1], [sflag:$0x5], $0x1400, $0x38;
	[tilespmem:$0x1F480] =	vst v63  }
0x53: {  	s1 =	simm.s32 @p1 $0x5  }
0x54: {  	_ =	swait.ge @p1 [sflag:s1], $0x1400  }
0x55: {  	[sflag:s1] =	ssyncset.done @p1 $0x0  }
0x56: {  	s5 =	rddreg [dreg:$0xa];
	[sflag:s1] =	ssyncadd.s32 @p1 $0xFFFFEC00;
	s1 =	simm.s32 @!p1 $0x8000  }
0x57: {  	[spmem:s5] =	stream.linear.scatter @!p1 [tilespmem:s1], [sflag:$0x5], $0xC00, $0x38;
	[tilespmem:$0x1F480] =	vst v63  }
0x58: {  	s1 =	simm.s32 @!p1 $0x5  }
0x59: {  	_ =	swait.ge @!p1 [sflag:s1], $0xC00  }
0x5a: {  	[sflag:s1] =	ssyncset.done @!p1 $0x0  }
0x5b: {  	[sflag:s1] =	ssyncadd.s32 @!p1 $0xFFFFF400  }
.LBB2_6:
0x5c: {  	s1 =	simm.s32 $0x200  }
0x5d: {  	[bflag:$0x0] =	sbarrier.arrive $0xFFFF;
	s1 =	sand.u32 $0x200, s1  }
0x5e: {  	[tilespmem:s1], [sflag:$0x4] =	stream.linear.gather [hbm4b:s21+s3], $0x180, $0x38;
	[tilespmem:$0x1F480] =	vst v63  }
0x5f: {  	s9 =	sor.u32 $0x400, s1  }
0x60: {  	[tilespmem:s9], [sflag:$0x4] =	stream.linear.gather [hbm4b:s10+s3], $0x180, $0x38;
	[tilespmem:$0x1F480] =	vst v63  }
0x61: {  	s5 =	simm.s32 $0x0;
	_ =	swait.ge [sflag:s29], $0x3C00  }
0x62: {  	s9 =	sand.u32 $0x200, s5;
	[sflag:s29] =	ssyncset.done $0x0  }
0x63: {  	s11 =	sor.u32 $0x100, s9;
	[sflag:s29] =	ssyncadd.s32 $0xFFFFC400  }
0x64: {  	[tilespmem:s30], [sflag:$0x3] =	stream.indirect.gather [hbm4b:s4+s24], $0x80, s11, s24, $0xb8;
	[tilespmem:$0x1F480] =	vst v63  }
0x65: {  	s6 =	sor.u32 $0x400, s9  }
0x66: {  	[spmem:s2] =	stream.indirect.scatter.add.f32 [tilespmem:s25], [sflag:$0x5], $0x80, s6, s24, $0xb8;
	[tilespmem:$0x1F480] =	vst v63  }
0x67: {  	_ =	swait.ge [sflag:s22], $0x3C00  }
0x68: {  	[sflag:s22] =	ssyncset.done $0x0  }
0x69: {  	[sflag:s22] =	ssyncadd.s32 $0xFFFFC400  }
0x6a: {  	_ =	swait.ge [sflag:s31], $0x180  }
0x6b: {  	[sflag:s31] =	ssyncset.done $0x0  }
0x6c: {  	[sflag:s31] =	ssyncadd.s32 $0xFFFFFE80  }
0x6d: {  	_ =	swait.ge [sflag:s31], $0x180  }
0x6e: {  	[sflag:s31] =	ssyncset.done $0x0  }
0x6f: {  	[sflag:s31] =	ssyncadd.s32 $0xFFFFFE80  }
0x70: {  	[tilespmem:s25], [sflag:$0x1] =	stream.indirect.gather [hbm4b:s4+s24], $0x80, s1, s24, $0xb8;
	[tilespmem:$0x1F480] =	vst v63  }
0x71: {  	_ =	swait.ge [sflag:s0], $0x3C00  }
0x72: {  	[sflag:s0] =	ssyncset.done $0x0  }
0x73: {  	s12 =	sor.u32 $0x480, s9;
	[sflag:s0] =	ssyncadd.s32 $0xFFFFC400  }
0x74: {  	[spmem:s2] =	stream.indirect.scatter.add.f32 [tilespmem:s28], [sflag:$0x5], $0x80, s12, s24, $0xb8;
	[tilespmem:$0x1F480] =	vst v63  }
0x75: {  	_ =	swait.ge [sflag:s22], $0x3C00  }
0x76: {  	[sflag:s22] =	ssyncset.done $0x0  }
0x77: {  	s1 =	sor.u32 $0x80, s1;
	[sflag:s22] =	ssyncadd.s32 $0xFFFFC400  }
0x78: {  	[tilespmem:s28], [sflag:$0x2] =	stream.indirect.gather [hbm4b:s4+s24], $0x80, s1, s24, $0xb8;
	[tilespmem:$0x1F480] =	vst v63  }
0x79: {  	_ =	swait.ge [sflag:s8], $0x3C00  }
0x7a: {  	s26 =	simm.s32 $0x200;
	[sflag:s8] =	ssyncset.done $0x0  }
0x7b: {  	s20 =	sor.u32 $0x500, s9;
	s9 =	simm.s32 $0x400;
	[sflag:s8] =	ssyncadd.s32 $0xFFFFC400  }
0x7c: {  	[spmem:s2] =	stream.indirect.scatter.add.f32 [tilespmem:s30], [sflag:$0x5], $0x80, s20, s24, $0xb8;
	[tilespmem:$0x1F480] =	vst v63  }
0x7d: {  	s11 =	sadd.s32 $0x40, s21;
	s12 =	simm.s32 $0x2;
	_ =	swait.ge [sflag:s22], $0x3C00  }
0x7e: {  	s1 =	simm.s32 $0x400;
	s20 =	smov.u32 s10;
	[sflag:s22] =	ssyncset.done $0x0  }
.LBB2_7:
0x7f: {  	s1 =	sand.u32 $0x200, s1  }
0x80: {  	[sflag:s22] =	ssyncadd.s32 $0xFFFFC400;
	s20 =	sadd.s32 $0x40, s20;
	s5 =	smov.u32 s9  }
0x81: {  	[tilespmem:s1], [sflag:$0x4] =	stream.linear.gather [hbm4b:s11+s3], $0x180, $0x38;
	[tilespmem:$0x1F480] =	vst v63  }
0x82: {  	p2 =	sne.s32 s9, $0x3400;
	s9 =	sadd.s32 $0x200, s9;
	s6 =	sor.u32 $0x400, s1  }
0x83: {  	[tilespmem:s6], [sflag:$0x4] =	stream.linear.gather [hbm4b:s20+s3], $0x180, $0x38;
	[tilespmem:$0x1F480] =	vst v63  }
0x84: {  	_ =	swait.ge [sflag:s29], $0x3C00  }
0x85: {  	s6 =	sand.u32 $0x200, s26;
	s26 =	smov.u32 s5;
	[sflag:s29] =	ssyncset.done $0x0  }
0x86: {  	s5 =	sor.u32 $0x100, s6;
	[sflag:s29] =	ssyncadd.s32 $0xFFFFC400  }
0x87: {  	[tilespmem:s30], [sflag:$0x3] =	stream.indirect.gather [hbm4b:s4+s24], $0x80, s5, s24, $0xb8;
	[tilespmem:$0x1F480] =	vst v63  }
0x88: {  	s5 =	sor.u32 $0x400, s6  }
0x89: {  	[spmem:s2] =	stream.indirect.scatter.add.f32 [tilespmem:s25], [sflag:$0x5], $0x80, s5, s24, $0xb8;
	[tilespmem:$0x1F480] =	vst v63  }
0x8a: {  	_ =	swait.ge [sflag:s22], $0x3C00  }
0x8b: {  	[sflag:s22] =	ssyncset.done $0x0  }
0x8c: {  	[sflag:s22] =	ssyncadd.s32 $0xFFFFC400  }
0x8d: {  	_ =	swait.ge [sflag:s31], $0x180  }
0x8e: {  	[sflag:s31] =	ssyncset.done $0x0  }
0x8f: {  	[sflag:s31] =	ssyncadd.s32 $0xFFFFFE80  }
0x90: {  	_ =	swait.ge [sflag:s31], $0x180  }
0x91: {  	[sflag:s31] =	ssyncset.done $0x0  }
0x92: {  	[sflag:s31] =	ssyncadd.s32 $0xFFFFFE80  }
0x93: {  	[tilespmem:s25], [sflag:$0x1] =	stream.indirect.gather [hbm4b:s4+s24], $0x80, s1, s24, $0xb8;
	[tilespmem:$0x1F480] =	vst v63  }
0x94: {  	_ =	swait.ge [sflag:s0], $0x3C00  }
0x95: {  	[sflag:s0] =	ssyncset.done $0x0  }
0x96: {  	s5 =	sor.u32 $0x480, s6;
	[sflag:s0] =	ssyncadd.s32 $0xFFFFC400  }
0x97: {  	[spmem:s2] =	stream.indirect.scatter.add.f32 [tilespmem:s28], [sflag:$0x5], $0x80, s5, s24, $0xb8;
	[tilespmem:$0x1F480] =	vst v63  }
0x98: {  	_ =	swait.ge [sflag:s22], $0x3C00  }
0x99: {  	[sflag:s22] =	ssyncset.done $0x0  }
0x9a: {  	s1 =	sor.u32 $0x80, s1;
	[sflag:s22] =	ssyncadd.s32 $0xFFFFC400  }
0x9b: {  	[tilespmem:s28], [sflag:$0x2] =	stream.indirect.gather [hbm4b:s4+s24], $0x80, s1, s24, $0xb8;
	[tilespmem:$0x1F480] =	vst v63  }
0x9c: {  	_ =	swait.ge [sflag:s8], $0x3C00  }
.Ltmp3:
0x9d: {  	[sflag:s8] =	ssyncset.done $0x0;
	(pc) =	sbr.rel @p2 .LBB2_7-.Ltmp3, $4  }
0x9e: {  	s1 =	sor.u32 $0x500, s6;
	[sflag:s8] =	ssyncadd.s32 $0xFFFFC400  }
0x9f: {  	[spmem:s2] =	stream.indirect.scatter.add.f32 [tilespmem:s30], [sflag:$0x5], $0x80, s1, s24, $0xb8;
	[tilespmem:$0x1F480] =	vst v63  }
0xa0: {  	s12 =	sadd.s32 $0x1, s12;
	_ =	swait.ge [sflag:s22], $0x3C00  }
0xa1: {  	s11 =	sadd.s32 $0x40, s11;
	s1 =	sshll.u32 s12, $0x9;
	[sflag:s22] =	ssyncset.done $0x0  }
0xa2: {  	s1 =	sand.u32 $0x200, s1;
	[sflag:s22] =	ssyncadd.s32 $0xFFFFC400  }
0xa3: {  	[tilespmem:s1], [sflag:$0x4] =	stream.linear.gather [hbm4b:s11+s3], $0x180, $0x38;
	[tilespmem:$0x1F480] =	vst v63  }
0xa4: {  	s5 =	sadd.s32 $0x40, s20;
	s6 =	sor.u32 $0x400, s1  }
0xa5: {  	[tilespmem:s6], [sflag:$0x4] =	stream.linear.gather [hbm4b:s5+s3], $0x180, $0x38;
	[tilespmem:$0x1F480] =	vst v63  }
0xa6: {  	_ =	swait.ge [sflag:s29], $0x3C00  }
0xa7: {  	s11 =	sand.u32 $0x200, s26;
	[sflag:s29] =	ssyncset.done $0x0  }
0xa8: {  	s12 =	sor.u32 $0x100, s11;
	[sflag:s29] =	ssyncadd.s32 $0xFFFFC400  }
0xa9: {  	[tilespmem:s30], [sflag:$0x3] =	stream.indirect.gather [hbm4b:s4+s24], $0x80, s12, s24, $0xb8;
	[tilespmem:$0x1F480] =	vst v63  }
0xaa: {  	s20 =	sor.u32 $0x400, s11  }
0xab: {  	[spmem:s2] =	stream.indirect.scatter.add.f32 [tilespmem:s25], [sflag:$0x5], $0x80, s20, s24, $0xb8;
	[tilespmem:$0x1F480] =	vst v63  }
0xac: {  	_ =	swait.ge [sflag:s22], $0x3C00  }
0xad: {  	[sflag:s22] =	ssyncset.done $0x0  }
0xae: {  	[sflag:s22] =	ssyncadd.s32 $0xFFFFC400  }
0xaf: {  	_ =	swait.ge [sflag:s31], $0x180  }
0xb0: {  	[sflag:s31] =	ssyncset.done $0x0  }
0xb1: {  	[sflag:s31] =	ssyncadd.s32 $0xFFFFFE80  }
0xb2: {  	_ =	swait.ge [sflag:s31], $0x180  }
0xb3: {  	[sflag:s31] =	ssyncset.done $0x0  }
0xb4: {  	[sflag:s31] =	ssyncadd.s32 $0xFFFFFE80  }
0xb5: {  	[tilespmem:s25], [sflag:$0x1] =	stream.indirect.gather [hbm4b:s4+s24], $0x80, s1, s24, $0xb8;
	[tilespmem:$0x1F480] =	vst v63  }
0xb6: {  	_ =	swait.ge [sflag:s0], $0x3C00  }
0xb7: {  	[sflag:s0] =	ssyncset.done $0x0  }
0xb8: {  	s26 =	sor.u32 $0x480, s11;
	[sflag:s0] =	ssyncadd.s32 $0xFFFFC400  }
0xb9: {  	[spmem:s2] =	stream.indirect.scatter.add.f32 [tilespmem:s28], [sflag:$0x5], $0x80, s26, s24, $0xb8;
	[tilespmem:$0x1F480] =	vst v63  }
0xba: {  	_ =	swait.ge [sflag:s22], $0x3C00  }
0xbb: {  	[sflag:s22] =	ssyncset.done $0x0  }
0xbc: {  	s1 =	sor.u32 $0x80, s1;
	[sflag:s22] =	ssyncadd.s32 $0xFFFFC400  }
0xbd: {  	[tilespmem:s28], [sflag:$0x2] =	stream.indirect.gather [hbm4b:s4+s24], $0x80, s1, s24, $0xb8;
	[tilespmem:$0x1F480] =	vst v63  }
0xbe: {  	_ =	swait.ge [sflag:s8], $0x3C00  }
0xbf: {  	[sflag:s8] =	ssyncset.done $0x0  }
0xc0: {  	s9 =	sor.u32 $0x500, s11;
	[sflag:s8] =	ssyncadd.s32 $0xFFFFC400  }
0xc1: {  	[spmem:s2] =	stream.indirect.scatter.add.f32 [tilespmem:s30], [sflag:$0x5], $0x80, s9, s24, $0xb8;
	[tilespmem:$0x1F480] =	vst v63  }
0xc2: {  	_ =	swait.ge [sflag:s22], $0x3C00  }
0xc3: {  	[sflag:s22] =	ssyncset.done $0x0  }
0xc4: {  	[sflag:s22] =	ssyncadd.s32 $0xFFFFC400  }
0xc5: {  	_ =	swait.ge [sflag:s29], $0x3C00  }
0xc6: {  	[sflag:s29] =	ssyncset.done $0x0  }
0xc7: {  	s11 =	simm.s32 $0x300;
	[sflag:s29] =	ssyncadd.s32 $0xFFFFC400  }
0xc8: {  	[tilespmem:s30], [sflag:$0x3] =	stream.indirect.gather [hbm4b:s4+s24], $0x80, s11, s24, $0xb8;
	[tilespmem:$0x1F480] =	vst v63  }
0xc9: {  	s12 =	simm.s32 $0x600  }
0xca: {  	[spmem:s2] =	stream.indirect.scatter.add.f32 [tilespmem:s25], [sflag:$0x5], $0x80, s12, s24, $0xb8;
	[tilespmem:$0x1F480] =	vst v63  }
0xcb: {  	_ =	swait.ge [sflag:s22], $0x3C00  }
0xcc: {  	[sflag:s22] =	ssyncset.done $0x0  }
0xcd: {  	[sflag:s22] =	ssyncadd.s32 $0xFFFFC400  }
0xce: {  	_ =	swait.ge [sflag:s0], $0x3C00  }
0xcf: {  	[sflag:s0] =	ssyncset.done $0x0  }
0xd0: {  	s20 =	simm.s32 $0x680;
	[sflag:s0] =	ssyncadd.s32 $0xFFFFC400  }
0xd1: {  	[spmem:s2] =	stream.indirect.scatter.add.f32 [tilespmem:s28], [sflag:$0x5], $0x80, s20, s24, $0xb8;
	[tilespmem:$0x1F480] =	vst v63  }
0xd2: {  	_ =	swait.ge [sflag:s22], $0x3C00  }
0xd3: {  	[sflag:s22] =	ssyncset.done $0x0  }
0xd4: {  	[sflag:s22] =	ssyncadd.s32 $0xFFFFC400  }
0xd5: {  	_ =	swait.ge [sflag:s8], $0x3C00  }
0xd6: {  	[sflag:s8] =	ssyncset.done $0x0  }
0xd7: {  	s26 =	simm.s32 $0x700;
	[sflag:s8] =	ssyncadd.s32 $0xFFFFC400  }
0xd8: {  	[spmem:s2] =	stream.indirect.scatter.add.f32 [tilespmem:s30], [sflag:$0x5], $0x80, s26, s24, $0xb8;
	[tilespmem:$0x1F480] =	vst v63  }
0xd9: {  	_ =	swait.ge [sflag:s22], $0x3C00  }
0xda: {  	[sflag:s22] =	ssyncset.done $0x0  }
0xdb: {  	[sflag:s22] =	ssyncadd.s32 $0xFFFFC400  }
0xdc: {  	s1 =	simm.s32 @p1 $0x1FC5;
	[bflag:$0x0] =	sbarrier.arrive $0xFFFF  }
0xdd: {  	[hbm:s18], [sflag:s1] =	dma.local @p1 [spmem:s23], $0x2800  }
0xde: {  	s1 =	simm.s32 @p1 $0x5  }
0xdf: {  	s13 =	sadd.s32 $0x1, s13;
	_ =	swait.ge @p1 [sflag:s1], $0x2800  }
0xe0: {  	p2 =	sne.s32 s13, s19;
	[sflag:s1] =	ssyncset.done @p1 $0x0  }
.Ltmp4:
0xe1: {  	[sflag:s1] =	ssyncadd.s32 @p1 $0xFFFFD800;
	s1 =	simm.s32 @!p1 $0x5;
	(pc) =	sbr.rel @p2 .LBB2_1-.Ltmp4, $4  }
0xe2: {  	[hbm:s17], [sflag:s16] =	dma.local @!p1 [spmem:s14], $0x2700  }
0xe3: {  	_ =	swait.ge @!p1 [sflag:s1], $0x2700  }
0xe4: {  	[sflag:s1] =	ssyncset.done @!p1 $0x0  }
0xe5: {  	[sflag:s1] =	ssyncadd.s32 @!p1 $0xFFFFD900  }
0xe6: {  	_ =	sfence.sel $0x180000  }
0xe7: {  	[bflag:$0x0] =	sbarrier.arrive $0xFFFF  }
0xe8: {  	_ =	strace $0x9000004A  }
0xe9: {  	s0 =	stileid.u32;
	[bflag:$0x2] =	sbarrier.arrive $0xFFFF  }
0xea: {  	p0 =	sne.s32 s0, $0x0;
	s0 =	rddreg [dreg:$0x3]  }
0xeb: {  	s0 =	sadd.s32 @!p0 $0x100000, s0  }
0xec: {  	[sflag:s0] =	ssyncadd.tile.s32 @!p0 $0x1;
	_ =	shalt  }
.Lfunc_end2:
_tile_overlayer_lowered:
.L_overlay_start_2:
0xed: {  	(tag) =	ssettag $0x2  }
0xee: {  	s0 =	rddreg [dreg:$0x0];
	s2 =	stileid.u32  }
0xef: {  	s1 =	rddreg [dreg:$0x1];
	p0 =	sne.s32 s2, $0x0  }
0xf0: {  	s3 =	rddreg [dreg:$0x2];
	[bflag:$0x3] =	sbarrier.arrive $0xFFFF;
	s2 =	simm.s32 @!p0 $0x1C05  }
0xf1: {  	[timem:s3], [sflag:s2] =	dma.local @!p0 [hbm:s0], s1  }
0xf2: {  	s0 =	simm.s32 @!p0 $0x5  }
0xf3: {  	_ =	swait.ge @!p0 [sflag:s0], s1  }
0xf4: {  	s1 =	ssub.s32 @!p0 $0x0, s1;
	[sflag:s0] =	ssyncset.done @!p0 $0x0  }
0xf5: {  	[sflag:s0] =	ssyncadd.s32 @!p0 s1  }
0xf6: {  	[bflag:$0x3] =	sbarrier.arrive $0xFFFF  }
0xf7: {  	_ =	shalt  }

// kernel: kernel.15.cloned.1.call-start
scs
__scs_entry_jumppad:
0x0: {  	(pc) =	sbr.rel $0x88, $3  }
0x1: {  	(tag) =	ssettag $0x0;
	lr =	simm.s32 $0x1  }
0x2: {  	[smem:$0x3F97] =	sst lr;
	_ =	strace $0xD0000000  }
0x3: {  	_ = 	snop  }
0x4: {  	_ = 	snop  }
0x5: {  	_ = 	snop  }
0x6: {  	_ = 	snop  }
0x7: {  	_ = 	snop  }
__scs_overlays_trampoline_lowered:
0x8: {  	[smem:$0x3FA6] =	sst s0  }
0x9: {  	[smem:$0x3FA7] =	sst s1  }
0xa: {  	[smem:$0x3FA8] =	sst s2  }
0xb: {  	[smem:$0x3FA9] =	sst s3  }
0xc: {  	[smem:$0x3FAA] =	sst s4  }
0xd: {  	[smem:$0x3FAB] =	sst s5  }
0xe: {  	[smem:$0x3FAC] =	sst s6  }
0xf: {  	[smem:$0x3FAD] =	sst s7  }
0x10: {  	[smem:$0x3FAE] =	sst s8  }
0x11: {  	[smem:$0x3FAF] =	sst s9;
	s0 =	simm.s32 @!p0 $0x0  }
0x12: {  	s1 =	sld [smem:$0x3F95];
	s0 =	simm.s32 @p0 $0x1  }
0x13: {  	[smem:$0x3FB0] =	sst s0;
	s0 =	simm.s32 @!p1 $0x0  }
0x14: {  	s2 =	sld [smem:$0x3F94];
	s0 =	simm.s32 @p1 $0x1  }
0x15: {  	[smem:$0x3FB1] =	sst s0;
	s0 =	simm.s32 @!p2 $0x0  }
0x16: {  	s3 =	sld [smem:$0x3FDB];
	s0 =	simm.s32 @p2 $0x1  }
0x17: {  	s4 =	simm.s32 $0x1BF5;
	[smem:$0x3FB3] =	sst s0  }
0x18: {  	s0 =	sld [smem:$0x3F96];
	_ =	swait.ge [sflag:s4], $0x0  }
0x19: {  	s7 =	sld [smem:$0x3F97]  }
0x1a: {  	s8 =	sadd.s32 $0xFFFFE003, lr  }
0x1b: {  	s9 =	sadd.s32 $0xFFFFFEF7, lr;
	s5 =	simm.s32 $0xFFFFFFFF;
	p2 =	slt.u32 s8, $0xFFFFF086  }
0x1c: {  	p1 =	slt.u32 s9, $0xF7A;
	s5 =	simm.s32 @!p2 $0x0  }
0x1d: {  	s5 =	simm.s32 @p1 $0x1;
	p0 =	seq.s32 s7, s2  }
0x1e: {  	s7 =	smul.u32 @!p0 $0xF7A, s2;
	p2 =	seq.s32 @!p0 s5, $0x0  }
0x1f: {  	s9 =	smul.u32 $0xF7A, s1;
	s8 =	simm.s32 @!p0 $0x1BF5;
	p2 =	por !p2, p0  }
0x20: {  	[sflag:s8] =	ssyncset.s32 @!p0 $0xFFFFF086;
	s6 =	sadd.s32 @!p0 s3, s7;
	s7 =	simm.s32 @!p0 $0x108  }
0x21: {  	s3 =	sadd.s32 s3, s9;
	s6 =	sadd.s32 @!p0 $0x88, s6;
	s7 =	simm.s32 @p2 $0x1082  }
0x22: {  	[simem:s7], [sflag:s8] =	dma.local @!p0 [hbm:s6], $0xF7A  }
0x23: {  	s9 =	sor.u32 $0xD0000000, s2;
	s6 =	simm.s32 $0x108;
	_ =	swait.ge @!p0 [sflag:s8], $0x0  }
0x24: {  	s3 =	sadd.s32 $0x88, s3;
	s6 =	simm.s32 @!p1 $0x1082;
	[sflag:s4] =	ssyncset.s32 $0xFFFFF086  }
0x25: {  	[simem:s6], [sflag:s4] =	dma.local [hbm:s3], $0xF7A  }
0x26: {  	[smem:$0x3F97] =	sst s1;
	(tag) =	ssettag s2;
	_ =	strace s9  }
0x27: {  	s1 =	sld [smem:$0x3FA7]  }
0x28: {  	s2 =	sld [smem:$0x3FA8]  }
0x29: {  	s4 =	sld [smem:$0x3FAA]  }
0x2a: {  	p0 =	seq.s32 s5, $0x0;
	s5 =	sld [smem:$0x3FAB]  }
0x2b: {  	s6 =	sld [smem:$0x3FAC]  }
0x2c: {  	s7 =	sld [smem:$0x3FAD]  }
0x2d: {  	s3 =	simm.s32 $0x108;
	s8 =	sld [smem:$0x3FAE]  }
0x2e: {  	s3 =	simm.s32 @!p0 $0x1082;
	s9 =	sld [smem:$0x3FAF]  }
0x2f: {  	lr =	sadd.s32 s0, s3;
	s0 =	sld [smem:$0x3FA6]  }
0x30: {  	s3 =	sld [smem:$0x3FA9]  }
0x31: {  	[smem:$0x3FB2] =	sst s10  }
0x32: {  	s10 =	sld [smem:$0x3FB0];
	_ =	sdelay $0x3  }
0x33: {  	p0 =	seq.s32 s10, $0x1;
	s10 =	sld [smem:$0x3FB2];
	_ =	sdelay $0x3  }
0x34: {  	[smem:$0x3FB2] =	sst s10  }
0x35: {  	s10 =	sld [smem:$0x3FB1];
	_ =	sdelay $0x3  }
0x36: {  	p1 =	seq.s32 s10, $0x1;
	s10 =	sld [smem:$0x3FB2];
	_ =	sdelay $0x3  }
0x37: {  	[smem:$0x3FB2] =	sst s10  }
0x38: {  	s10 =	sld [smem:$0x3FB3]  }
0x39: {  	_ = 	snop;
	(pc) =	sbr.ind lr, $3  }
0x3a: {  	_ = 	snop  }
0x3b: {  	_ = 	snop  }
0x3c: {  	p2 =	seq.s32 s10, $0x1;
	s10 =	sld [smem:$0x3FB2]  }
0x3d: {  	_ =	shalt  }
0x3e: {  	_ =	shalt  }
0x3f: {  	_ =	shalt  }
0x40: {  	_ =	shalt  }
0x41: {  	_ =	shalt  }
0x42: {  	_ =	shalt  }
0x43: {  	_ =	shalt  }
0x44: {  	_ =	shalt  }
0x45: {  	_ =	shalt  }
0x46: {  	_ =	shalt  }
0x47: {  	_ =	shalt  }
0x48: {  	_ =	shalt  }
0x49: {  	_ =	shalt  }
0x4a: {  	_ =	shalt  }
0x4b: {  	_ =	shalt  }
0x4c: {  	_ =	shalt  }
0x4d: {  	_ =	shalt  }
0x4e: {  	_ =	shalt  }
0x4f: {  	_ =	shalt  }
0x50: {  	_ =	shalt  }
0x51: {  	_ =	shalt  }
0x52: {  	_ =	shalt  }
0x53: {  	_ =	shalt  }
0x54: {  	_ =	shalt  }
0x55: {  	_ =	shalt  }
0x56: {  	_ =	shalt  }
0x57: {  	_ =	shalt  }
0x58: {  	_ =	shalt  }
0x59: {  	_ =	shalt  }
0x5a: {  	_ =	shalt  }
0x5b: {  	_ =	shalt  }
0x5c: {  	_ =	shalt  }
0x5d: {  	_ =	shalt  }
0x5e: {  	_ =	shalt  }
0x5f: {  	_ =	shalt  }
0x60: {  	_ =	shalt  }
0x61: {  	_ =	shalt  }
0x62: {  	_ =	shalt  }
0x63: {  	_ =	shalt  }
0x64: {  	_ =	shalt  }
0x65: {  	_ =	shalt  }
0x66: {  	_ =	shalt  }
0x67: {  	_ =	shalt  }
0x68: {  	_ =	shalt  }
0x69: {  	_ =	shalt  }
0x6a: {  	_ =	shalt  }
0x6b: {  	_ =	shalt  }
0x6c: {  	_ =	shalt  }
0x6d: {  	_ =	shalt  }
0x6e: {  	_ =	shalt  }
0x6f: {  	_ =	shalt  }
0x70: {  	_ =	shalt  }
0x71: {  	_ =	shalt  }
0x72: {  	_ =	shalt  }
0x73: {  	_ =	shalt  }
0x74: {  	_ =	shalt  }
0x75: {  	_ =	shalt  }
0x76: {  	_ =	shalt  }
0x77: {  	_ =	shalt  }
0x78: {  	_ =	shalt  }
0x79: {  	_ =	shalt  }
0x7a: {  	_ =	shalt  }
0x7b: {  	_ =	shalt  }
0x7c: {  	_ =	shalt  }
0x7d: {  	_ =	shalt  }
0x7e: {  	_ =	shalt  }
0x7f: {  	_ =	shalt  }
0x80: {  	_ =	shalt  }
0x81: {  	_ =	shalt  }
0x82: {  	_ =	shalt  }
0x83: {  	_ =	shalt  }
0x84: {  	_ =	shalt  }
0x85: {  	_ =	shalt  }
0x86: {  	_ =	shalt  }
0x87: {  	_ =	shalt  }
.Lfunc_end0:
.L_simem_size_0:
called_computation.2_lowered:
.L_overlay_start_0:
0x88: {  	s2 =	sld [smem:$0x3FD9]  }
0x89: {  	s3 =	sld [smem:$0x3FFE];
	_ =	sdelay $0x1  }
0x8a: {  	s1 =	srdreg.scid  }
0x8b: {  	s0 =	sand.u32 $0x1, s1  }
0x8c: {  	s17 =	sshll.u32 s0, $0xA;
	s2 =	sadd.s32 s3, s2  }
0x8d: {  	s2 =	sadd.s32 s2, s17  }
0x8e: {  	[smem:$0x3FBE] =	sst s2  }
0x8f: {  	_ = 	snop  }
0x90: {  	s2 =	sld [smem:$0x3FD0];
	(tm) =	ssettm $0x1  }
0x91: {  	s18 =	sld [smem:$0x3FFB];
	_ =	sdelay $0x3  }
0x92: {  	_ =	strace s18  }
0x93: {  	s3 =	sld [smem:$0x3FFC];
	_ =	sdelay $0x3  }
0x94: {  	_ =	strace s3  }
0x95: {  	s3 =	sld [smem:$0x3FFD];
	_ =	sdelay $0x3  }
0x96: {  	_ =	strace s3  }
0x97: {  	_ =	strace $0x8FFFFFFF  }
0x98: {  	s19 =	sld [smem:$0x3FDB];
	_ =	sdelay $0x1  }
0x99: {  	s4 =	simm.s32 $_scs_section_size  }
0x9a: {  	s5 =	simm.s32 $_size__tile_overlayer_lowered;
	s6 =	simm.s32 $_tile_overlayer_lowered  }
0x9b: {  	s22 =	simm.s32 $0x1BFF;
	s21 =	sshll.u32 s6, $0x1;
	s3 =	sadd.s32 s4, s19  }
0x9c: {  	s7 =	simm.s32 $0x0;
	s20 =	sshll.u32 s5, $0x1;
	s5 =	sadd.s32 s21, s3  }
0x9d: {  	[timem:s7], [sflag:s22] =	dma.local [hbm:s5], s20  }
0x9e: {  	_ =	swait.ge [sflag:s22], s20  }
0x9f: {  	s4 =	ssub.s32 $0x0, s20;
	[sflag:s22] =	ssyncset.done $0x0  }
0xa0: {  	[sflag:s22] =	ssyncadd.s32 s4;
	_ =	sdelay $0x1  }
0xa1: {  	s23 =	simm.s32 $0x1B8B  }
0xa2: {  	_ =	swait.ge [sflag:s23], $0x1  }
0xa3: {  	[sflag:s23] =	ssyncset.done $0x0  }
0xa4: {  	s25 =	simm.s32 $0x1B8E;
	s24 =	sld [smem:$0x3FFE];
	[sflag:s23] =	ssyncadd.s32 $0xFFFFFFFF  }
0xa5: {  	s26 =	simm.s32 $execute0_lowered;
	[smem:$0x3FD2] =	sst s25  }
0xa6: {  	s5 =	sshll.u32 s26, $0x1;
	_ =	strace $0x8000004C;
	[dreg:$0x1] =	wrdreg $0xFFFFFFFF  }
0xa7: {  	s28 =	simm.s32 $_size_execute0_lowered;
	s3 =	sadd.s32 s3, s5;
	[dreg:$0x0] =	wrdreg $0x0  }
0xa8: {  	s5 =	sshll.u32 s28, $0x1;
	[dreg:$0x2] =	wrdreg s3  }
0xa9: {  	[dreg:$0x3] =	wrdreg s5  }
0xaa: {  	[dreg:$0x4] =	wrdreg $0xC0  }
0xab: {  	_ =	task [dreg:s7], $0x5FFFF  }
0xac: {  	[dreg:$0x1] =	wrdreg $0xFFFFFFFF  }
0xad: {  	[dreg:$0x0] =	wrdreg $0x60  }
0xae: {  	[dreg:$0x2] =	wrdreg s24  }
0xaf: {  	[dreg:$0x3] =	wrdreg s2  }
0xb0: {  	[dreg:$0x4] =	wrdreg $0xBC000  }
0xb1: {  	[dreg:$0x5] =	wrdreg $0x9  }
0xb2: {  	_ =	task.clear_ibuf [dreg:s7], $0x6FFFF;
	_ =	strace $0x9000004C  }
0xb3: {  	s29 =	simm.s32 $0x9;
	_ =	strace $0x8000004E  }
0xb4: {  	_ =	swait.ge [sflag:s29], $0x1  }
0xb5: {  	[sflag:s29] =	ssyncadd.s32 $0xFFFFFFFF  }
0xb6: {  	_ =	strace $0x9000004E  }
0xb7: {  	_ =	sfence  }
0xb8: {  	s30 =	sld [smem:$0x0];
	_ =	sdelay $0x2  }
0xb9: {  	s31 =	sshll.u32 s1, $0xD;
	s1 =	sshrl.u32 s1, $0x2  }
0xba: {  	s3 =	sand.u32 $0x4000, s31;
	s1 =	sadd.s32 s1, s30  }
0xbb: {  	s0 =	sor.u32 s3, s0;
	s1 =	sshll.u32 s1, $0x11  }
0xbc: {  	s0 =	sor.u32 s1, s0  }
0xbd: {  	s0 =	sadd.s32 $0x8F2B, s0  }
0xbe: {  	[sflag:s0] =	ssyncadd.remote.s32 $0x1  }
0xbf: {  	_ =	sfence.sel $0xFFFF  }
0xc0: {  	[dreg:$0x0] =	wrdreg $0xFFFFFFFF;
	(pc) =	sbr.abs _section_cstart, $3  }
0xc1: {  	[dreg:$0x1] =	wrdreg $0xFFFFFFFF  }
0xc2: {  	_ =	task.clear_ibuf [dreg:s7], $0x2FFFF;
	_ =	strace $0x9FFFFFFF  }
0xc3: {  	(tm) =	ssettm $0x7FFFFFFF  }
tec
execute0_lowered:
.L_overlay_start_1:
0x0: {  	(tag) =	ssettag $0x1  }
0x1: {  	s0 =	rddreg [dreg:$0x0]  }
0x2: {  	s1 =	rddreg [dreg:$0x1]  }
0x3: {  	s2 =	rddreg [dreg:$0x2]  }
0x4: {  	s3 =	simm.s32 $0x0;
	s4 =	srdreg.scid;
	s20 =	stileid.u32  }
0x5: {  	s28 =	simm.s32 $0x4400;
	s29 =	simm.s32 $0x1;
	s30 =	simm.s32 $0x8000  }
0x6: {  	s31 =	simm.s32 $0x4;
	[smem:$0x7FF] =	sst s3;
	s8 =	sand.u32 $0x1, s4  }
0x7: {  	s23 =	sshll.u32 s20, $0x1;
	s4 =	sadd.s32 $0x1C600, s0;
	s10 =	smul.u32 $0x4E000, s20  }
0x8: {  	s9 =	sadd.s32 $0xE600, s0;
	s11 =	sadd.s32 $0x43A00, s0;
	s26 =	smul.u32 $0x2700, s20  }
0x9: {  	s21 =	sadd.s32 $0x137400, s2;
	s0 =	sadd.s32 $0x40F00, s0;
	p1 =	seq.s32 s20, $0xF  }
0xa: {  	_ =	strace $0x8000004D;
	s5 =	sor.u32 s8, s23;
	[dreg:$0xb] =	wrdreg s21  }
0xb: {  	s6 =	ssub.s32 $0x2, s8;
	s13 =	smul.u32 $0x138800, s8;
	[dreg:$0xd] =	wrdreg s0  }
0xc: {  	p0 =	sne.s32 s8, $0x0;
	s7 =	sshrl.u32 s6, $0x1;
	s25 =	sshrl.u32 s10, $0x2  }
0xd: {  	s22 =	sadd.s32 s4, s26;
	s12 =	ssub.s32 s6, s7;
	s7 =	sadd.s32 s25, s2  }
0xe: {  	s5 =	smul.u32 $0x3800, s5;
	[dreg:$0xc] =	wrdreg s22;
	s15 =	sadd.s32 $0x3C00, s7  }
0xf: {  	s22 =	simm.s32 $0x5;
	s16 =	sadd.s32 $0x7800, s7;
	[dreg:$0x6] =	wrdreg s15  }
0x10: {  	s24 =	sshrl.u32 s5, $0x3;
	s17 =	sadd.s32 $0xB400, s7;
	[dreg:$0x7] =	wrdreg s16  }
0x11: {  	s18 =	sadd.s32 $0xF000, s7;
	s19 =	sadd.s32 $0x12C00, s7;
	[dreg:$0x8] =	wrdreg s17  }
0x12: {  	s5 =	sadd.s32 s1, s24;
	[dreg:$0x9] =	wrdreg s18;
	s16 =	smul.u32 $0x7000, s20  }
0x13: {  	s14 =	sadd.s32 s9, s24;
	[dreg:$0xa] =	wrdreg s19;
	s17 =	smul.u32 $0x3800, s8  }
0x14: {  	s15 =	sadd.s32 $0x124800, s2;
	s24 =	sshrl.u32 s13, $0x3;
	s19 =	smax.u32 s12, $0x1  }
0x15: {  	s8 =	simm.s32 $0x3;
	[dreg:$0x5] =	wrdreg s14;
	s14 =	smul.u32 $0x13800, s20  }
0x16: {  	[dreg:$0x4] =	wrdreg s5;
	s10 =	sadd.s32 s11, s24;
	s24 =	simm.s32 $0x78  }
0x17: {  	s25 =	sadd.s32 s17, s16;
	s18 =	sadd.s32 $0x24900, s10;
	s23 =	sadd.s32 s14, s13  }
0x18: {  	s13 =	sor.u32 $0x200, s25;
	s25 =	simm.s32 $0x800;
	s0 =	sshrl.u32 s23, $0x3  }
0x19: {  	s26 =	sshrl.u32 s13, $0x3;
	s13 =	simm.s32 $0x0;
	s17 =	sadd.s32 s11, s0  }
0x1a: {  	v0 =	vimm.f32 $0.0e+00;
	s10 =	sadd.s32 s26, s9;
	s21 =	sadd.s32 s26, s1;
	s0 =	simm.s32 $0x2  }
.LBB2_1:
0x1b: {  	s1 =	rddreg [dreg:$0x4]  }
0x1c: {  	[tilespmem:s3], [sflag:$0x5] =	stream.linear.gather [hbm4b:s1+s3], $0x180, $0x38;
	[tilespmem:$0x1F480] =	vst v63  }
0x1d: {  	_ =	swait.ge [sflag:s22], $0x180  }
0x1e: {  	[sflag:s22] =	ssyncset.done $0x0  }
0x1f: {  	s5 =	simm.s32 $0x400;
	s23 =	rddreg [dreg:$0x5];
	[sflag:s22] =	ssyncadd.s32 $0xFFFFFE80  }
0x20: {  	[tilespmem:s5], [sflag:$0x5] =	stream.linear.gather [hbm4b:s23+s3], $0x180, $0x38;
	[tilespmem:$0x1F480] =	vst v63  }
0x21: {  	_ =	swait.ge [sflag:s22], $0x180  }
.Ltmp0:
0x22: {  	s1 =	stileid.u32;
	[sflag:s22] =	ssyncset.done $0x0;
	(pc) =	sbr.rel @p0 .LBB2_3-.Ltmp0, $4  }
0x23: {  	s26 =	simm.s32 $0x80;
	s1 =	sshll.u32 @!p1 s1, $0x6;
	[sflag:s22] =	ssyncadd.s32 $0xFFFFFE80  }
0x24: {  	[tilespmem:s25], [sflag:$0x1] =	stream.indirect.gather [hbm4b:s4+s24], $0x80, s3, s24, $0xb8;
	[tilespmem:$0x1F480] =	vst v63  }
0x25: {  	s14 =	sshrl.u32 @!p1 s7, $0x3;
	s16 =	sor.u32 @!p1 $0x1C05, s1;
	s23 =	sshrl.u32 @p1 s15, $0x3  }
0x26: {  	[tilespmem:s28], [sflag:$0x2] =	stream.indirect.gather [hbm4b:s4+s24], $0x80, s26, s24, $0xb8;
	[tilespmem:$0x1F480] =	vst v63  }
0x27: {  	s1 =	simm.s32 @p1 $0x1FC5;
	s5 =	rddreg [dreg:$0xd]  }
0x28: {  	[spmem:s23], [sflag:s1] =	dma.local @p1 [hbm:s5], $0x2800  }
0x29: {  	s1 =	simm.s32 @p1 $0x5  }
0x2a: {  	_ =	swait.ge @p1 [sflag:s1], $0x2800  }
0x2b: {  	[sflag:s1] =	ssyncset.done @p1 $0x0  }
0x2c: {  	[sflag:s1] =	ssyncadd.s32 @p1 $0xFFFFD800;
	s1 =	rddreg [dreg:$0xc]  }
0x2d: {  	[spmem:s14], [sflag:s16] =	dma.local @!p1 [hbm:s1], $0x2700  }
.Ltmp1:
0x2e: {  	_ = 	snop;
	(pc) =	sbr.rel .LBB2_6-.Ltmp1, $4  }
0x2f: {  	s1 =	simm.s32 @!p1 $0x5  }
0x30: {  	_ =	swait.ge @!p1 [sflag:s1], $0x2700  }
0x31: {  	[sflag:s1] =	ssyncset.done @!p1 $0x0  }
0x32: {  	[sflag:s1] =	ssyncadd.s32 @!p1 $0xFFFFD900  }
.LBB2_3:
0x33: {  	s1 =	sand.u32 $0xFE00, s3  }
0x34: {  	s11 =	sand.u32 $0x70, s3;
	s1 =	sshrl.u32 s1, $0x2  }
0x35: {  	s9 =	simm.s32 $0x40;
	s1 =	sor.u32 s11, s1;
	s11 =	simm.s32 $0x0  }
.LBB2_4:
0x36: {  	p2 =	sne.s32 s9, $0xEFC0  }
0x37: {  	[tilespmem:s1+$0x8000] =	vst v0;
	s11 =	sadd.s32 $0x10, s11;
	s1 =	smov.u32 s9;
	s9 =	sadd.s32 $0x40, s9  }
.Ltmp2:
0x38: {  	(pc) =	sbr.rel @p2 .LBB2_4-.Ltmp2, $4  }
0x39: {  	_ = 	snop  }
0x3a: {  	s1 =	sand.u32 $0xFE00, s1  }
0x3b: {  	s12 =	sand.u32 $0x70, s11;
	s1 =	sshrl.u32 s1, $0x2  }
0x3c: {  	s1 =	sor.u32 s12, s1  }
0x3d: {  	[tilespmem:s1+$0x8000] =	vst v0  }
0x3e: {  	[spmem:s7] =	stream.linear.scatter [tilespmem:s30], [sflag:$0x5], $0x3C00, $0x38;
	[tilespmem:$0x1F480] =	vst v63  }
0x3f: {  	_ =	swait.ge [sflag:s22], $0x3C00  }
0x40: {  	[sflag:s22] =	ssyncset.done $0x0  }
0x41: {  	s11 =	rddreg [dreg:$0x6];
	[sflag:s22] =	ssyncadd.s32 $0xFFFFC400  }
0x42: {  	[spmem:s11] =	stream.linear.scatter [tilespmem:s30], [sflag:$0x5], $0x3C00, $0x38;
	[tilespmem:$0x1F480] =	vst v63  }
0x43: {  	_ =	swait.ge [sflag:s22], $0x3C00  }
0x44: {  	[sflag:s22] =	ssyncset.done $0x0  }
0x45: {  	s12 =	rddreg [dreg:$0x7];
	[sflag:s22] =	ssyncadd.s32 $0xFFFFC400  }
0x46: {  	[spmem:s12] =	stream.linear.scatter [tilespmem:s30], [sflag:$0x5], $0x3C00, $0x38;
	[tilespmem:$0x1F480] =	vst v63  }
0x47: {  	_ =	swait.ge [sflag:s22], $0x3C00  }
0x48: {  	[sflag:s22] =	ssyncset.done $0x0  }
0x49: {  	s20 =	rddreg [dreg:$0x8];
	[sflag:s22] =	ssyncadd.s32 $0xFFFFC400  }
0x4a: {  	[spmem:s20] =	stream.linear.scatter [tilespmem:s30], [sflag:$0x5], $0x3C00, $0x38;
	[tilespmem:$0x1F480] =	vst v63  }
0x4b: {  	_ =	swait.ge [sflag:s22], $0x3C00  }
0x4c: {  	[sflag:s22] =	ssyncset.done $0x0  }
0x4d: {  	s26 =	rddreg [dreg:$0x9];
	[sflag:s22] =	ssyncadd.s32 $0xFFFFC400  }
0x4e: {  	[spmem:s26] =	stream.linear.scatter [tilespmem:s30], [sflag:$0x5], $0x3C00, $0x38;
	[tilespmem:$0x1F480] =	vst v63  }
0x4f: {  	_ =	swait.ge [sflag:s22], $0x3C00  }
0x50: {  	[sflag:s22] =	ssyncset.done $0x0  }
0x51: {  	s1 =	simm.s32 @p1 $0x8000;
	s5 =	rddreg [dreg:$0xb];
	[sflag:s22] =	ssyncadd.s32 $0xFFFFC400  }
0x52: {  	[spmem:s5] =	stream.linear.scatter @p1 [tilespmem:s1], [sflag:$0x5], $0x1400, $0x38;
	[tilespmem:$0x1F480] =	vst v63  }
0x53: {  	s1 =	simm.s32 @p1 $0x5  }
0x54: {  	_ =	swait.ge @p1 [sflag:s1], $0x1400  }
0x55: {  	[sflag:s1] =	ssyncset.done @p1 $0x0  }
0x56: {  	s5 =	rddreg [dreg:$0xa];
	[sflag:s1] =	ssyncadd.s32 @p1 $0xFFFFEC00;
	s1 =	simm.s32 @!p1 $0x8000  }
0x57: {  	[spmem:s5] =	stream.linear.scatter @!p1 [tilespmem:s1], [sflag:$0x5], $0xC00, $0x38;
	[tilespmem:$0x1F480] =	vst v63  }
0x58: {  	s1 =	simm.s32 @!p1 $0x5  }
0x59: {  	_ =	swait.ge @!p1 [sflag:s1], $0xC00  }
0x5a: {  	[sflag:s1] =	ssyncset.done @!p1 $0x0  }
0x5b: {  	[sflag:s1] =	ssyncadd.s32 @!p1 $0xFFFFF400  }
.LBB2_6:
0x5c: {  	s1 =	simm.s32 $0x200  }
0x5d: {  	[bflag:$0x0] =	sbarrier.arrive $0xFFFF;
	s1 =	sand.u32 $0x200, s1  }
0x5e: {  	[tilespmem:s1], [sflag:$0x4] =	stream.linear.gather [hbm4b:s21+s3], $0x180, $0x38;
	[tilespmem:$0x1F480] =	vst v63  }
0x5f: {  	s9 =	sor.u32 $0x400, s1  }
0x60: {  	[tilespmem:s9], [sflag:$0x4] =	stream.linear.gather [hbm4b:s10+s3], $0x180, $0x38;
	[tilespmem:$0x1F480] =	vst v63  }
0x61: {  	s5 =	simm.s32 $0x0;
	_ =	swait.ge [sflag:s29], $0x3C00  }
0x62: {  	s9 =	sand.u32 $0x200, s5;
	[sflag:s29] =	ssyncset.done $0x0  }
0x63: {  	s11 =	sor.u32 $0x100, s9;
	[sflag:s29] =	ssyncadd.s32 $0xFFFFC400  }
0x64: {  	[tilespmem:s30], [sflag:$0x3] =	stream.indirect.gather [hbm4b:s4+s24], $0x80, s11, s24, $0xb8;
	[tilespmem:$0x1F480] =	vst v63  }
0x65: {  	s6 =	sor.u32 $0x400, s9  }
0x66: {  	[spmem:s2] =	stream.indirect.scatter.add.f32 [tilespmem:s25], [sflag:$0x5], $0x80, s6, s24, $0xb8;
	[tilespmem:$0x1F480] =	vst v63  }
0x67: {  	_ =	swait.ge [sflag:s22], $0x3C00  }
0x68: {  	[sflag:s22] =	ssyncset.done $0x0  }
0x69: {  	[sflag:s22] =	ssyncadd.s32 $0xFFFFC400  }
0x6a: {  	_ =	swait.ge [sflag:s31], $0x180  }
0x6b: {  	[sflag:s31] =	ssyncset.done $0x0  }
0x6c: {  	[sflag:s31] =	ssyncadd.s32 $0xFFFFFE80  }
0x6d: {  	_ =	swait.ge [sflag:s31], $0x180  }
0x6e: {  	[sflag:s31] =	ssyncset.done $0x0  }
0x6f: {  	[sflag:s31] =	ssyncadd.s32 $0xFFFFFE80  }
0x70: {  	[tilespmem:s25], [sflag:$0x1] =	stream.indirect.gather [hbm4b:s4+s24], $0x80, s1, s24, $0xb8;
	[tilespmem:$0x1F480] =	vst v63  }
0x71: {  	_ =	swait.ge [sflag:s0], $0x3C00  }
0x72: {  	[sflag:s0] =	ssyncset.done $0x0  }
0x73: {  	s12 =	sor.u32 $0x480, s9;
	[sflag:s0] =	ssyncadd.s32 $0xFFFFC400  }
0x74: {  	[spmem:s2] =	stream.indirect.scatter.add.f32 [tilespmem:s28], [sflag:$0x5], $0x80, s12, s24, $0xb8;
	[tilespmem:$0x1F480] =	vst v63  }
0x75: {  	_ =	swait.ge [sflag:s22], $0x3C00  }
0x76: {  	[sflag:s22] =	ssyncset.done $0x0  }
0x77: {  	s1 =	sor.u32 $0x80, s1;
	[sflag:s22] =	ssyncadd.s32 $0xFFFFC400  }
0x78: {  	[tilespmem:s28], [sflag:$0x2] =	stream.indirect.gather [hbm4b:s4+s24], $0x80, s1, s24, $0xb8;
	[tilespmem:$0x1F480] =	vst v63  }
0x79: {  	_ =	swait.ge [sflag:s8], $0x3C00  }
0x7a: {  	s26 =	simm.s32 $0x200;
	[sflag:s8] =	ssyncset.done $0x0  }
0x7b: {  	s20 =	sor.u32 $0x500, s9;
	s9 =	simm.s32 $0x400;
	[sflag:s8] =	ssyncadd.s32 $0xFFFFC400  }
0x7c: {  	[spmem:s2] =	stream.indirect.scatter.add.f32 [tilespmem:s30], [sflag:$0x5], $0x80, s20, s24, $0xb8;
	[tilespmem:$0x1F480] =	vst v63  }
0x7d: {  	s11 =	sadd.s32 $0x40, s21;
	s12 =	simm.s32 $0x2;
	_ =	swait.ge [sflag:s22], $0x3C00  }
0x7e: {  	s1 =	simm.s32 $0x400;
	s20 =	smov.u32 s10;
	[sflag:s22] =	ssyncset.done $0x0  }
.LBB2_7:
0x7f: {  	s1 =	sand.u32 $0x200, s1  }
0x80: {  	[sflag:s22] =	ssyncadd.s32 $0xFFFFC400;
	s20 =	sadd.s32 $0x40, s20;
	s5 =	smov.u32 s9  }
0x81: {  	[tilespmem:s1], [sflag:$0x4] =	stream.linear.gather [hbm4b:s11+s3], $0x180, $0x38;
	[tilespmem:$0x1F480] =	vst v63  }
0x82: {  	p2 =	sne.s32 s9, $0x3400;
	s9 =	sadd.s32 $0x200, s9;
	s6 =	sor.u32 $0x400, s1  }
0x83: {  	[tilespmem:s6], [sflag:$0x4] =	stream.linear.gather [hbm4b:s20+s3], $0x180, $0x38;
	[tilespmem:$0x1F480] =	vst v63  }
0x84: {  	_ =	swait.ge [sflag:s29], $0x3C00  }
0x85: {  	s6 =	sand.u32 $0x200, s26;
	s26 =	smov.u32 s5;
	[sflag:s29] =	ssyncset.done $0x0  }
0x86: {  	s5 =	sor.u32 $0x100, s6;
	[sflag:s29] =	ssyncadd.s32 $0xFFFFC400  }
0x87: {  	[tilespmem:s30], [sflag:$0x3] =	stream.indirect.gather [hbm4b:s4+s24], $0x80, s5, s24, $0xb8;
	[tilespmem:$0x1F480] =	vst v63  }
0x88: {  	s5 =	sor.u32 $0x400, s6  }
0x89: {  	[spmem:s2] =	stream.indirect.scatter.add.f32 [tilespmem:s25], [sflag:$0x5], $0x80, s5, s24, $0xb8;
	[tilespmem:$0x1F480] =	vst v63  }
0x8a: {  	_ =	swait.ge [sflag:s22], $0x3C00  }
0x8b: {  	[sflag:s22] =	ssyncset.done $0x0  }
0x8c: {  	[sflag:s22] =	ssyncadd.s32 $0xFFFFC400  }
0x8d: {  	_ =	swait.ge [sflag:s31], $0x180  }
0x8e: {  	[sflag:s31] =	ssyncset.done $0x0  }
0x8f: {  	[sflag:s31] =	ssyncadd.s32 $0xFFFFFE80  }
0x90: {  	_ =	swait.ge [sflag:s31], $0x180  }
0x91: {  	[sflag:s31] =	ssyncset.done $0x0  }
0x92: {  	[sflag:s31] =	ssyncadd.s32 $0xFFFFFE80  }
0x93: {  	[tilespmem:s25], [sflag:$0x1] =	stream.indirect.gather [hbm4b:s4+s24], $0x80, s1, s24, $0xb8;
	[tilespmem:$0x1F480] =	vst v63  }
0x94: {  	_ =	swait.ge [sflag:s0], $0x3C00  }
0x95: {  	[sflag:s0] =	ssyncset.done $0x0  }
0x96: {  	s5 =	sor.u32 $0x480, s6;
	[sflag:s0] =	ssyncadd.s32 $0xFFFFC400  }
0x97: {  	[spmem:s2] =	stream.indirect.scatter.add.f32 [tilespmem:s28], [sflag:$0x5], $0x80, s5, s24, $0xb8;
	[tilespmem:$0x1F480] =	vst v63  }
0x98: {  	_ =	swait.ge [sflag:s22], $0x3C00  }
0x99: {  	[sflag:s22] =	ssyncset.done $0x0  }
0x9a: {  	s1 =	sor.u32 $0x80, s1;
	[sflag:s22] =	ssyncadd.s32 $0xFFFFC400  }
0x9b: {  	[tilespmem:s28], [sflag:$0x2] =	stream.indirect.gather [hbm4b:s4+s24], $0x80, s1, s24, $0xb8;
	[tilespmem:$0x1F480] =	vst v63  }
0x9c: {  	_ =	swait.ge [sflag:s8], $0x3C00  }
.Ltmp3:
0x9d: {  	[sflag:s8] =	ssyncset.done $0x0;
	(pc) =	sbr.rel @p2 .LBB2_7-.Ltmp3, $4  }
0x9e: {  	s1 =	sor.u32 $0x500, s6;
	[sflag:s8] =	ssyncadd.s32 $0xFFFFC400  }
0x9f: {  	[spmem:s2] =	stream.indirect.scatter.add.f32 [tilespmem:s30], [sflag:$0x5], $0x80, s1, s24, $0xb8;
	[tilespmem:$0x1F480] =	vst v63  }
0xa0: {  	s12 =	sadd.s32 $0x1, s12;
	_ =	swait.ge [sflag:s22], $0x3C00  }
0xa1: {  	s11 =	sadd.s32 $0x40, s11;
	s1 =	sshll.u32 s12, $0x9;
	[sflag:s22] =	ssyncset.done $0x0  }
0xa2: {  	s1 =	sand.u32 $0x200, s1;
	[sflag:s22] =	ssyncadd.s32 $0xFFFFC400  }
0xa3: {  	[tilespmem:s1], [sflag:$0x4] =	stream.linear.gather [hbm4b:s11+s3], $0x180, $0x38;
	[tilespmem:$0x1F480] =	vst v63  }
0xa4: {  	s5 =	sadd.s32 $0x40, s20;
	s6 =	sor.u32 $0x400, s1  }
0xa5: {  	[tilespmem:s6], [sflag:$0x4] =	stream.linear.gather [hbm4b:s5+s3], $0x180, $0x38;
	[tilespmem:$0x1F480] =	vst v63  }
0xa6: {  	_ =	swait.ge [sflag:s29], $0x3C00  }
0xa7: {  	s11 =	sand.u32 $0x200, s26;
	[sflag:s29] =	ssyncset.done $0x0  }
0xa8: {  	s12 =	sor.u32 $0x100, s11;
	[sflag:s29] =	ssyncadd.s32 $0xFFFFC400  }
0xa9: {  	[tilespmem:s30], [sflag:$0x3] =	stream.indirect.gather [hbm4b:s4+s24], $0x80, s12, s24, $0xb8;
	[tilespmem:$0x1F480] =	vst v63  }
0xaa: {  	s20 =	sor.u32 $0x400, s11  }
0xab: {  	[spmem:s2] =	stream.indirect.scatter.add.f32 [tilespmem:s25], [sflag:$0x5], $0x80, s20, s24, $0xb8;
	[tilespmem:$0x1F480] =	vst v63  }
0xac: {  	_ =	swait.ge [sflag:s22], $0x3C00  }
0xad: {  	[sflag:s22] =	ssyncset.done $0x0  }
0xae: {  	[sflag:s22] =	ssyncadd.s32 $0xFFFFC400  }
0xaf: {  	_ =	swait.ge [sflag:s31], $0x180  }
0xb0: {  	[sflag:s31] =	ssyncset.done $0x0  }
0xb1: {  	[sflag:s31] =	ssyncadd.s32 $0xFFFFFE80  }
0xb2: {  	_ =	swait.ge [sflag:s31], $0x180  }
0xb3: {  	[sflag:s31] =	ssyncset.done $0x0  }
0xb4: {  	[sflag:s31] =	ssyncadd.s32 $0xFFFFFE80  }
0xb5: {  	[tilespmem:s25], [sflag:$0x1] =	stream.indirect.gather [hbm4b:s4+s24], $0x80, s1, s24, $0xb8;
	[tilespmem:$0x1F480] =	vst v63  }
0xb6: {  	_ =	swait.ge [sflag:s0], $0x3C00  }
0xb7: {  	[sflag:s0] =	ssyncset.done $0x0  }
0xb8: {  	s26 =	sor.u32 $0x480, s11;
	[sflag:s0] =	ssyncadd.s32 $0xFFFFC400  }
0xb9: {  	[spmem:s2] =	stream.indirect.scatter.add.f32 [tilespmem:s28], [sflag:$0x5], $0x80, s26, s24, $0xb8;
	[tilespmem:$0x1F480] =	vst v63  }
0xba: {  	_ =	swait.ge [sflag:s22], $0x3C00  }
0xbb: {  	[sflag:s22] =	ssyncset.done $0x0  }
0xbc: {  	s1 =	sor.u32 $0x80, s1;
	[sflag:s22] =	ssyncadd.s32 $0xFFFFC400  }
0xbd: {  	[tilespmem:s28], [sflag:$0x2] =	stream.indirect.gather [hbm4b:s4+s24], $0x80, s1, s24, $0xb8;
	[tilespmem:$0x1F480] =	vst v63  }
0xbe: {  	_ =	swait.ge [sflag:s8], $0x3C00  }
0xbf: {  	[sflag:s8] =	ssyncset.done $0x0  }
0xc0: {  	s9 =	sor.u32 $0x500, s11;
	[sflag:s8] =	ssyncadd.s32 $0xFFFFC400  }
0xc1: {  	[spmem:s2] =	stream.indirect.scatter.add.f32 [tilespmem:s30], [sflag:$0x5], $0x80, s9, s24, $0xb8;
	[tilespmem:$0x1F480] =	vst v63  }
0xc2: {  	_ =	swait.ge [sflag:s22], $0x3C00  }
0xc3: {  	[sflag:s22] =	ssyncset.done $0x0  }
0xc4: {  	[sflag:s22] =	ssyncadd.s32 $0xFFFFC400  }
0xc5: {  	_ =	swait.ge [sflag:s29], $0x3C00  }
0xc6: {  	[sflag:s29] =	ssyncset.done $0x0  }
0xc7: {  	s11 =	simm.s32 $0x300;
	[sflag:s29] =	ssyncadd.s32 $0xFFFFC400  }
0xc8: {  	[tilespmem:s30], [sflag:$0x3] =	stream.indirect.gather [hbm4b:s4+s24], $0x80, s11, s24, $0xb8;
	[tilespmem:$0x1F480] =	vst v63  }
0xc9: {  	s12 =	simm.s32 $0x600  }
0xca: {  	[spmem:s2] =	stream.indirect.scatter.add.f32 [tilespmem:s25], [sflag:$0x5], $0x80, s12, s24, $0xb8;
	[tilespmem:$0x1F480] =	vst v63  }
0xcb: {  	_ =	swait.ge [sflag:s22], $0x3C00  }
0xcc: {  	[sflag:s22] =	ssyncset.done $0x0  }
0xcd: {  	[sflag:s22] =	ssyncadd.s32 $0xFFFFC400  }
0xce: {  	_ =	swait.ge [sflag:s0], $0x3C00  }
0xcf: {  	[sflag:s0] =	ssyncset.done $0x0  }
0xd0: {  	s20 =	simm.s32 $0x680;
	[sflag:s0] =	ssyncadd.s32 $0xFFFFC400  }
0xd1: {  	[spmem:s2] =	stream.indirect.scatter.add.f32 [tilespmem:s28], [sflag:$0x5], $0x80, s20, s24, $0xb8;
	[tilespmem:$0x1F480] =	vst v63  }
0xd2: {  	_ =	swait.ge [sflag:s22], $0x3C00  }
0xd3: {  	[sflag:s22] =	ssyncset.done $0x0  }
0xd4: {  	[sflag:s22] =	ssyncadd.s32 $0xFFFFC400  }
0xd5: {  	_ =	swait.ge [sflag:s8], $0x3C00  }
0xd6: {  	[sflag:s8] =	ssyncset.done $0x0  }
0xd7: {  	s26 =	simm.s32 $0x700;
	[sflag:s8] =	ssyncadd.s32 $0xFFFFC400  }
0xd8: {  	[spmem:s2] =	stream.indirect.scatter.add.f32 [tilespmem:s30], [sflag:$0x5], $0x80, s26, s24, $0xb8;
	[tilespmem:$0x1F480] =	vst v63  }
0xd9: {  	_ =	swait.ge [sflag:s22], $0x3C00  }
0xda: {  	[sflag:s22] =	ssyncset.done $0x0  }
0xdb: {  	[sflag:s22] =	ssyncadd.s32 $0xFFFFC400  }
0xdc: {  	s1 =	simm.s32 @p1 $0x1FC5;
	[bflag:$0x0] =	sbarrier.arrive $0xFFFF  }
0xdd: {  	[hbm:s18], [sflag:s1] =	dma.local @p1 [spmem:s23], $0x2800  }
0xde: {  	s1 =	simm.s32 @p1 $0x5  }
0xdf: {  	s13 =	sadd.s32 $0x1, s13;
	_ =	swait.ge @p1 [sflag:s1], $0x2800  }
0xe0: {  	p2 =	sne.s32 s13, s19;
	[sflag:s1] =	ssyncset.done @p1 $0x0  }
.Ltmp4:
0xe1: {  	[sflag:s1] =	ssyncadd.s32 @p1 $0xFFFFD800;
	s1 =	simm.s32 @!p1 $0x5;
	(pc) =	sbr.rel @p2 .LBB2_1-.Ltmp4, $4  }
0xe2: {  	[hbm:s17], [sflag:s16] =	dma.local @!p1 [spmem:s14], $0x2700  }
0xe3: {  	_ =	swait.ge @!p1 [sflag:s1], $0x2700  }
0xe4: {  	[sflag:s1] =	ssyncset.done @!p1 $0x0  }
0xe5: {  	[sflag:s1] =	ssyncadd.s32 @!p1 $0xFFFFD900  }
0xe6: {  	_ =	sfence.sel $0x180000  }
0xe7: {  	[bflag:$0x0] =	sbarrier.arrive $0xFFFF  }
0xe8: {  	_ =	strace $0x9000004D  }
0xe9: {  	s0 =	stileid.u32;
	[bflag:$0x2] =	sbarrier.arrive $0xFFFF  }
0xea: {  	p0 =	sne.s32 s0, $0x0;
	s0 =	rddreg [dreg:$0x3]  }
0xeb: {  	s0 =	sadd.s32 @!p0 $0x100000, s0  }
0xec: {  	[sflag:s0] =	ssyncadd.tile.s32 @!p0 $0x1;
	_ =	shalt  }
.Lfunc_end2:
_tile_overlayer_lowered:
.L_overlay_start_2:
0xed: {  	(tag) =	ssettag $0x2  }
0xee: {  	s0 =	rddreg [dreg:$0x0];
	s2 =	stileid.u32  }
0xef: {  	s1 =	rddreg [dreg:$0x1];
	p0 =	sne.s32 s2, $0x0  }
0xf0: {  	s3 =	rddreg [dreg:$0x2];
	[bflag:$0x3] =	sbarrier.arrive $0xFFFF;
	s2 =	simm.s32 @!p0 $0x1C05  }
0xf1: {  	[timem:s3], [sflag:s2] =	dma.local @!p0 [hbm:s0], s1  }
0xf2: {  	s0 =	simm.s32 @!p0 $0x5  }
0xf3: {  	_ =	swait.ge @!p0 [sflag:s0], s1  }
0xf4: {  	s1 =	ssub.s32 @!p0 $0x0, s1;
	[sflag:s0] =	ssyncset.done @!p0 $0x0  }
0xf5: {  	[sflag:s0] =	ssyncadd.s32 @!p0 s1  }
0xf6: {  	[bflag:$0x3] =	sbarrier.arrive $0xFFFF  }
0xf7: {  	_ =	shalt  }

// kernel: kernel.9.cloned.1.call-start
scs
__scs_entry_jumppad:
0x0: {  	(pc) =	sbr.rel $0x88, $3  }
0x1: {  	(tag) =	ssettag $0x0;
	lr =	simm.s32 $0x1  }
0x2: {  	[smem:$0x3F97] =	sst lr;
	_ =	strace $0xD0000000  }
0x3: {  	_ = 	snop  }
0x4: {  	_ = 	snop  }
0x5: {  	_ = 	snop  }
0x6: {  	_ = 	snop  }
0x7: {  	_ = 	snop  }
__scs_overlays_trampoline_lowered:
0x8: {  	[smem:$0x3FA6] =	sst s0  }
0x9: {  	[smem:$0x3FA7] =	sst s1  }
0xa: {  	[smem:$0x3FA8] =	sst s2  }
0xb: {  	[smem:$0x3FA9] =	sst s3  }
0xc: {  	[smem:$0x3FAA] =	sst s4  }
0xd: {  	[smem:$0x3FAB] =	sst s5  }
0xe: {  	[smem:$0x3FAC] =	sst s6  }
0xf: {  	[smem:$0x3FAD] =	sst s7  }
0x10: {  	[smem:$0x3FAE] =	sst s8  }
0x11: {  	[smem:$0x3FAF] =	sst s9;
	s0 =	simm.s32 @!p0 $0x0  }
0x12: {  	s1 =	sld [smem:$0x3F95];
	s0 =	simm.s32 @p0 $0x1  }
0x13: {  	[smem:$0x3FB0] =	sst s0;
	s0 =	simm.s32 @!p1 $0x0  }
0x14: {  	s2 =	sld [smem:$0x3F94];
	s0 =	simm.s32 @p1 $0x1  }
0x15: {  	[smem:$0x3FB1] =	sst s0;
	s0 =	simm.s32 @!p2 $0x0  }
0x16: {  	s3 =	sld [smem:$0x3FDB];
	s0 =	simm.s32 @p2 $0x1  }
0x17: {  	s4 =	simm.s32 $0x1BF5;
	[smem:$0x3FB3] =	sst s0  }
0x18: {  	s0 =	sld [smem:$0x3F96];
	_ =	swait.ge [sflag:s4], $0x0  }
0x19: {  	s7 =	sld [smem:$0x3F97]  }
0x1a: {  	s8 =	sadd.s32 $0xFFFFE003, lr  }
0x1b: {  	s9 =	sadd.s32 $0xFFFFFEF7, lr;
	s5 =	simm.s32 $0xFFFFFFFF;
	p2 =	slt.u32 s8, $0xFFFFF086  }
0x1c: {  	p1 =	slt.u32 s9, $0xF7A;
	s5 =	simm.s32 @!p2 $0x0  }
0x1d: {  	s5 =	simm.s32 @p1 $0x1;
	p0 =	seq.s32 s7, s2  }
0x1e: {  	s7 =	smul.u32 @!p0 $0xF7A, s2;
	p2 =	seq.s32 @!p0 s5, $0x0  }
0x1f: {  	s9 =	smul.u32 $0xF7A, s1;
	s8 =	simm.s32 @!p0 $0x1BF5;
	p2 =	por !p2, p0  }
0x20: {  	[sflag:s8] =	ssyncset.s32 @!p0 $0xFFFFF086;
	s6 =	sadd.s32 @!p0 s3, s7;
	s7 =	simm.s32 @!p0 $0x108  }
0x21: {  	s3 =	sadd.s32 s3, s9;
	s6 =	sadd.s32 @!p0 $0x88, s6;
	s7 =	simm.s32 @p2 $0x1082  }
0x22: {  	[simem:s7], [sflag:s8] =	dma.local @!p0 [hbm:s6], $0xF7A  }
0x23: {  	s9 =	sor.u32 $0xD0000000, s2;
	s6 =	simm.s32 $0x108;
	_ =	swait.ge @!p0 [sflag:s8], $0x0  }
0x24: {  	s3 =	sadd.s32 $0x88, s3;
	s6 =	simm.s32 @!p1 $0x1082;
	[sflag:s4] =	ssyncset.s32 $0xFFFFF086  }
0x25: {  	[simem:s6], [sflag:s4] =	dma.local [hbm:s3], $0xF7A  }
0x26: {  	[smem:$0x3F97] =	sst s1;
	(tag) =	ssettag s2;
	_ =	strace s9  }
0x27: {  	s1 =	sld [smem:$0x3FA7]  }
0x28: {  	s2 =	sld [smem:$0x3FA8]  }
0x29: {  	s4 =	sld [smem:$0x3FAA]  }
0x2a: {  	p0 =	seq.s32 s5, $0x0;
	s5 =	sld [smem:$0x3FAB]  }
0x2b: {  	s6 =	sld [smem:$0x3FAC]  }
0x2c: {  	s7 =	sld [smem:$0x3FAD]  }
0x2d: {  	s3 =	simm.s32 $0x108;
	s8 =	sld [smem:$0x3FAE]  }
0x2e: {  	s3 =	simm.s32 @!p0 $0x1082;
	s9 =	sld [smem:$0x3FAF]  }
0x2f: {  	lr =	sadd.s32 s0, s3;
	s0 =	sld [smem:$0x3FA6]  }
0x30: {  	s3 =	sld [smem:$0x3FA9]  }
0x31: {  	[smem:$0x3FB2] =	sst s10  }
0x32: {  	s10 =	sld [smem:$0x3FB0];
	_ =	sdelay $0x3  }
0x33: {  	p0 =	seq.s32 s10, $0x1;
	s10 =	sld [smem:$0x3FB2];
	_ =	sdelay $0x3  }
0x34: {  	[smem:$0x3FB2] =	sst s10  }
0x35: {  	s10 =	sld [smem:$0x3FB1];
	_ =	sdelay $0x3  }
0x36: {  	p1 =	seq.s32 s10, $0x1;
	s10 =	sld [smem:$0x3FB2];
	_ =	sdelay $0x3  }
0x37: {  	[smem:$0x3FB2] =	sst s10  }
0x38: {  	s10 =	sld [smem:$0x3FB3]  }
0x39: {  	_ = 	snop;
	(pc) =	sbr.ind lr, $3  }
0x3a: {  	_ = 	snop  }
0x3b: {  	_ = 	snop  }
0x3c: {  	p2 =	seq.s32 s10, $0x1;
	s10 =	sld [smem:$0x3FB2]  }
0x3d: {  	_ =	shalt  }
0x3e: {  	_ =	shalt  }
0x3f: {  	_ =	shalt  }
0x40: {  	_ =	shalt  }
0x41: {  	_ =	shalt  }
0x42: {  	_ =	shalt  }
0x43: {  	_ =	shalt  }
0x44: {  	_ =	shalt  }
0x45: {  	_ =	shalt  }
0x46: {  	_ =	shalt  }
0x47: {  	_ =	shalt  }
0x48: {  	_ =	shalt  }
0x49: {  	_ =	shalt  }
0x4a: {  	_ =	shalt  }
0x4b: {  	_ =	shalt  }
0x4c: {  	_ =	shalt  }
0x4d: {  	_ =	shalt  }
0x4e: {  	_ =	shalt  }
0x4f: {  	_ =	shalt  }
0x50: {  	_ =	shalt  }
0x51: {  	_ =	shalt  }
0x52: {  	_ =	shalt  }
0x53: {  	_ =	shalt  }
0x54: {  	_ =	shalt  }
0x55: {  	_ =	shalt  }
0x56: {  	_ =	shalt  }
0x57: {  	_ =	shalt  }
0x58: {  	_ =	shalt  }
0x59: {  	_ =	shalt  }
0x5a: {  	_ =	shalt  }
0x5b: {  	_ =	shalt  }
0x5c: {  	_ =	shalt  }
0x5d: {  	_ =	shalt  }
0x5e: {  	_ =	shalt  }
0x5f: {  	_ =	shalt  }
0x60: {  	_ =	shalt  }
0x61: {  	_ =	shalt  }
0x62: {  	_ =	shalt  }
0x63: {  	_ =	shalt  }
0x64: {  	_ =	shalt  }
0x65: {  	_ =	shalt  }
0x66: {  	_ =	shalt  }
0x67: {  	_ =	shalt  }
0x68: {  	_ =	shalt  }
0x69: {  	_ =	shalt  }
0x6a: {  	_ =	shalt  }
0x6b: {  	_ =	shalt  }
0x6c: {  	_ =	shalt  }
0x6d: {  	_ =	shalt  }
0x6e: {  	_ =	shalt  }
0x6f: {  	_ =	shalt  }
0x70: {  	_ =	shalt  }
0x71: {  	_ =	shalt  }
0x72: {  	_ =	shalt  }
0x73: {  	_ =	shalt  }
0x74: {  	_ =	shalt  }
0x75: {  	_ =	shalt  }
0x76: {  	_ =	shalt  }
0x77: {  	_ =	shalt  }
0x78: {  	_ =	shalt  }
0x79: {  	_ =	shalt  }
0x7a: {  	_ =	shalt  }
0x7b: {  	_ =	shalt  }
0x7c: {  	_ =	shalt  }
0x7d: {  	_ =	shalt  }
0x7e: {  	_ =	shalt  }
0x7f: {  	_ =	shalt  }
0x80: {  	_ =	shalt  }
0x81: {  	_ =	shalt  }
0x82: {  	_ =	shalt  }
0x83: {  	_ =	shalt  }
0x84: {  	_ =	shalt  }
0x85: {  	_ =	shalt  }
0x86: {  	_ =	shalt  }
0x87: {  	_ =	shalt  }
.Lfunc_end0:
.L_simem_size_0:
called_computation_lowered:
.L_overlay_start_0:
0x88: {  	s2 =	sld [smem:$0x3FD9]  }
0x89: {  	s3 =	sld [smem:$0x3FFE];
	_ =	sdelay $0x1  }
0x8a: {  	s1 =	srdreg.scid  }
0x8b: {  	s0 =	sand.u32 $0x1, s1  }
0x8c: {  	s16 =	sshll.u32 s0, $0xA;
	s2 =	sadd.s32 s3, s2  }
0x8d: {  	s2 =	sadd.s32 s2, s16  }
0x8e: {  	[smem:$0x3FBE] =	sst s2  }
0x8f: {  	_ = 	snop  }
0x90: {  	(tm) =	ssettm $0x1  }
0x91: {  	s17 =	sld [smem:$0x3FFB];
	_ =	sdelay $0x3  }
0x92: {  	_ =	strace s17  }
0x93: {  	s2 =	sld [smem:$0x3FFC];
	_ =	sdelay $0x3  }
0x94: {  	_ =	strace s2  }
0x95: {  	s2 =	sld [smem:$0x3FFD];
	_ =	sdelay $0x3  }
0x96: {  	_ =	strace s2  }
0x97: {  	_ =	strace $0x8FFFFFFF  }
0x98: {  	s18 =	sld [smem:$0x3FDB];
	_ =	sdelay $0x1  }
0x99: {  	s19 =	simm.s32 $_scs_section_size  }
0x9a: {  	s4 =	simm.s32 $_size__tile_overlayer_lowered;
	s5 =	simm.s32 $_tile_overlayer_lowered  }
0x9b: {  	s22 =	simm.s32 $0x1BFF;
	s21 =	sshll.u32 s5, $0x1;
	s2 =	sadd.s32 s19, s18  }
0x9c: {  	s6 =	simm.s32 $0x0;
	s20 =	sshll.u32 s4, $0x1;
	s4 =	sadd.s32 s21, s2  }
0x9d: {  	[timem:s6], [sflag:s22] =	dma.local [hbm:s4], s20  }
0x9e: {  	_ =	swait.ge [sflag:s22], s20  }
0x9f: {  	s3 =	ssub.s32 $0x0, s20;
	[sflag:s22] =	ssyncset.done $0x0  }
0xa0: {  	[sflag:s22] =	ssyncadd.s32 s3;
	_ =	sdelay $0x1  }
0xa1: {  	s23 =	simm.s32 $0x1B8B  }
0xa2: {  	_ =	swait.ge [sflag:s23], $0x1  }
0xa3: {  	[sflag:s23] =	ssyncset.done $0x0  }
0xa4: {  	s25 =	simm.s32 $0x1B8E;
	s24 =	sld [smem:$0x3FFE];
	[sflag:s23] =	ssyncadd.s32 $0xFFFFFFFF  }
0xa5: {  	s26 =	simm.s32 $execute0_lowered;
	[smem:$0x3FD2] =	sst s25  }
0xa6: {  	s4 =	sshll.u32 s26, $0x1;
	_ =	strace $0x80000046;
	[dreg:$0x1] =	wrdreg $0xFFFFFFFF  }
0xa7: {  	s28 =	simm.s32 $_size_execute0_lowered;
	s2 =	sadd.s32 s2, s4;
	[dreg:$0x0] =	wrdreg $0x0  }
0xa8: {  	s4 =	sshll.u32 s28, $0x1;
	[dreg:$0x2] =	wrdreg s2  }
0xa9: {  	[dreg:$0x3] =	wrdreg s4  }
0xaa: {  	[dreg:$0x4] =	wrdreg $0xC0  }
0xab: {  	_ =	task [dreg:s6], $0x5FFFF  }
0xac: {  	[dreg:$0x1] =	wrdreg $0xFFFFFFFF  }
0xad: {  	[dreg:$0x0] =	wrdreg $0x60  }
0xae: {  	[dreg:$0x2] =	wrdreg s24  }
0xaf: {  	[dreg:$0x3] =	wrdreg $0x2B000  }
0xb0: {  	[dreg:$0x4] =	wrdreg $0x9  }
0xb1: {  	_ =	task.clear_ibuf [dreg:s6], $0x5FFFF;
	_ =	strace $0x90000046  }
0xb2: {  	s29 =	simm.s32 $0x9;
	_ =	strace $0x80000048  }
0xb3: {  	_ =	swait.ge [sflag:s29], $0x1  }
0xb4: {  	[sflag:s29] =	ssyncadd.s32 $0xFFFFFFFF  }
0xb5: {  	_ =	strace $0x90000048  }
0xb6: {  	_ =	sfence  }
0xb7: {  	s30 =	sld [smem:$0x0];
	_ =	sdelay $0x2  }
0xb8: {  	s31 =	sshll.u32 s1, $0xD;
	s1 =	sshrl.u32 s1, $0x2  }
0xb9: {  	s3 =	sand.u32 $0x4000, s31;
	s1 =	sadd.s32 s1, s30  }
0xba: {  	s0 =	sor.u32 s3, s0;
	s1 =	sshll.u32 s1, $0x11  }
0xbb: {  	s0 =	sor.u32 s1, s0  }
0xbc: {  	s0 =	sadd.s32 $0x8F2B, s0  }
0xbd: {  	[sflag:s0] =	ssyncadd.remote.s32 $0x1  }
0xbe: {  	_ =	sfence.sel $0xFFFF  }
0xbf: {  	[dreg:$0x0] =	wrdreg $0xFFFFFFFF;
	(pc) =	sbr.abs _section_cstart, $3  }
0xc0: {  	[dreg:$0x1] =	wrdreg $0xFFFFFFFF  }
0xc1: {  	_ =	task.clear_ibuf [dreg:s6], $0x2FFFF;
	_ =	strace $0x9FFFFFFF  }
0xc2: {  	(tm) =	ssettm $0x7FFFFFFF  }
0xc3: {  	_ =	shalt  }
tec
execute0_lowered:
.L_overlay_start_1:
0x0: {  	(tag) =	ssettag $0x1  }
0x1: {  	s7 =	rddreg [dreg:$0x0];
	s1 =	srdreg.scid  }
0x2: {  	s0 =	stileid.u32;
	s2 =	rddreg [dreg:$0x1]  }
0x3: {  	s3 =	simm.s32 $0x0;
	s10 =	simm.s32 $0x80;
	s11 =	simm.s32 $0x2800  }
0x4: {  	s12 =	simm.s32 $0x0;
	s4 =	sand.u32 $0x1, s1;
	s5 =	sshll.u32 s0, $0x1  }
0x5: {  	s1 =	rddreg [dreg:$0x2];
	s9 =	smul.u32 $0x278, s0;
	s5 =	sor.u32 s4, s5  }
0x6: {  	[smem:$0x7FF] =	sst s3;
	s6 =	ssub.s32 $0x2, s4;
	s5 =	smul.u32 $0x500, s5  }
0x7: {  	_ =	strace $0x80000047;
	p0 =	seq.s32 s4, $0x0;
	s8 =	sshrl.u32 s6, $0x1  }
0x8: {  	s6 =	ssub.s32 s6, s8;
	s8 =	simm.s32 $0xDA00;
	s5 =	sadd.s32 s5, s7  }
0x9: {  	s8 =	simm.s32 @!p0 $0xE000;
	s6 =	smax.u32 s6, $0x1;
	s4 =	sadd.s32 $0x3A00, s5  }
0xa: {  	s5 =	sadd.s32 s9, s2;
	s9 =	sshrl.u32 s9, $0x3;
	s7 =	sadd.s32 s8, s7  }
0xb: {  	v0 =	vimm.f32 $1.000000000e+00;
	v1 =	vimm.f32 $0.0e+00;
	s8 =	simm.s32 $0x1;
	s7 =	sadd.s32 s7, s9;
	s9 =	simm.s32 $0x2880  }
.LBB2_1:
0xc: {  	[tilespmem:s3], [sflag:$0x1] =	stream.linear.gather [hbm4b:s4+s3], $0x2800, $0x38;
	[tilespmem:$0x2D78] =	vst v63  }
0xd: {  	_ =	swait.ge [sflag:s8], $0x2800  }
0xe: {  	[sflag:s8] =	ssyncset.done $0x0  }
0xf: {  	[sflag:s8] =	ssyncadd.s32 $0xFFFFD800  }
0x10: {  	[tilespmem:$0x2800] =	vst v0  }
0x11: {  	[tilespmem:$0x2810] =	vst v0  }
0x12: {  	[tilespmem:$0x2820] =	vst v0  }
0x13: {  	[tilespmem:$0x2830] =	vst v0  }
0x14: {  	[tilespmem:$0x2840] =	vst v0  }
0x15: {  	[tilespmem:$0x2850] =	vst v0  }
0x16: {  	[tilespmem:$0x2860] =	vst v0  }
0x17: {  	[tilespmem:$0x2870] =	vst v0  }
0x18: {  	[tilespmem:$0x2880] =	vst v1  }
0x19: {  	[tilespmem:$0x2890] =	vst v1  }
0x1a: {  	[tilespmem:$0x28A0] =	vst v1  }
0x1b: {  	[tilespmem:$0x28B0] =	vst v1  }
0x1c: {  	[tilespmem:$0x28C0] =	vst v1  }
0x1d: {  	[tilespmem:$0x28D0] =	vst v1  }
0x1e: {  	[tilespmem:$0x28E0] =	vst v1  }
0x1f: {  	[tilespmem:$0x28F0] =	vst v1  }
0x20: {  	[tilespmem:$0x2900] =	vst v1  }
0x21: {  	[tilespmem:$0x2910] =	vst v1  }
0x22: {  	[tilespmem:$0x2920] =	vst v1  }
0x23: {  	[tilespmem:$0x2930] =	vst v1  }
0x24: {  	[tilespmem:$0x2940] =	vst v1  }
0x25: {  	[tilespmem:$0x2950] =	vst v1  }
0x26: {  	[tilespmem:$0x2960] =	vst v1  }
0x27: {  	[tilespmem:$0x2970] =	vst v1  }
0x28: {  	[tilespmem:$0x2980] =	vst v1  }
0x29: {  	[tilespmem:$0x2990] =	vst v1  }
0x2a: {  	[tilespmem:$0x29A0] =	vst v1  }
0x2b: {  	[tilespmem:$0x29B0] =	vst v1  }
0x2c: {  	[tilespmem:$0x29C0] =	vst v1  }
0x2d: {  	[tilespmem:$0x29D0] =	vst v1  }
0x2e: {  	[tilespmem:$0x29E0] =	vst v1  }
0x2f: {  	[tilespmem:$0x29F0] =	vst v1  }
0x30: {  	[tilespmem:$0x2A00] =	vst v1  }
0x31: {  	[tilespmem:$0x2A10] =	vst v1  }
0x32: {  	[tilespmem:$0x2A20] =	vst v1  }
0x33: {  	[tilespmem:$0x2A30] =	vst v1  }
0x34: {  	[tilespmem:$0x2A40] =	vst v1  }
0x35: {  	[tilespmem:$0x2A50] =	vst v1  }
0x36: {  	[tilespmem:$0x2A60] =	vst v1  }
0x37: {  	[tilespmem:$0x2A70] =	vst v1  }
0x38: {  	[tilespmem:$0x2A80] =	vst v1  }
0x39: {  	[tilespmem:$0x2A90] =	vst v1  }
0x3a: {  	[tilespmem:$0x2AA0] =	vst v1  }
0x3b: {  	[tilespmem:$0x2AB0] =	vst v1  }
0x3c: {  	[tilespmem:$0x2AC0] =	vst v1  }
0x3d: {  	[tilespmem:$0x2AD0] =	vst v1  }
0x3e: {  	[tilespmem:$0x2AE0] =	vst v1  }
0x3f: {  	[tilespmem:$0x2AF0] =	vst v1  }
0x40: {  	[spmem:s5] =	stream.linear.scatter [tilespmem:s9], [sflag:$0x1], $0x278, $0x38;
	[tilespmem:$0x2D78] =	vst v63  }
0x41: {  	_ =	swait.ge [sflag:s8], $0x278  }
0x42: {  	[sflag:s8] =	ssyncset.done $0x0  }
0x43: {  	[sflag:s8] =	ssyncadd.s32 $0xFFFFFD88  }
0x44: {  	s13 =	simm.s32 $0x0;
	[bflag:$0x0] =	sbarrier.arrive $0xFFFF  }
0x45: {  	[spmem:s2] =	stream.indirect.scatter.add.f32 [tilespmem:s11], [sflag:$0x1], $0x1, s13, s10, $0xb8;
	[tilespmem:$0x2D78] =	vst v63  }
0x46: {  	_ =	swait.ge [sflag:s8], $0x80  }
0x47: {  	s13 =	simm.s32 $0x200;
	[sflag:s8] =	ssyncset.done $0x0  }
.LBB2_2:
0x48: {  	s14 =	sshra.s32 s13, $0x2;
	[sflag:s8] =	ssyncadd.s32 $0xFFFFFF80;
	p0 =	sne.s32 s13, $0x9E00  }
0x49: {  	[spmem:s2] =	stream.indirect.scatter.add.f32 [tilespmem:s11], [sflag:$0x1], $0x1, s14, s10, $0xb8;
	[tilespmem:$0x2D78] =	vst v63  }
.Ltmp0:
0x4a: {  	_ = 	snop;
	(pc) =	sbr.rel @p0 .LBB2_2-.Ltmp0, $4  }
0x4b: {  	_ = 	snop  }
0x4c: {  	s13 =	sadd.s32 $0x200, s13  }
0x4d: {  	_ =	swait.ge [sflag:s8], $0x80  }
0x4e: {  	[sflag:s8] =	ssyncset.done $0x0  }
0x4f: {  	[sflag:s8] =	ssyncadd.s32 $0xFFFFFF80  }
0x50: {  	[bflag:$0x0] =	sbarrier.arrive $0xFFFF  }
0x51: {  	[tilespmem:s9], [sflag:$0x1] =	stream.linear.gather [spmem:s5], $0x278, $0x38;
	[tilespmem:$0x2D78] =	vst v63  }
0x52: {  	s12 =	sadd.s32 $0x1, s12;
	_ =	swait.ge [sflag:s8], $0x278  }
0x53: {  	p0 =	sne.s32 s12, s6;
	[sflag:s8] =	ssyncset.done $0x0  }
.Ltmp1:
0x54: {  	[sflag:s8] =	ssyncadd.s32 $0xFFFFFD88;
	(pc) =	sbr.rel @p0 .LBB2_1-.Ltmp1, $4  }
0x55: {  	[hbm4b:s7+s3] =	stream.linear.scatter [tilespmem:s9], [sflag:$0x1], $0x278, $0x38;
	[tilespmem:$0x2D78] =	vst v63  }
0x56: {  	_ =	swait.ge [sflag:s8], $0x278  }
0x57: {  	[sflag:s8] =	ssyncset.done $0x0  }
0x58: {  	[sflag:s8] =	ssyncadd.s32 $0xFFFFFD88  }
0x59: {  	_ =	sfence.sel $0x180000  }
0x5a: {  	[bflag:$0x0] =	sbarrier.arrive $0xFFFF  }
0x5b: {  	p0 =	sne.s32 s0, $0x0;
	_ =	strace $0x90000047  }
0x5c: {  	s0 =	sadd.s32 @!p0 $0x100000, s1;
	[bflag:$0x2] =	sbarrier.arrive $0xFFFF  }
0x5d: {  	[sflag:s0] =	ssyncadd.tile.s32 @!p0 $0x1;
	_ =	shalt  }
.Lfunc_end2:
_tile_overlayer_lowered:
.L_overlay_start_2:
0x5e: {  	(tag) =	ssettag $0x2  }
0x5f: {  	s0 =	rddreg [dreg:$0x0];
	s2 =	stileid.u32  }
0x60: {  	s1 =	rddreg [dreg:$0x1];
	p0 =	sne.s32 s2, $0x0  }
0x61: {  	s3 =	rddreg [dreg:$0x2];
	[bflag:$0x3] =	sbarrier.arrive $0xFFFF;
	s2 =	simm.s32 @!p0 $0x1C01  }
0x62: {  	[timem:s3], [sflag:s2] =	dma.local @!p0 [hbm:s0], s1  }
0x63: {  	s0 =	simm.s32 @!p0 $0x1  }
0x64: {  	_ =	swait.ge @!p0 [sflag:s0], s1  }
0x65: {  	s1 =	ssub.s32 @!p0 $0x0, s1;
	[sflag:s0] =	ssyncset.done @!p0 $0x0  }
0x66: {  	[sflag:s0] =	ssyncadd.s32 @!p0 s1  }
0x67: {  	[bflag:$0x3] =	sbarrier.arrive $0xFFFF  }
0x68: {  	_ =	shalt  }

</sc_bundles>
